<compile_context>
chip_gen: v7x
topology: tpu7x:2x2x1
jax: 0.10.2.dev20260603
libtpu: 0.0.44.dev20260713+nightly
codegen_flags: <defaults>
</compile_context>

<pallas_src>
import functools

import jax
import jax.numpy as jnp
from jax import lax
from jax.experimental import pallas as pl
from jax.experimental.pallas import tpu as pltpu
from jax.experimental.pallas import tpu_sc as plsc

N = 10000
E = 320000
F = 128
H = 256
G = 64
L = 16

NC = 2
NS = 16
NW = NC * NS
CHUNK = 128
NCHUNKS = E // CHUNK
CPT = 80
CPT_LAST = NCHUNKS - (NW - 1) * CPT
NP = 10240
ROWS_PER_SUB = NP // NS

_mesh = plsc.VectorSubcoreMesh(core_axis_name="c", subcore_axis_name="s")
_sc_params = pltpu.CompilerParams(use_tc_tiling_on_sc=False)

_f32 = jnp.float32


def _copy_my_chunks(src2_hbm, dst_v, wid):
    r0 = wid * CPT

    @pl.when(wid < NW - 1)
    def _():
        pltpu.sync_copy(src2_hbm.at[pl.ds(r0, CPT)], dst_v.at[pl.ds(0, CPT)])

    @pl.when(wid == NW - 1)
    def _():
        pltpu.sync_copy(src2_hbm.at[pl.ds((NW - 1) * CPT, CPT_LAST)],
                        dst_v.at[pl.ds(0, CPT_LAST)])


def _my_num_chunks(wid):
    return jnp.where(wid < NW - 1, CPT, CPT_LAST)


@functools.partial(
    pl.kernel,
    out_type=jax.ShapeDtypeStruct((NC, N, L), _f32),
    mesh=_mesh,
    scratch_types=[
        pltpu.VMEM((CPT, CHUNK), jnp.int32),
        pltpu.VMEM((CHUNK, L), _f32),
        pltpu.VMEM_SHARED((N, L), _f32),
        pltpu.SemaphoreType.DMA,
    ],
    compiler_params=_sc_params,
)
def _deg_kernel(dst2_hbm, zeros_hbm, ones_hbm, out, dst_idx, ones_v, acc, sem):
    c = lax.axis_index("c")
    s = lax.axis_index("s")
    wid = c * NS + s

    @pl.when(s == 0)
    def _():
        pltpu.sync_copy(zeros_hbm, acc)

    pltpu.sync_copy(ones_hbm, ones_v)
    _copy_my_chunks(dst2_hbm, dst_idx, wid)
    plsc.subcore_barrier()

    nr = _my_num_chunks(wid)

    def fire(i, carry):
        pltpu.async_copy(ones_v, acc.at[dst_idx.at[i]], sem, add=True)
        return carry

    lax.fori_loop(0, nr, fire, 0)

    def drain(i, carry):
        pltpu.make_async_copy(ones_v, acc.at[dst_idx.at[0]], sem).wait()
        return carry

    lax.fori_loop(0, nr, drain, 0)
    plsc.subcore_barrier()

    @pl.when(s == 0)
    def _():
        pltpu.sync_copy(acc, out.at[c])


FH = F // 2
CPS = NCHUNKS // NS
CPS_LAST = NCHUNKS - (NS - 1) * CPS


@functools.partial(
    pl.kernel,
    out_type=jax.ShapeDtypeStruct((NC, NP, FH), _f32),
    mesh=_mesh,
    scratch_types=[
        pltpu.VMEM((CPS_LAST, CHUNK), jnp.int32),
        pltpu.VMEM((CPS_LAST, CHUNK), jnp.int32),
        pltpu.VMEM((4, CHUNK, FH), _f32),
        pltpu.VMEM_SHARED((NP, FH), _f32),
        pltpu.SemaphoreType.DMA,
        pltpu.SemaphoreType.DMA,
    ],
    compiler_params=_sc_params,
)
def _agg_kernel(y2_hbm, srcb_hbm, dst2_hbm, zeros_hbm, out,
                src_idx, dst_idx, bufs, acc, gsem, ssem):
    c = lax.axis_index("c")
    s = lax.axis_index("s")
    row0 = s * ROWS_PER_SUB

    pltpu.sync_copy(zeros_hbm.at[pl.ds(row0, ROWS_PER_SUB)],
                    acc.at[pl.ds(row0, ROWS_PER_SUB)])
    plsc.subcore_barrier()

    def gather_pair(p, b0):
        i0 = 2 * p
        pltpu.async_copy(y2_hbm.at[src_idx.at[i0]], bufs.at[b0], gsem)
        pltpu.async_copy(y2_hbm.at[src_idx.at[i0 + 1]], bufs.at[b0 + 1], gsem)

    def drain_g(n):
        def one(j, carry):
            pltpu.make_async_copy(y2_hbm.at[src_idx.at[0]], bufs.at[0],
                                  gsem).wait()
            return carry
        lax.fori_loop(0, n, one, 0)

    def drain_s(n):
        def one(j, carry):
            pltpu.make_async_copy(bufs.at[0], acc.at[dst_idx.at[0]],
                                  ssem).wait()
            return carry
        lax.fori_loop(0, n, one, 0)

    def scatter_pair(p, b0):
        i0 = 2 * p
        pltpu.async_copy(bufs.at[b0], acc.at[dst_idx.at[i0]], ssem, add=True)
        pltpu.async_copy(bufs.at[b0 + 1], acc.at[dst_idx.at[i0 + 1]], ssem,
                         add=True)

    def run(nchunks):
        r0 = s * CPS
        pltpu.sync_copy(srcb_hbm.at[c, pl.ds(r0, nchunks)],
                        src_idx.at[pl.ds(0, nchunks)])
        pltpu.sync_copy(dst2_hbm.at[pl.ds(r0, nchunks)],
                        dst_idx.at[pl.ds(0, nchunks)])
        npairs = nchunks // 2
        gather_pair(0, 0)

        def it(g, carry):
            b0 = (g % 2) * 2
            drain_g(2)

            @pl.when(g > 0)
            def _():
                drain_s(2)

            @pl.when(g + 1 < npairs)
            def _():
                gather_pair(g + 1, 2 - b0)

            scatter_pair(g, b0)
            return carry

        lax.fori_loop(0, npairs, it, 0)
        drain_s(2)

    @pl.when(s < NS - 1)
    def _():
        run(CPS)

    @pl.when(s == NS - 1)
    def _():
        run(CPS_LAST)

    plsc.subcore_barrier()
    pltpu.sync_copy(acc.at[pl.ds(row0, ROWS_PER_SUB)],
                    out.at[c, pl.ds(row0, ROWS_PER_SUB)])


@functools.partial(
    pl.kernel,
    out_type=jax.ShapeDtypeStruct((NC, N, L), _f32),
    mesh=_mesh,
    scratch_types=[
        pltpu.VMEM((CPT, CHUNK), jnp.int32),
        pltpu.VMEM((CPT, CHUNK), jnp.int32),
        pltpu.VMEM((4, CHUNK, L), _f32),
        pltpu.VMEM_SHARED((N, L), _f32),
        pltpu.SemaphoreType.DMA,
        pltpu.SemaphoreType.DMA,
    ],
    compiler_params=_sc_params,
)
def _l2_kernel(zp_hbm, src2_hbm, dst2_hbm, zeros_hbm, out,
               src_idx, dst_idx, bufs, acc, sem0, sem1):
    c = lax.axis_index("c")
    s = lax.axis_index("s")
    wid = c * NS + s

    @pl.when(s == 0)
    def _():
        pltpu.sync_copy(zeros_hbm, acc)

    _copy_my_chunks(src2_hbm, src_idx, wid)
    _copy_my_chunks(dst2_hbm, dst_idx, wid)
    plsc.subcore_barrier()

    nr = _my_num_chunks(wid)

    def group(g, carry):
        i0 = 4 * g
        for j in range(4):
            pltpu.async_copy(zp_hbm.at[src_idx.at[i0 + j]], bufs.at[j], sem0)
        for j in range(4):
            pltpu.make_async_copy(zp_hbm.at[src_idx.at[i0 + j]], bufs.at[j],
                                  sem0).wait()
        for j in range(4):
            pltpu.async_copy(bufs.at[j], acc.at[dst_idx.at[i0 + j]], sem1,
                             add=True)
        for j in range(4):
            pltpu.make_async_copy(bufs.at[j], acc.at[dst_idx.at[i0 + j]],
                                  sem1).wait()
        return carry

    lax.fori_loop(0, nr // 4, group, 0)
    plsc.subcore_barrier()

    @pl.when(s == 0)
    def _():
        pltpu.sync_copy(acc, out.at[c])


BLK = 1000


def _prep_body(deg_ref, x_ref, dinv_ref, y2_ref):
    deg = deg_ref[0, :, 0:1] + deg_ref[1, :, 0:1] + 2.0
    dinv = lax.rsqrt(deg)
    dinv_ref[...] = dinv
    xb = x_ref[...] * dinv
    y2_ref[0] = xb[:, :FH]
    y2_ref[1] = xb[:, FH:]


_prep = pl.pallas_call(
    _prep_body,
    grid=(N // BLK,),
    in_specs=[
        pl.BlockSpec((NC, BLK, L), lambda i: (0, i, 0)),
        pl.BlockSpec((BLK, F), lambda i: (i, 0)),
    ],
    out_specs=[
        pl.BlockSpec((BLK, 1), lambda i: (i, 0)),
        pl.BlockSpec((NC, BLK, FH), lambda i: (0, i, 0)),
    ],
    out_shape=[
        jax.ShapeDtypeStruct((N, 1), _f32),
        jax.ShapeDtypeStruct((NC, N, FH), _f32),
    ],
)


def _dense_body(dinv_ref, x_ref, a_ref, W1_ref, b1_ref, W2_ref,
                z_ref, zp_ref):
    dinv = dinv_ref[...]
    a = jnp.concatenate([a_ref[0], a_ref[1]], axis=1)
    t = dinv * a + (2.0 * dinv * dinv) * x_ref[...]
    h = jnp.maximum(
        jnp.dot(t, W1_ref[...], preferred_element_type=_f32) + b1_ref[...],
        0.0)
    z = jnp.dot(h, W2_ref[...], preferred_element_type=_f32)
    z_ref[...] = z
    zp_ref[...] = jnp.broadcast_to(z * dinv, (z.shape[0], L))


_dense = pl.pallas_call(
    _dense_body,
    grid=(N // BLK,),
    in_specs=[
        pl.BlockSpec((BLK, 1), lambda i: (i, 0)),
        pl.BlockSpec((BLK, F), lambda i: (i, 0)),
        pl.BlockSpec((NC, BLK, FH), lambda i: (0, i, 0)),
        pl.BlockSpec((F, H), lambda i: (0, 0)),
        pl.BlockSpec((1, H), lambda i: (0, 0)),
        pl.BlockSpec((H, 1), lambda i: (0, 0)),
    ],
    out_specs=[
        pl.BlockSpec((BLK, 1), lambda i: (i, 0)),
        pl.BlockSpec((BLK, L), lambda i: (i, 0)),
    ],
    out_shape=[
        jax.ShapeDtypeStruct((N, 1), _f32),
        jax.ShapeDtypeStruct((N, L), _f32),
    ],
)


def _final_body(q_ref, dinv_ref, z_ref, b2_ref, batch_ref, pooled_ref):
    dinv = dinv_ref[...]
    q = q_ref[0, :, 0:1] + q_ref[1, :, 0:1]
    out = dinv * q + (2.0 * dinv * dinv) * z_ref[...] + b2_ref[0, 0]
    gids = lax.broadcasted_iota(jnp.int32, (1, G), 1)
    onehot = (batch_ref[...] == gids).astype(_f32)
    cat = jnp.concatenate([out, jnp.ones_like(out)], axis=1)
    r = lax.dot_general(onehot, cat, (((0,), (0,)), ((), ())),
                        preferred_element_type=_f32)
    pooled_ref[...] = r[:, 0:1] / jnp.maximum(r[:, 1:2], 1.0)


_final = pl.pallas_call(
    _final_body,
    out_shape=jax.ShapeDtypeStruct((G, 1), _f32),
)


def kernel(x, edge_index, edge_attr, batch, W1, b1, W2, b2):
    del edge_attr
    src2 = edge_index[0].reshape(NCHUNKS, CHUNK)
    dst2 = edge_index[1].reshape(NCHUNKS, CHUNK)
    srcb = jnp.stack([src2, src2 + N])
    zeros_nf = jnp.zeros((NP, FH), _f32)
    zeros_nl = jnp.zeros((N, L), _f32)
    ones_cl = jnp.ones((CHUNK, L), _f32)

    deg = _deg_kernel(dst2, zeros_nl, ones_cl)
    dinv, y2 = _prep(deg, x)
    acc = _agg_kernel(y2.reshape(NC * N, FH), srcb, dst2, zeros_nf)
    z, zp = _dense(dinv, x, acc, W1, b1.reshape(1, H), W2)
    q = _l2_kernel(zp, src2, dst2, zeros_nl)
    pooled = _final(q, dinv, z, b2.reshape(1, 1), batch.reshape(N, 1))
    return pooled

# --- scband reference (transcript-rebuilt; emitter-appended) ---
"""Pipeline reference for scband-gnn-gcn-18279380811833 (READ-ONLY COPY).

The authoritative reference and input builder live on the scoring server;
editing this copy changes nothing except your own understanding.
"""

import jax, jax.numpy as jnp
import numpy as np

N = 10000
E = 320000
F = 128
H = 256
G = 64


def setup_inputs(seed: int = 0) -> dict:
    key = jax.random.key(seed)
    ks = jax.random.split(key, 8)
    x = jax.random.normal(ks[0], (N, F), dtype=jnp.float32)
    edge_index = jax.random.randint(ks[1], (2, E), 0, N, dtype=jnp.int32)
    edge_attr = jax.random.normal(ks[2], (E, 4), dtype=jnp.float32)
    batch = jnp.sort(jax.random.randint(ks[3], (N,), 0, G, dtype=jnp.int32))
    W1 = jax.random.normal(ks[4], (F, H), dtype=jnp.float32) * (1.0 / np.sqrt(F))
    b1 = jnp.zeros((H,), dtype=jnp.float32)
    W2 = jax.random.normal(ks[5], (H, 1), dtype=jnp.float32) * (1.0 / np.sqrt(H))
    b2 = jnp.zeros((1,), dtype=jnp.float32)
    return {"x": x, "edge_index": edge_index, "edge_attr": edge_attr, "batch": batch,
            "W1": W1, "b1": b1, "W2": W2, "b2": b2}


def _gcn_conv(x, W, b, src, dst, num_nodes):
    # GCNConv with improved=True: self-loop weight 2.0, symmetric normalization
    xw = x @ W
    ones = jnp.ones((src.shape[0],), dtype=x.dtype)
    deg = jax.ops.segment_sum(ones, dst, num_segments=num_nodes) + 2.0
    dinv = jnp.where(deg > 0, 1.0 / jnp.sqrt(deg), 0.0)
    norm = dinv[src] * dinv[dst]
    msg = xw[src] * norm[:, None]
    agg = jax.ops.segment_sum(msg, dst, num_segments=num_nodes)
    agg = agg + (2.0 * dinv * dinv)[:, None] * xw  # self-loop contribution (weight 2.0)
    return agg + b


def reference(x, edge_index, edge_attr, batch, W1, b1, W2, b2):
    # PyG GCN model (supports_edge_attr=False) ignores edge_attr.
    src = edge_index[0]
    dst = edge_index[1]
    h = _gcn_conv(x, W1, b1, src, dst, N)
    h = jax.nn.relu(h)  # dropout is identity in eval mode
    out = _gcn_conv(h, W2, b2, src, dst, N)  # [N, 1]
    # global_mean_pool over batch assignment
    cnt = jnp.bincount(batch, length=G).astype(out.dtype)
    pooled = jax.ops.segment_sum(out, batch, num_segments=G) / jnp.maximum(cnt, 1.0)[:, None]
    return pooled

if __name__ == "__main__":
    import jax
    _d = setup_inputs()
    print(jax.jit(kernel)(*tuple(_d.values())))

</pallas_src>

<mosaic_0001>
#map = affine_map<(d0, d1) -> (0, 0)>
#map1 = affine_map<(d0, d1) -> (0, 0, 0)>
module attributes {stable_mosaic.version = 14 : i64} {
  func.func @_deg_kernel(%arg0: i32, %arg1: i32, %arg2: memref<2500x128xi32, #tpu.memory_space<hbm>>, %arg3: memref<10000x16xf32, #tpu.memory_space<hbm>>, %arg4: memref<128x16xf32, #tpu.memory_space<hbm>>, %arg5: memref<2x10000x16xf32, #tpu.memory_space<hbm>>, %arg6: memref<80x128xi32, #tpu.memory_space<vmem>>, %arg7: memref<128x16xf32, #tpu.memory_space<vmem>>, %arg8: memref<10000x16xf32, #tpu.memory_space<vmem_shared>>, %arg9: memref<!tpu.dma_semaphore, #tpu.memory_space<semaphore_mem>>) attributes {dimension_semantics = [#tpu.dimension_semantics<core_parallel>, #tpu.dimension_semantics<subcore_parallel>], iteration_bounds = array<i64: 2, 16>, scalar_prefetch = 0 : i64, scratch_operands = 4 : i64, tpu.core_type = #tpu.core_type<sc_vector_subcore>, window_params = [{transform_indices = #map}, {transform_indices = #map}, {transform_indices = #map}, {transform_indices = #map1}]} {
    %mul3A = arith.constant 16 : i32
    %mul3A_0 = arith.muli %arg0, %mul3A : i32
    %add3A = arith.addi %mul3A_0, %arg1 : i32
    %eq3A = arith.constant 0 : i32
    %eq3A_1 = arith.cmpi eq, %arg1, %eq3A : i32
    %convert_element_type3A = arith.extui %eq3A_1 : i1 to i32
    %cond3A = arith.constant 0 : i32
    %cond3A_2 = arith.cmpi ne, %convert_element_type3A, %cond3A : i32
    scf.if %cond3A_2 {
      "tpu.region"() ({
        %run_scoped3A = tpu.sem_alloc : memref<!tpu.dma_semaphore, #tpu.memory_space<semaphore_mem>>
        tpu.enqueue_dma source(%arg3 : memref<10000x16xf32, #tpu.memory_space<hbm>>) target(%arg8 : memref<10000x16xf32, #tpu.memory_space<vmem_shared>>) target_semaphore(%run_scoped3A : memref<!tpu.dma_semaphore, #tpu.memory_space<semaphore_mem>>)
        tpu.wait_dma2 semaphore(%run_scoped3A : memref<!tpu.dma_semaphore, #tpu.memory_space<semaphore_mem>>) src(%arg3 : memref<10000x16xf32, #tpu.memory_space<hbm>>) dst(%arg8 : memref<10000x16xf32, #tpu.memory_space<vmem_shared>>)
        tpu.yield
      }) : () -> ()
    } else {
    }
    "tpu.region"() ({
      %run_scoped3A = tpu.sem_alloc : memref<!tpu.dma_semaphore, #tpu.memory_space<semaphore_mem>>
      tpu.enqueue_dma source(%arg4 : memref<128x16xf32, #tpu.memory_space<hbm>>) target(%arg7 : memref<128x16xf32, #tpu.memory_space<vmem>>) target_semaphore(%run_scoped3A : memref<!tpu.dma_semaphore, #tpu.memory_space<semaphore_mem>>)
      tpu.wait_dma2 semaphore(%run_scoped3A : memref<!tpu.dma_semaphore, #tpu.memory_space<semaphore_mem>>) src(%arg4 : memref<128x16xf32, #tpu.memory_space<hbm>>) dst(%arg7 : memref<128x16xf32, #tpu.memory_space<vmem>>)
      tpu.yield
    }) : () -> ()
    %mul3A_3 = arith.constant 80 : i32
    %mul3A_4 = arith.muli %add3A, %mul3A_3 : i32
    %lt3A = arith.constant 31 : i32
    %lt3A_5 = arith.cmpi slt, %add3A, %lt3A : i32
    %convert_element_type3A_6 = arith.extui %lt3A_5 : i1 to i32
    %cond3A_7 = arith.constant 0 : i32
    %cond3A_8 = arith.cmpi ne, %convert_element_type3A_6, %cond3A_7 : i32
    scf.if %cond3A_8 {
      "tpu.region"() ({
        %run_scoped3A = tpu.sem_alloc : memref<!tpu.dma_semaphore, #tpu.memory_space<semaphore_mem>>
        %dma_start3A = arith.constant 0 : i32
        %dma_start3A_42 = arith.constant 0 : i32
        %dma_start3A_43 = tpu.memref_slice %arg6[%dma_start3A, %dma_start3A_42] : memref<80x128xi32, #tpu.memory_space<vmem>> -> memref<80x128xi32, #tpu.memory_space<vmem>>
        %dma_start3A_44 = arith.constant 0 : i32
        %dma_start3A_45 = tpu.memref_slice %arg2[%mul3A_4, %dma_start3A_44] : memref<2500x128xi32, #tpu.memory_space<hbm>> -> memref<80x128xi32, #tpu.memory_space<hbm>>
        %dma_start3A_46 = arith.constant 0 : i32
        %dma_start3A_47 = arith.constant 0 : i32
        %dma_start3A_48 = tpu.memref_slice %arg6[%dma_start3A_46, %dma_start3A_47] : memref<80x128xi32, #tpu.memory_space<vmem>> -> memref<80x128xi32, #tpu.memory_space<vmem>>
        %dma_start3A_49 = arith.constant 0 : i32
        %dma_start3A_50 = tpu.memref_slice %arg2[%mul3A_4, %dma_start3A_49] : memref<2500x128xi32, #tpu.memory_space<hbm>> -> memref<80x128xi32, #tpu.memory_space<hbm>>
        tpu.enqueue_dma source(%dma_start3A_50 : memref<80x128xi32, #tpu.memory_space<hbm>>) target(%dma_start3A_48 : memref<80x128xi32, #tpu.memory_space<vmem>>) target_semaphore(%run_scoped3A : memref<!tpu.dma_semaphore, #tpu.memory_space<semaphore_mem>>)
        %dma_wait3A = arith.constant 0 : i32
        %dma_wait3A_51 = arith.constant 0 : i32
        %dma_wait3A_52 = tpu.memref_slice %arg6[%dma_wait3A, %dma_wait3A_51] : memref<80x128xi32, #tpu.memory_space<vmem>> -> memref<80x128xi32, #tpu.memory_space<vmem>>
        %dma_wait3A_53 = arith.constant 0 : i32
        %dma_wait3A_54 = tpu.memref_slice %arg2[%mul3A_4, %dma_wait3A_53] : memref<2500x128xi32, #tpu.memory_space<hbm>> -> memref<80x128xi32, #tpu.memory_space<hbm>>
        %dma_wait3A_55 = arith.constant 0 : i32
        %dma_wait3A_56 = arith.constant 0 : i32
        %dma_wait3A_57 = tpu.memref_slice %arg6[%dma_wait3A_55, %dma_wait3A_56] : memref<80x128xi32, #tpu.memory_space<vmem>> -> memref<80x128xi32, #tpu.memory_space<vmem>>
        %dma_wait3A_58 = arith.constant 0 : i32
        %dma_wait3A_59 = tpu.memref_slice %arg2[%mul3A_4, %dma_wait3A_58] : memref<2500x128xi32, #tpu.memory_space<hbm>> -> memref<80x128xi32, #tpu.memory_space<hbm>>
        tpu.wait_dma2 semaphore(%run_scoped3A : memref<!tpu.dma_semaphore, #tpu.memory_space<semaphore_mem>>) src(%dma_wait3A_59 : memref<80x128xi32, #tpu.memory_space<hbm>>) dst(%dma_wait3A_57 : memref<80x128xi32, #tpu.memory_space<vmem>>)
        tpu.yield
      }) : () -> ()
    } else {
    }
    %eq3A_9 = arith.constant 31 : i32
    %eq3A_10 = arith.cmpi eq, %add3A, %eq3A_9 : i32
    %convert_element_type3A_11 = arith.extui %eq3A_10 : i1 to i32
    %cond3A_12 = arith.constant 0 : i32
    %cond3A_13 = arith.cmpi ne, %convert_element_type3A_11, %cond3A_12 : i32
    scf.if %cond3A_13 {
      "tpu.region"() ({
        %run_scoped3A = tpu.sem_alloc : memref<!tpu.dma_semaphore, #tpu.memory_space<semaphore_mem>>
        %dma_start3A = arith.constant 0 : i32
        %dma_start3A_42 = arith.constant 0 : i32
        %dma_start3A_43 = tpu.memref_slice %arg6[%dma_start3A, %dma_start3A_42] : memref<80x128xi32, #tpu.memory_space<vmem>> -> memref<20x128xi32, #tpu.memory_space<vmem>>
        %dma_start3A_44 = arith.constant 2480 : i32
        %dma_start3A_45 = arith.constant 0 : i32
        %dma_start3A_46 = tpu.memref_slice %arg2[%dma_start3A_44, %dma_start3A_45] : memref<2500x128xi32, #tpu.memory_space<hbm>> -> memref<20x128xi32, #tpu.memory_space<hbm>>
        %dma_start3A_47 = arith.constant 0 : i32
        %dma_start3A_48 = arith.constant 0 : i32
        %dma_start3A_49 = tpu.memref_slice %arg6[%dma_start3A_47, %dma_start3A_48] : memref<80x128xi32, #tpu.memory_space<vmem>> -> memref<20x128xi32, #tpu.memory_space<vmem>>
        %dma_start3A_50 = arith.constant 2480 : i32
        %dma_start3A_51 = arith.constant 0 : i32
        %dma_start3A_52 = tpu.memref_slice %arg2[%dma_start3A_50, %dma_start3A_51] : memref<2500x128xi32, #tpu.memory_space<hbm>> -> memref<20x128xi32, #tpu.memory_space<hbm>>
        tpu.enqueue_dma source(%dma_start3A_52 : memref<20x128xi32, #tpu.memory_space<hbm>>) target(%dma_start3A_49 : memref<20x128xi32, #tpu.memory_space<vmem>>) target_semaphore(%run_scoped3A : memref<!tpu.dma_semaphore, #tpu.memory_space<semaphore_mem>>)
        %dma_wait3A = arith.constant 0 : i32
        %dma_wait3A_53 = arith.constant 0 : i32
        %dma_wait3A_54 = tpu.memref_slice %arg6[%dma_wait3A, %dma_wait3A_53] : memref<80x128xi32, #tpu.memory_space<vmem>> -> memref<20x128xi32, #tpu.memory_space<vmem>>
        %dma_wait3A_55 = arith.constant 2480 : i32
        %dma_wait3A_56 = arith.constant 0 : i32
        %dma_wait3A_57 = tpu.memref_slice %arg2[%dma_wait3A_55, %dma_wait3A_56] : memref<2500x128xi32, #tpu.memory_space<hbm>> -> memref<20x128xi32, #tpu.memory_space<hbm>>
        %dma_wait3A_58 = arith.constant 0 : i32
        %dma_wait3A_59 = arith.constant 0 : i32
        %dma_wait3A_60 = tpu.memref_slice %arg6[%dma_wait3A_58, %dma_wait3A_59] : memref<80x128xi32, #tpu.memory_space<vmem>> -> memref<20x128xi32, #tpu.memory_space<vmem>>
        %dma_wait3A_61 = arith.constant 2480 : i32
        %dma_wait3A_62 = arith.constant 0 : i32
        %dma_wait3A_63 = tpu.memref_slice %arg2[%dma_wait3A_61, %dma_wait3A_62] : memref<2500x128xi32, #tpu.memory_space<hbm>> -> memref<20x128xi32, #tpu.memory_space<hbm>>
        tpu.wait_dma2 semaphore(%run_scoped3A : memref<!tpu.dma_semaphore, #tpu.memory_space<semaphore_mem>>) src(%dma_wait3A_63 : memref<20x128xi32, #tpu.memory_space<hbm>>) dst(%dma_wait3A_60 : memref<20x128xi32, #tpu.memory_space<vmem>>)
        tpu.yield
      }) : () -> ()
    } else {
    }
    %barrier3A = arith.constant 0 : index
    tpu.barrier barrier_id(%barrier3A)
    %lt3A_14 = arith.constant 31 : i32
    %lt3A_15 = arith.cmpi slt, %add3A, %lt3A_14 : i32
    %jit3A = arith.constant 80 : i32
    %jit3A_16 = arith.constant 20 : i32
    %select_n3A = arith.select %lt3A_15, %jit3A, %jit3A_16 : i32
    %while3A = arith.constant 0 : i32
    %while3A_17 = arith.constant 0 : i32
    %while3A_18 = arith.subi %select_n3A, %while3A_17 : i32
    %while3A_19 = arith.addi %while3A_17, %while3A_18 : i32
    %while3A_20 = arith.constant 1 : i32
    %while3A_21 = arith.divsi %while3A_18, %while3A_20 : i32
    %while3A_22 = arith.muli %while3A_21, %while3A_20 : i32
    %while3A_23 = arith.addi %while3A_17, %while3A_22 : i32
    %while3A_24 = arith.constant 1 : i32
    scf.for %while3A_42 = %while3A_17 to %while3A_23 step %while3A_24  : i32 {
      %dma_start3A = arith.constant 0 : i32
      %dma_start3A_43 = tpu.memref_slice %arg6[%while3A_42, %dma_start3A] : memref<80x128xi32, #tpu.memory_space<vmem>> -> memref<1x128xi32, #tpu.memory_space<vmem>>
      %dma_start3A_44 = tpu.memref_squeeze %dma_start3A_43 : memref<1x128xi32, #tpu.memory_space<vmem>> -> memref<128xi32, #tpu.memory_space<vmem>>
      %dma_start3A_45 = arith.constant 0 : i32
      %dma_start3A_46 = arith.constant 0 : i32
      %dma_start3A_47 = tpu.memref_slice %arg8[%dma_start3A_45, %dma_start3A_46] : memref<10000x16xf32, #tpu.memory_space<vmem_shared>> -> memref<10000x16xf32, #tpu.memory_space<vmem_shared>>
      tpu.enqueue_indirect_dma source(%arg7 : memref<128x16xf32, #tpu.memory_space<vmem>>) target(%dma_start3A_47 : memref<10000x16xf32, #tpu.memory_space<vmem_shared>>) offsets(%dma_start3A_44 : memref<128xi32, #tpu.memory_space<vmem>>) semaphore(%arg9 : memref<!tpu.dma_semaphore, #tpu.memory_space<semaphore_mem>>) {add = true}
    }
    %while3A_25 = arith.constant 1 : i32
    scf.for %while3A_42 = %while3A_23 to %while3A_19 step %while3A_25  : i32 {
      %dma_start3A = arith.constant 0 : i32
      %dma_start3A_43 = tpu.memref_slice %arg6[%while3A_42, %dma_start3A] : memref<80x128xi32, #tpu.memory_space<vmem>> -> memref<1x128xi32, #tpu.memory_space<vmem>>
      %dma_start3A_44 = tpu.memref_squeeze %dma_start3A_43 : memref<1x128xi32, #tpu.memory_space<vmem>> -> memref<128xi32, #tpu.memory_space<vmem>>
      %dma_start3A_45 = arith.constant 0 : i32
      %dma_start3A_46 = arith.constant 0 : i32
      %dma_start3A_47 = tpu.memref_slice %arg8[%dma_start3A_45, %dma_start3A_46] : memref<10000x16xf32, #tpu.memory_space<vmem_shared>> -> memref<10000x16xf32, #tpu.memory_space<vmem_shared>>
      tpu.enqueue_indirect_dma source(%arg7 : memref<128x16xf32, #tpu.memory_space<vmem>>) target(%dma_start3A_47 : memref<10000x16xf32, #tpu.memory_space<vmem_shared>>) offsets(%dma_start3A_44 : memref<128xi32, #tpu.memory_space<vmem>>) semaphore(%arg9 : memref<!tpu.dma_semaphore, #tpu.memory_space<semaphore_mem>>) {add = true}
    }
    %while3A_26 = arith.constant 0 : i32
    %while3A_27 = arith.constant 0 : i32
    %while3A_28 = arith.subi %select_n3A, %while3A_27 : i32
    %while3A_29 = arith.addi %while3A_27, %while3A_28 : i32
    %while3A_30 = arith.constant 1 : i32
    %while3A_31 = arith.divsi %while3A_28, %while3A_30 : i32
    %while3A_32 = arith.muli %while3A_31, %while3A_30 : i32
    %while3A_33 = arith.addi %while3A_27, %while3A_32 : i32
    %while3A_34 = arith.constant 1 : i32
    scf.for %while3A_42 = %while3A_27 to %while3A_33 step %while3A_34  : i32 {
      %dma_wait3A = arith.constant 0 : i32
      %dma_wait3A_43 = arith.constant 0 : i32
      %dma_wait3A_44 = tpu.memref_slice %arg6[%dma_wait3A, %dma_wait3A_43] : memref<80x128xi32, #tpu.memory_space<vmem>> -> memref<1x128xi32, #tpu.memory_space<vmem>>
      %dma_wait3A_45 = tpu.memref_squeeze %dma_wait3A_44 : memref<1x128xi32, #tpu.memory_space<vmem>> -> memref<128xi32, #tpu.memory_space<vmem>>
      %dma_wait3A_46 = arith.constant 0 : i32
      %dma_wait3A_47 = arith.constant 0 : i32
      %dma_wait3A_48 = tpu.memref_slice %arg8[%dma_wait3A_46, %dma_wait3A_47] : memref<10000x16xf32, #tpu.memory_space<vmem_shared>> -> memref<10000x16xf32, #tpu.memory_space<vmem_shared>>
      tpu.wait_indirect_dma semaphore(%arg9 : memref<!tpu.dma_semaphore, #tpu.memory_space<semaphore_mem>>) src(%arg7 : memref<128x16xf32, #tpu.memory_space<vmem>>) dst(%dma_wait3A_48 : memref<10000x16xf32, #tpu.memory_space<vmem_shared>>)
    }
    %while3A_35 = arith.constant 1 : i32
    scf.for %while3A_42 = %while3A_33 to %while3A_29 step %while3A_35  : i32 {
      %dma_wait3A = arith.constant 0 : i32
      %dma_wait3A_43 = arith.constant 0 : i32
      %dma_wait3A_44 = tpu.memref_slice %arg6[%dma_wait3A, %dma_wait3A_43] : memref<80x128xi32, #tpu.memory_space<vmem>> -> memref<1x128xi32, #tpu.memory_space<vmem>>
      %dma_wait3A_45 = tpu.memref_squeeze %dma_wait3A_44 : memref<1x128xi32, #tpu.memory_space<vmem>> -> memref<128xi32, #tpu.memory_space<vmem>>
      %dma_wait3A_46 = arith.constant 0 : i32
      %dma_wait3A_47 = arith.constant 0 : i32
      %dma_wait3A_48 = tpu.memref_slice %arg8[%dma_wait3A_46, %dma_wait3A_47] : memref<10000x16xf32, #tpu.memory_space<vmem_shared>> -> memref<10000x16xf32, #tpu.memory_space<vmem_shared>>
      tpu.wait_indirect_dma semaphore(%arg9 : memref<!tpu.dma_semaphore, #tpu.memory_space<semaphore_mem>>) src(%arg7 : memref<128x16xf32, #tpu.memory_space<vmem>>) dst(%dma_wait3A_48 : memref<10000x16xf32, #tpu.memory_space<vmem_shared>>)
    }
    %barrier3A_36 = arith.constant 0 : index
    tpu.barrier barrier_id(%barrier3A_36)
    %eq3A_37 = arith.constant 0 : i32
    %eq3A_38 = arith.cmpi eq, %arg1, %eq3A_37 : i32
    %convert_element_type3A_39 = arith.extui %eq3A_38 : i1 to i32
    %cond3A_40 = arith.constant 0 : i32
    %cond3A_41 = arith.cmpi ne, %convert_element_type3A_39, %cond3A_40 : i32
    scf.if %cond3A_41 {
      "tpu.region"() ({
        %run_scoped3A = tpu.sem_alloc : memref<!tpu.dma_semaphore, #tpu.memory_space<semaphore_mem>>
        %dma_start3A = arith.constant 0 : i32
        %dma_start3A_42 = arith.constant 0 : i32
        %dma_start3A_43 = tpu.memref_slice %arg5[%arg0, %dma_start3A, %dma_start3A_42] : memref<2x10000x16xf32, #tpu.memory_space<hbm>> -> memref<1x10000x16xf32, #tpu.memory_space<hbm>>
        %dma_start3A_44 = tpu.memref_squeeze %dma_start3A_43 : memref<1x10000x16xf32, #tpu.memory_space<hbm>> -> memref<10000x16xf32, #tpu.memory_space<hbm>>
        tpu.enqueue_dma source(%arg8 : memref<10000x16xf32, #tpu.memory_space<vmem_shared>>) target(%dma_start3A_44 : memref<10000x16xf32, #tpu.memory_space<hbm>>) target_semaphore(%run_scoped3A : memref<!tpu.dma_semaphore, #tpu.memory_space<semaphore_mem>>)
        %dma_wait3A = arith.constant 0 : i32
        %dma_wait3A_45 = arith.constant 0 : i32
        %dma_wait3A_46 = tpu.memref_slice %arg5[%arg0, %dma_wait3A, %dma_wait3A_45] : memref<2x10000x16xf32, #tpu.memory_space<hbm>> -> memref<1x10000x16xf32, #tpu.memory_space<hbm>>
        %dma_wait3A_47 = tpu.memref_squeeze %dma_wait3A_46 : memref<1x10000x16xf32, #tpu.memory_space<hbm>> -> memref<10000x16xf32, #tpu.memory_space<hbm>>
        tpu.wait_dma2 semaphore(%run_scoped3A : memref<!tpu.dma_semaphore, #tpu.memory_space<semaphore_mem>>) src(%arg8 : memref<10000x16xf32, #tpu.memory_space<vmem_shared>>) dst(%dma_wait3A_47 : memref<10000x16xf32, #tpu.memory_space<hbm>>)
        tpu.yield
      }) : () -> ()
    } else {
    }
    return
  }
}

#map = affine_map<(d0, d1) -> (0, 0)>
#map1 = affine_map<(d0, d1) -> (0, 0, 0)>
module attributes {stable_mosaic.version = 14 : i64} {
  func.func @_l2_kernel(%arg0: i32, %arg1: i32, %arg2: memref<10000x16xf32, #tpu.memory_space<hbm>>, %arg3: memref<2500x128xi32, #tpu.memory_space<hbm>>, %arg4: memref<2500x128xi32, #tpu.memory_space<hbm>>, %arg5: memref<10000x16xf32, #tpu.memory_space<hbm>>, %arg6: memref<2x10000x16xf32, #tpu.memory_space<hbm>>, %arg7: memref<80x128xi32, #tpu.memory_space<vmem>>, %arg8: memref<80x128xi32, #tpu.memory_space<vmem>>, %arg9: memref<4x128x16xf32, #tpu.memory_space<vmem>>, %arg10: memref<10000x16xf32, #tpu.memory_space<vmem_shared>>, %arg11: memref<!tpu.dma_semaphore, #tpu.memory_space<semaphore_mem>>, %arg12: memref<!tpu.dma_semaphore, #tpu.memory_space<semaphore_mem>>) attributes {dimension_semantics = [#tpu.dimension_semantics<core_parallel>, #tpu.dimension_semantics<subcore_parallel>], iteration_bounds = array<i64: 2, 16>, scalar_prefetch = 0 : i64, scratch_operands = 6 : i64, tpu.core_type = #tpu.core_type<sc_vector_subcore>, window_params = [{transform_indices = #map}, {transform_indices = #map}, {transform_indices = #map}, {transform_indices = #map}, {transform_indices = #map1}]} {
    %mul3A = arith.constant 16 : i32
    %mul3A_0 = arith.muli %arg0, %mul3A : i32
    %add3A = arith.addi %mul3A_0, %arg1 : i32
    %eq3A = arith.constant 0 : i32
    %eq3A_1 = arith.cmpi eq, %arg1, %eq3A : i32
    %convert_element_type3A = arith.extui %eq3A_1 : i1 to i32
    %cond3A = arith.constant 0 : i32
    %cond3A_2 = arith.cmpi ne, %convert_element_type3A, %cond3A : i32
    scf.if %cond3A_2 {
      "tpu.region"() ({
        %run_scoped3A = tpu.sem_alloc : memref<!tpu.dma_semaphore, #tpu.memory_space<semaphore_mem>>
        tpu.enqueue_dma source(%arg5 : memref<10000x16xf32, #tpu.memory_space<hbm>>) target(%arg10 : memref<10000x16xf32, #tpu.memory_space<vmem_shared>>) target_semaphore(%run_scoped3A : memref<!tpu.dma_semaphore, #tpu.memory_space<semaphore_mem>>)
        tpu.wait_dma2 semaphore(%run_scoped3A : memref<!tpu.dma_semaphore, #tpu.memory_space<semaphore_mem>>) src(%arg5 : memref<10000x16xf32, #tpu.memory_space<hbm>>) dst(%arg10 : memref<10000x16xf32, #tpu.memory_space<vmem_shared>>)
        tpu.yield
      }) : () -> ()
    } else {
    }
    %mul3A_3 = arith.constant 80 : i32
    %mul3A_4 = arith.muli %add3A, %mul3A_3 : i32
    %lt3A = arith.constant 31 : i32
    %lt3A_5 = arith.cmpi slt, %add3A, %lt3A : i32
    %convert_element_type3A_6 = arith.extui %lt3A_5 : i1 to i32
    %cond3A_7 = arith.constant 0 : i32
    %cond3A_8 = arith.cmpi ne, %convert_element_type3A_6, %cond3A_7 : i32
    scf.if %cond3A_8 {
      "tpu.region"() ({
        %run_scoped3A = tpu.sem_alloc : memref<!tpu.dma_semaphore, #tpu.memory_space<semaphore_mem>>
        %dma_start3A = arith.constant 0 : i32
        %dma_start3A_62 = arith.constant 0 : i32
        %dma_start3A_63 = tpu.memref_slice %arg7[%dma_start3A, %dma_start3A_62] : memref<80x128xi32, #tpu.memory_space<vmem>> -> memref<80x128xi32, #tpu.memory_space<vmem>>
        %dma_start3A_64 = arith.constant 0 : i32
        %dma_start3A_65 = tpu.memref_slice %arg3[%mul3A_4, %dma_start3A_64] : memref<2500x128xi32, #tpu.memory_space<hbm>> -> memref<80x128xi32, #tpu.memory_space<hbm>>
        %dma_start3A_66 = arith.constant 0 : i32
        %dma_start3A_67 = arith.constant 0 : i32
        %dma_start3A_68 = tpu.memref_slice %arg7[%dma_start3A_66, %dma_start3A_67] : memref<80x128xi32, #tpu.memory_space<vmem>> -> memref<80x128xi32, #tpu.memory_space<vmem>>
        %dma_start3A_69 = arith.constant 0 : i32
        %dma_start3A_70 = tpu.memref_slice %arg3[%mul3A_4, %dma_start3A_69] : memref<2500x128xi32, #tpu.memory_space<hbm>> -> memref<80x128xi32, #tpu.memory_space<hbm>>
        tpu.enqueue_dma source(%dma_start3A_70 : memref<80x128xi32, #tpu.memory_space<hbm>>) target(%dma_start3A_68 : memref<80x128xi32, #tpu.memory_space<vmem>>) target_semaphore(%run_scoped3A : memref<!tpu.dma_semaphore, #tpu.memory_space<semaphore_mem>>)
        %dma_wait3A = arith.constant 0 : i32
        %dma_wait3A_71 = arith.constant 0 : i32
        %dma_wait3A_72 = tpu.memref_slice %arg7[%dma_wait3A, %dma_wait3A_71] : memref<80x128xi32, #tpu.memory_space<vmem>> -> memref<80x128xi32, #tpu.memory_space<vmem>>
        %dma_wait3A_73 = arith.constant 0 : i32
        %dma_wait3A_74 = tpu.memref_slice %arg3[%mul3A_4, %dma_wait3A_73] : memref<2500x128xi32, #tpu.memory_space<hbm>> -> memref<80x128xi32, #tpu.memory_space<hbm>>
        %dma_wait3A_75 = arith.constant 0 : i32
        %dma_wait3A_76 = arith.constant 0 : i32
        %dma_wait3A_77 = tpu.memref_slice %arg7[%dma_wait3A_75, %dma_wait3A_76] : memref<80x128xi32, #tpu.memory_space<vmem>> -> memref<80x128xi32, #tpu.memory_space<vmem>>
        %dma_wait3A_78 = arith.constant 0 : i32
        %dma_wait3A_79 = tpu.memref_slice %arg3[%mul3A_4, %dma_wait3A_78] : memref<2500x128xi32, #tpu.memory_space<hbm>> -> memref<80x128xi32, #tpu.memory_space<hbm>>
        tpu.wait_dma2 semaphore(%run_scoped3A : memref<!tpu.dma_semaphore, #tpu.memory_space<semaphore_mem>>) src(%dma_wait3A_79 : memref<80x128xi32, #tpu.memory_space<hbm>>) dst(%dma_wait3A_77 : memref<80x128xi32, #tpu.memory_space<vmem>>)
        tpu.yield
      }) : () -> ()
    } else {
    }
    %eq3A_9 = arith.constant 31 : i32
    %eq3A_10 = arith.cmpi eq, %add3A, %eq3A_9 : i32
    %convert_element_type3A_11 = arith.extui %eq3A_10 : i1 to i32
    %cond3A_12 = arith.constant 0 : i32
    %cond3A_13 = arith.cmpi ne, %convert_element_type3A_11, %cond3A_12 : i32
    scf.if %cond3A_13 {
      "tpu.region"() ({
        %run_scoped3A = tpu.sem_alloc : memref<!tpu.dma_semaphore, #tpu.memory_space<semaphore_mem>>
        %dma_start3A = arith.constant 0 : i32
        %dma_start3A_62 = arith.constant 0 : i32
        %dma_start3A_63 = tpu.memref_slice %arg7[%dma_start3A, %dma_start3A_62] : memref<80x128xi32, #tpu.memory_space<vmem>> -> memref<20x128xi32, #tpu.memory_space<vmem>>
        %dma_start3A_64 = arith.constant 2480 : i32
        %dma_start3A_65 = arith.constant 0 : i32
        %dma_start3A_66 = tpu.memref_slice %arg3[%dma_start3A_64, %dma_start3A_65] : memref<2500x128xi32, #tpu.memory_space<hbm>> -> memref<20x128xi32, #tpu.memory_space<hbm>>
        %dma_start3A_67 = arith.constant 0 : i32
        %dma_start3A_68 = arith.constant 0 : i32
        %dma_start3A_69 = tpu.memref_slice %arg7[%dma_start3A_67, %dma_start3A_68] : memref<80x128xi32, #tpu.memory_space<vmem>> -> memref<20x128xi32, #tpu.memory_space<vmem>>
        %dma_start3A_70 = arith.constant 2480 : i32
        %dma_start3A_71 = arith.constant 0 : i32
        %dma_start3A_72 = tpu.memref_slice %arg3[%dma_start3A_70, %dma_start3A_71] : memref<2500x128xi32, #tpu.memory_space<hbm>> -> memref<20x128xi32, #tpu.memory_space<hbm>>
        tpu.enqueue_dma source(%dma_start3A_72 : memref<20x128xi32, #tpu.memory_space<hbm>>) target(%dma_start3A_69 : memref<20x128xi32, #tpu.memory_space<vmem>>) target_semaphore(%run_scoped3A : memref<!tpu.dma_semaphore, #tpu.memory_space<semaphore_mem>>)
        %dma_wait3A = arith.constant 0 : i32
        %dma_wait3A_73 = arith.constant 0 : i32
        %dma_wait3A_74 = tpu.memref_slice %arg7[%dma_wait3A, %dma_wait3A_73] : memref<80x128xi32, #tpu.memory_space<vmem>> -> memref<20x128xi32, #tpu.memory_space<vmem>>
        %dma_wait3A_75 = arith.constant 2480 : i32
        %dma_wait3A_76 = arith.constant 0 : i32
        %dma_wait3A_77 = tpu.memref_slice %arg3[%dma_wait3A_75, %dma_wait3A_76] : memref<2500x128xi32, #tpu.memory_space<hbm>> -> memref<20x128xi32, #tpu.memory_space<hbm>>
        %dma_wait3A_78 = arith.constant 0 : i32
        %dma_wait3A_79 = arith.constant 0 : i32
        %dma_wait3A_80 = tpu.memref_slice %arg7[%dma_wait3A_78, %dma_wait3A_79] : memref<80x128xi32, #tpu.memory_space<vmem>> -> memref<20x128xi32, #tpu.memory_space<vmem>>
        %dma_wait3A_81 = arith.constant 2480 : i32
        %dma_wait3A_82 = arith.constant 0 : i32
        %dma_wait3A_83 = tpu.memref_slice %arg3[%dma_wait3A_81, %dma_wait3A_82] : memref<2500x128xi32, #tpu.memory_space<hbm>> -> memref<20x128xi32, #tpu.memory_space<hbm>>
        tpu.wait_dma2 semaphore(%run_scoped3A : memref<!tpu.dma_semaphore, #tpu.memory_space<semaphore_mem>>) src(%dma_wait3A_83 : memref<20x128xi32, #tpu.memory_space<hbm>>) dst(%dma_wait3A_80 : memref<20x128xi32, #tpu.memory_space<vmem>>)
        tpu.yield
      }) : () -> ()
    } else {
    }
    %mul3A_14 = arith.constant 80 : i32
    %mul3A_15 = arith.muli %add3A, %mul3A_14 : i32
    %lt3A_16 = arith.constant 31 : i32
    %lt3A_17 = arith.cmpi slt, %add3A, %lt3A_16 : i32
    %convert_element_type3A_18 = arith.extui %lt3A_17 : i1 to i32
    %cond3A_19 = arith.constant 0 : i32
    %cond3A_20 = arith.cmpi ne, %convert_element_type3A_18, %cond3A_19 : i32
    scf.if %cond3A_20 {
      "tpu.region"() ({
        %run_scoped3A = tpu.sem_alloc : memref<!tpu.dma_semaphore, #tpu.memory_space<semaphore_mem>>
        %dma_start3A = arith.constant 0 : i32
        %dma_start3A_62 = arith.constant 0 : i32
        %dma_start3A_63 = tpu.memref_slice %arg8[%dma_start3A, %dma_start3A_62] : memref<80x128xi32, #tpu.memory_space<vmem>> -> memref<80x128xi32, #tpu.memory_space<vmem>>
        %dma_start3A_64 = arith.constant 0 : i32
        %dma_start3A_65 = tpu.memref_slice %arg4[%mul3A_15, %dma_start3A_64] : memref<2500x128xi32, #tpu.memory_space<hbm>> -> memref<80x128xi32, #tpu.memory_space<hbm>>
        %dma_start3A_66 = arith.constant 0 : i32
        %dma_start3A_67 = arith.constant 0 : i32
        %dma_start3A_68 = tpu.memref_slice %arg8[%dma_start3A_66, %dma_start3A_67] : memref<80x128xi32, #tpu.memory_space<vmem>> -> memref<80x128xi32, #tpu.memory_space<vmem>>
        %dma_start3A_69 = arith.constant 0 : i32
        %dma_start3A_70 = tpu.memref_slice %arg4[%mul3A_15, %dma_start3A_69] : memref<2500x128xi32, #tpu.memory_space<hbm>> -> memref<80x128xi32, #tpu.memory_space<hbm>>
        tpu.enqueue_dma source(%dma_start3A_70 : memref<80x128xi32, #tpu.memory_space<hbm>>) target(%dma_start3A_68 : memref<80x128xi32, #tpu.memory_space<vmem>>) target_semaphore(%run_scoped3A : memref<!tpu.dma_semaphore, #tpu.memory_space<semaphore_mem>>)
        %dma_wait3A = arith.constant 0 : i32
        %dma_wait3A_71 = arith.constant 0 : i32
        %dma_wait3A_72 = tpu.memref_slice %arg8[%dma_wait3A, %dma_wait3A_71] : memref<80x128xi32, #tpu.memory_space<vmem>> -> memref<80x128xi32, #tpu.memory_space<vmem>>
        %dma_wait3A_73 = arith.constant 0 : i32
        %dma_wait3A_74 = tpu.memref_slice %arg4[%mul3A_15, %dma_wait3A_73] : memref<2500x128xi32, #tpu.memory_space<hbm>> -> memref<80x128xi32, #tpu.memory_space<hbm>>
        %dma_wait3A_75 = arith.constant 0 : i32
        %dma_wait3A_76 = arith.constant 0 : i32
        %dma_wait3A_77 = tpu.memref_slice %arg8[%dma_wait3A_75, %dma_wait3A_76] : memref<80x128xi32, #tpu.memory_space<vmem>> -> memref<80x128xi32, #tpu.memory_space<vmem>>
        %dma_wait3A_78 = arith.constant 0 : i32
        %dma_wait3A_79 = tpu.memref_slice %arg4[%mul3A_15, %dma_wait3A_78] : memref<2500x128xi32, #tpu.memory_space<hbm>> -> memref<80x128xi32, #tpu.memory_space<hbm>>
        tpu.wait_dma2 semaphore(%run_scoped3A : memref<!tpu.dma_semaphore, #tpu.memory_space<semaphore_mem>>) src(%dma_wait3A_79 : memref<80x128xi32, #tpu.memory_space<hbm>>) dst(%dma_wait3A_77 : memref<80x128xi32, #tpu.memory_space<vmem>>)
        tpu.yield
      }) : () -> ()
    } else {
    }
    %eq3A_21 = arith.constant 31 : i32
    %eq3A_22 = arith.cmpi eq, %add3A, %eq3A_21 : i32
    %convert_element_type3A_23 = arith.extui %eq3A_22 : i1 to i32
    %cond3A_24 = arith.constant 0 : i32
    %cond3A_25 = arith.cmpi ne, %convert_element_type3A_23, %cond3A_24 : i32
    scf.if %cond3A_25 {
      "tpu.region"() ({
        %run_scoped3A = tpu.sem_alloc : memref<!tpu.dma_semaphore, #tpu.memory_space<semaphore_mem>>
        %dma_start3A = arith.constant 0 : i32
        %dma_start3A_62 = arith.constant 0 : i32
        %dma_start3A_63 = tpu.memref_slice %arg8[%dma_start3A, %dma_start3A_62] : memref<80x128xi32, #tpu.memory_space<vmem>> -> memref<20x128xi32, #tpu.memory_space<vmem>>
        %dma_start3A_64 = arith.constant 2480 : i32
        %dma_start3A_65 = arith.constant 0 : i32
        %dma_start3A_66 = tpu.memref_slice %arg4[%dma_start3A_64, %dma_start3A_65] : memref<2500x128xi32, #tpu.memory_space<hbm>> -> memref<20x128xi32, #tpu.memory_space<hbm>>
        %dma_start3A_67 = arith.constant 0 : i32
        %dma_start3A_68 = arith.constant 0 : i32
        %dma_start3A_69 = tpu.memref_slice %arg8[%dma_start3A_67, %dma_start3A_68] : memref<80x128xi32, #tpu.memory_space<vmem>> -> memref<20x128xi32, #tpu.memory_space<vmem>>
        %dma_start3A_70 = arith.constant 2480 : i32
        %dma_start3A_71 = arith.constant 0 : i32
        %dma_start3A_72 = tpu.memref_slice %arg4[%dma_start3A_70, %dma_start3A_71] : memref<2500x128xi32, #tpu.memory_space<hbm>> -> memref<20x128xi32, #tpu.memory_space<hbm>>
        tpu.enqueue_dma source(%dma_start3A_72 : memref<20x128xi32, #tpu.memory_space<hbm>>) target(%dma_start3A_69 : memref<20x128xi32, #tpu.memory_space<vmem>>) target_semaphore(%run_scoped3A : memref<!tpu.dma_semaphore, #tpu.memory_space<semaphore_mem>>)
        %dma_wait3A = arith.constant 0 : i32
        %dma_wait3A_73 = arith.constant 0 : i32
        %dma_wait3A_74 = tpu.memref_slice %arg8[%dma_wait3A, %dma_wait3A_73] : memref<80x128xi32, #tpu.memory_space<vmem>> -> memref<20x128xi32, #tpu.memory_space<vmem>>
        %dma_wait3A_75 = arith.constant 2480 : i32
        %dma_wait3A_76 = arith.constant 0 : i32
        %dma_wait3A_77 = tpu.memref_slice %arg4[%dma_wait3A_75, %dma_wait3A_76] : memref<2500x128xi32, #tpu.memory_space<hbm>> -> memref<20x128xi32, #tpu.memory_space<hbm>>
        %dma_wait3A_78 = arith.constant 0 : i32
        %dma_wait3A_79 = arith.constant 0 : i32
        %dma_wait3A_80 = tpu.memref_slice %arg8[%dma_wait3A_78, %dma_wait3A_79] : memref<80x128xi32, #tpu.memory_space<vmem>> -> memref<20x128xi32, #tpu.memory_space<vmem>>
        %dma_wait3A_81 = arith.constant 2480 : i32
        %dma_wait3A_82 = arith.constant 0 : i32
        %dma_wait3A_83 = tpu.memref_slice %arg4[%dma_wait3A_81, %dma_wait3A_82] : memref<2500x128xi32, #tpu.memory_space<hbm>> -> memref<20x128xi32, #tpu.memory_space<hbm>>
        tpu.wait_dma2 semaphore(%run_scoped3A : memref<!tpu.dma_semaphore, #tpu.memory_space<semaphore_mem>>) src(%dma_wait3A_83 : memref<20x128xi32, #tpu.memory_space<hbm>>) dst(%dma_wait3A_80 : memref<20x128xi32, #tpu.memory_space<vmem>>)
        tpu.yield
      }) : () -> ()
    } else {
    }
    %barrier3A = arith.constant 0 : index
    tpu.barrier barrier_id(%barrier3A)
    %lt3A_26 = arith.constant 31 : i32
    %lt3A_27 = arith.cmpi slt, %add3A, %lt3A_26 : i32
    %jit3A = arith.constant 80 : i32
    %jit3A_28 = arith.constant 20 : i32
    %select_n3A = arith.select %lt3A_27, %jit3A, %jit3A_28 : i32
    %jit3A_29 = arith.constant 4 : i32
    %div3A = arith.divsi %select_n3A, %jit3A_29 : i32
    %sign3A = arith.constant 0 : i32
    %sign3A_30 = arith.cmpi sgt, %select_n3A, %sign3A : i32
    %sign3A_31 = arith.extui %sign3A_30 : i1 to i32
    %sign3A_32 = arith.constant 0 : i32
    %sign3A_33 = arith.cmpi slt, %select_n3A, %sign3A_32 : i32
    %sign3A_34 = arith.extui %sign3A_33 : i1 to i32
    %sign3A_35 = arith.subi %sign3A_31, %sign3A_34 : i32
    %sign3A_36 = arith.constant 0 : i32
    %sign3A_37 = arith.cmpi sgt, %jit3A_29, %sign3A_36 : i32
    %sign3A_38 = arith.extui %sign3A_37 : i1 to i32
    %sign3A_39 = arith.constant 0 : i32
    %sign3A_40 = arith.cmpi slt, %jit3A_29, %sign3A_39 : i32
    %sign3A_41 = arith.extui %sign3A_40 : i1 to i32
    %sign3A_42 = arith.subi %sign3A_38, %sign3A_41 : i32
    %ne3A = arith.cmpi ne, %sign3A_35, %sign3A_42 : i32
    %rem3A = arith.remsi %select_n3A, %jit3A_29 : i32
    %ne3A_43 = arith.constant 0 : i32
    %ne3A_44 = arith.cmpi ne, %rem3A, %ne3A_43 : i32
    %and3A = arith.andi %ne3A, %ne3A_44 : i1
    %sub3A = arith.constant 1 : i32
    %sub3A_45 = arith.subi %div3A, %sub3A : i32
    %select_n3A_46 = arith.select %and3A, %sub3A_45, %div3A : i32
    %while3A = arith.constant 0 : i32
    %while3A_47 = arith.constant 0 : i32
    %while3A_48 = arith.subi %select_n3A_46, %while3A_47 : i32
    %while3A_49 = arith.addi %while3A_47, %while3A_48 : i32
    %while3A_50 = arith.constant 1 : i32
    %while3A_51 = arith.divsi %while3A_48, %while3A_50 : i32
    %while3A_52 = arith.muli %while3A_51, %while3A_50 : i32
    %while3A_53 = arith.addi %while3A_47, %while3A_52 : i32
    %while3A_54 = arith.constant 1 : i32
    scf.for %while3A_62 = %while3A_47 to %while3A_53 step %while3A_54  : i32 {
      %mul3A_63 = arith.constant 4 : i32
      %mul3A_64 = arith.muli %mul3A_63, %while3A_62 : i32
      %add3A_65 = arith.constant 0 : i32
      %add3A_66 = arith.addi %mul3A_64, %add3A_65 : i32
      %dma_start3A = arith.constant 0 : i32
      %dma_start3A_67 = arith.constant 0 : i32
      %dma_start3A_68 = arith.constant 0 : i32
      %dma_start3A_69 = tpu.memref_slice %arg9[%dma_start3A, %dma_start3A_67, %dma_start3A_68] : memref<4x128x16xf32, #tpu.memory_space<vmem>> -> memref<1x128x16xf32, #tpu.memory_space<vmem>>
      %dma_start3A_70 = tpu.memref_squeeze %dma_start3A_69 : memref<1x128x16xf32, #tpu.memory_space<vmem>> -> memref<128x16xf32, #tpu.memory_space<vmem>>
      %dma_start3A_71 = arith.constant 0 : i32
      %dma_start3A_72 = tpu.memref_slice %arg7[%add3A_66, %dma_start3A_71] : memref<80x128xi32, #tpu.memory_space<vmem>> -> memref<1x128xi32, #tpu.memory_space<vmem>>
      %dma_start3A_73 = tpu.memref_squeeze %dma_start3A_72 : memref<1x128xi32, #tpu.memory_space<vmem>> -> memref<128xi32, #tpu.memory_space<vmem>>
      %dma_start3A_74 = arith.constant 0 : i32
      %dma_start3A_75 = arith.constant 0 : i32
      %dma_start3A_76 = tpu.memref_slice %arg2[%dma_start3A_74, %dma_start3A_75] : memref<10000x16xf32, #tpu.memory_space<hbm>> -> memref<10000x16xf32, #tpu.memory_space<hbm>>
      tpu.enqueue_indirect_dma source(%dma_start3A_76 : memref<10000x16xf32, #tpu.memory_space<hbm>>) target(%dma_start3A_70 : memref<128x16xf32, #tpu.memory_space<vmem>>) offsets(%dma_start3A_73 : memref<128xi32, #tpu.memory_space<vmem>>) semaphore(%arg11 : memref<!tpu.dma_semaphore, #tpu.memory_space<semaphore_mem>>)
      %add3A_77 = arith.constant 1 : i32
      %add3A_78 = arith.addi %mul3A_64, %add3A_77 : i32
      %dma_start3A_79 = arith.constant 1 : i32
      %dma_start3A_80 = arith.constant 0 : i32
      %dma_start3A_81 = arith.constant 0 : i32
      %dma_start3A_82 = tpu.memref_slice %arg9[%dma_start3A_79, %dma_start3A_80, %dma_start3A_81] : memref<4x128x16xf32, #tpu.memory_space<vmem>> -> memref<1x128x16xf32, #tpu.memory_space<vmem>>
      %dma_start3A_83 = tpu.memref_squeeze %dma_start3A_82 : memref<1x128x16xf32, #tpu.memory_space<vmem>> -> memref<128x16xf32, #tpu.memory_space<vmem>>
      %dma_start3A_84 = arith.constant 0 : i32
      %dma_start3A_85 = tpu.memref_slice %arg7[%add3A_78, %dma_start3A_84] : memref<80x128xi32, #tpu.memory_space<vmem>> -> memref<1x128xi32, #tpu.memory_space<vmem>>
      %dma_start3A_86 = tpu.memref_squeeze %dma_start3A_85 : memref<1x128xi32, #tpu.memory_space<vmem>> -> memref<128xi32, #tpu.memory_space<vmem>>
      %dma_start3A_87 = arith.constant 0 : i32
      %dma_start3A_88 = arith.constant 0 : i32
      %dma_start3A_89 = tpu.memref_slice %arg2[%dma_start3A_87, %dma_start3A_88] : memref<10000x16xf32, #tpu.memory_space<hbm>> -> memref<10000x16xf32, #tpu.memory_space<hbm>>
      tpu.enqueue_indirect_dma source(%dma_start3A_89 : memref<10000x16xf32, #tpu.memory_space<hbm>>) target(%dma_start3A_83 : memref<128x16xf32, #tpu.memory_space<vmem>>) offsets(%dma_start3A_86 : memref<128xi32, #tpu.memory_space<vmem>>) semaphore(%arg11 : memref<!tpu.dma_semaphore, #tpu.memory_space<semaphore_mem>>)
      %add3A_90 = arith.constant 2 : i32
      %add3A_91 = arith.addi %mul3A_64, %add3A_90 : i32
      %dma_start3A_92 = arith.constant 2 : i32
      %dma_start3A_93 = arith.constant 0 : i32
      %dma_start3A_94 = arith.constant 0 : i32
      %dma_start3A_95 = tpu.memref_slice %arg9[%dma_start3A_92, %dma_start3A_93, %dma_start3A_94] : memref<4x128x16xf32, #tpu.memory_space<vmem>> -> memref<1x128x16xf32, #tpu.memory_space<vmem>>
      %dma_start3A_96 = tpu.memref_squeeze %dma_start3A_95 : memref<1x128x16xf32, #tpu.memory_space<vmem>> -> memref<128x16xf32, #tpu.memory_space<vmem>>
      %dma_start3A_97 = arith.constant 0 : i32
      %dma_start3A_98 = tpu.memref_slice %arg7[%add3A_91, %dma_start3A_97] : memref<80x128xi32, #tpu.memory_space<vmem>> -> memref<1x128xi32, #tpu.memory_space<vmem>>
      %dma_start3A_99 = tpu.memref_squeeze %dma_start3A_98 : memref<1x128xi32, #tpu.memory_space<vmem>> -> memref<128xi32, #tpu.memory_space<vmem>>
      %dma_start3A_100 = arith.constant 0 : i32
      %dma_start3A_101 = arith.constant 0 : i32
      %dma_start3A_102 = tpu.memref_slice %arg2[%dma_start3A_100, %dma_start3A_101] : memref<10000x16xf32, #tpu.memory_space<hbm>> -> memref<10000x16xf32, #tpu.memory_space<hbm>>
      tpu.enqueue_indirect_dma source(%dma_start3A_102 : memref<10000x16xf32, #tpu.memory_space<hbm>>) target(%dma_start3A_96 : memref<128x16xf32, #tpu.memory_space<vmem>>) offsets(%dma_start3A_99 : memref<128xi32, #tpu.memory_space<vmem>>) semaphore(%arg11 : memref<!tpu.dma_semaphore, #tpu.memory_space<semaphore_mem>>)
      %add3A_103 = arith.constant 3 : i32
      %add3A_104 = arith.addi %mul3A_64, %add3A_103 : i32
      %dma_start3A_105 = arith.constant 3 : i32
      %dma_start3A_106 = arith.constant 0 : i32
      %dma_start3A_107 = arith.constant 0 : i32
      %dma_start3A_108 = tpu.memref_slice %arg9[%dma_start3A_105, %dma_start3A_106, %dma_start3A_107] : memref<4x128x16xf32, #tpu.memory_space<vmem>> -> memref<1x128x16xf32, #tpu.memory_space<vmem>>
      %dma_start3A_109 = tpu.memref_squeeze %dma_start3A_108 : memref<1x128x16xf32, #tpu.memory_space<vmem>> -> memref<128x16xf32, #tpu.memory_space<vmem>>
      %dma_start3A_110 = arith.constant 0 : i32
      %dma_start3A_111 = tpu.memref_slice %arg7[%add3A_104, %dma_start3A_110] : memref<80x128xi32, #tpu.memory_space<vmem>> -> memref<1x128xi32, #tpu.memory_space<vmem>>
      %dma_start3A_112 = tpu.memref_squeeze %dma_start3A_111 : memref<1x128xi32, #tpu.memory_space<vmem>> -> memref<128xi32, #tpu.memory_space<vmem>>
      %dma_start3A_113 = arith.constant 0 : i32
      %dma_start3A_114 = arith.constant 0 : i32
      %dma_start3A_115 = tpu.memref_slice %arg2[%dma_start3A_113, %dma_start3A_114] : memref<10000x16xf32, #tpu.memory_space<hbm>> -> memref<10000x16xf32, #tpu.memory_space<hbm>>
      tpu.enqueue_indirect_dma source(%dma_start3A_115 : memref<10000x16xf32, #tpu.memory_space<hbm>>) target(%dma_start3A_109 : memref<128x16xf32, #tpu.memory_space<vmem>>) offsets(%dma_start3A_112 : memref<128xi32, #tpu.memory_space<vmem>>) semaphore(%arg11 : memref<!tpu.dma_semaphore, #tpu.memory_space<semaphore_mem>>)
      %add3A_116 = arith.constant 0 : i32
      %add3A_117 = arith.addi %mul3A_64, %add3A_116 : i32
      %dma_wait3A = arith.constant 0 : i32
      %dma_wait3A_118 = arith.constant 0 : i32
      %dma_wait3A_119 = arith.constant 0 : i32
      %dma_wait3A_120 = tpu.memref_slice %arg9[%dma_wait3A, %dma_wait3A_118, %dma_wait3A_119] : memref<4x128x16xf32, #tpu.memory_space<vmem>> -> memref<1x128x16xf32, #tpu.memory_space<vmem>>
      %dma_wait3A_121 = tpu.memref_squeeze %dma_wait3A_120 : memref<1x128x16xf32, #tpu.memory_space<vmem>> -> memref<128x16xf32, #tpu.memory_space<vmem>>
      %dma_wait3A_122 = arith.constant 0 : i32
      %dma_wait3A_123 = tpu.memref_slice %arg7[%add3A_117, %dma_wait3A_122] : memref<80x128xi32, #tpu.memory_space<vmem>> -> memref<1x128xi32, #tpu.memory_space<vmem>>
      %dma_wait3A_124 = tpu.memref_squeeze %dma_wait3A_123 : memref<1x128xi32, #tpu.memory_space<vmem>> -> memref<128xi32, #tpu.memory_space<vmem>>
      %dma_wait3A_125 = arith.constant 0 : i32
      %dma_wait3A_126 = arith.constant 0 : i32
      %dma_wait3A_127 = tpu.memref_slice %arg2[%dma_wait3A_125, %dma_wait3A_126] : memref<10000x16xf32, #tpu.memory_space<hbm>> -> memref<10000x16xf32, #tpu.memory_space<hbm>>
      tpu.wait_indirect_dma semaphore(%arg11 : memref<!tpu.dma_semaphore, #tpu.memory_space<semaphore_mem>>) src(%dma_wait3A_127 : memref<10000x16xf32, #tpu.memory_space<hbm>>) dst(%dma_wait3A_121 : memref<128x16xf32, #tpu.memory_space<vmem>>)
      %add3A_128 = arith.constant 1 : i32
      %add3A_129 = arith.addi %mul3A_64, %add3A_128 : i32
      %dma_wait3A_130 = arith.constant 1 : i32
      %dma_wait3A_131 = arith.constant 0 : i32
      %dma_wait3A_132 = arith.constant 0 : i32
      %dma_wait3A_133 = tpu.memref_slice %arg9[%dma_wait3A_130, %dma_wait3A_131, %dma_wait3A_132] : memref<4x128x16xf32, #tpu.memory_space<vmem>> -> memref<1x128x16xf32, #tpu.memory_space<vmem>>
      %dma_wait3A_134 = tpu.memref_squeeze %dma_wait3A_133 : memref<1x128x16xf32, #tpu.memory_space<vmem>> -> memref<128x16xf32, #tpu.memory_space<vmem>>
      %dma_wait3A_135 = arith.constant 0 : i32
      %dma_wait3A_136 = tpu.memref_slice %arg7[%add3A_129, %dma_wait3A_135] : memref<80x128xi32, #tpu.memory_space<vmem>> -> memref<1x128xi32, #tpu.memory_space<vmem>>
      %dma_wait3A_137 = tpu.memref_squeeze %dma_wait3A_136 : memref<1x128xi32, #tpu.memory_space<vmem>> -> memref<128xi32, #tpu.memory_space<vmem>>
      %dma_wait3A_138 = arith.constant 0 : i32
      %dma_wait3A_139 = arith.constant 0 : i32
      %dma_wait3A_140 = tpu.memref_slice %arg2[%dma_wait3A_138, %dma_wait3A_139] : memref<10000x16xf32, #tpu.memory_space<hbm>> -> memref<10000x16xf32, #tpu.memory_space<hbm>>
      tpu.wait_indirect_dma semaphore(%arg11 : memref<!tpu.dma_semaphore, #tpu.memory_space<semaphore_mem>>) src(%dma_wait3A_140 : memref<10000x16xf32, #tpu.memory_space<hbm>>) dst(%dma_wait3A_134 : memref<128x16xf32, #tpu.memory_space<vmem>>)
      %add3A_141 = arith.constant 2 : i32
      %add3A_142 = arith.addi %mul3A_64, %add3A_141 : i32
      %dma_wait3A_143 = arith.constant 2 : i32
      %dma_wait3A_144 = arith.constant 0 : i32
      %dma_wait3A_145 = arith.constant 0 : i32
      %dma_wait3A_146 = tpu.memref_slice %arg9[%dma_wait3A_143, %dma_wait3A_144, %dma_wait3A_145] : memref<4x128x16xf32, #tpu.memory_space<vmem>> -> memref<1x128x16xf32, #tpu.memory_space<vmem>>
      %dma_wait3A_147 = tpu.memref_squeeze %dma_wait3A_146 : memref<1x128x16xf32, #tpu.memory_space<vmem>> -> memref<128x16xf32, #tpu.memory_space<vmem>>
      %dma_wait3A_148 = arith.constant 0 : i32
      %dma_wait3A_149 = tpu.memref_slice %arg7[%add3A_142, %dma_wait3A_148] : memref<80x128xi32, #tpu.memory_space<vmem>> -> memref<1x128xi32, #tpu.memory_space<vmem>>
      %dma_wait3A_150 = tpu.memref_squeeze %dma_wait3A_149 : memref<1x128xi32, #tpu.memory_space<vmem>> -> memref<128xi32, #tpu.memory_space<vmem>>
      %dma_wait3A_151 = arith.constant 0 : i32
      %dma_wait3A_152 = arith.constant 0 : i32
      %dma_wait3A_153 = tpu.memref_slice %arg2[%dma_wait3A_151, %dma_wait3A_152] : memref<10000x16xf32, #tpu.memory_space<hbm>> -> memref<10000x16xf32, #tpu.memory_space<hbm>>
      tpu.wait_indirect_dma semaphore(%arg11 : memref<!tpu.dma_semaphore, #tpu.memory_space<semaphore_mem>>) src(%dma_wait3A_153 : memref<10000x16xf32, #tpu.memory_space<hbm>>) dst(%dma_wait3A_147 : memref<128x16xf32, #tpu.memory_space<vmem>>)
      %add3A_154 = arith.constant 3 : i32
      %add3A_155 = arith.addi %mul3A_64, %add3A_154 : i32
      %dma_wait3A_156 = arith.constant 3 : i32
      %dma_wait3A_157 = arith.constant 0 : i32
      %dma_wait3A_158 = arith.constant 0 : i32
      %dma_wait3A_159 = tpu.memref_slice %arg9[%dma_wait3A_156, %dma_wait3A_157, %dma_wait3A_158] : memref<4x128x16xf32, #tpu.memory_space<vmem>> -> memref<1x128x16xf32, #tpu.memory_space<vmem>>
      %dma_wait3A_160 = tpu.memref_squeeze %dma_wait3A_159 : memref<1x128x16xf32, #tpu.memory_space<vmem>> -> memref<128x16xf32, #tpu.memory_space<vmem>>
      %dma_wait3A_161 = arith.constant 0 : i32
      %dma_wait3A_162 = tpu.memref_slice %arg7[%add3A_155, %dma_wait3A_161] : memref<80x128xi32, #tpu.memory_space<vmem>> -> memref<1x128xi32, #tpu.memory_space<vmem>>
      %dma_wait3A_163 = tpu.memref_squeeze %dma_wait3A_162 : memref<1x128xi32, #tpu.memory_space<vmem>> -> memref<128xi32, #tpu.memory_space<vmem>>
      %dma_wait3A_164 = arith.constant 0 : i32
      %dma_wait3A_165 = arith.constant 0 : i32
      %dma_wait3A_166 = tpu.memref_slice %arg2[%dma_wait3A_164, %dma_wait3A_165] : memref<10000x16xf32, #tpu.memory_space<hbm>> -> memref<10000x16xf32, #tpu.memory_space<hbm>>
      tpu.wait_indirect_dma semaphore(%arg11 : memref<!tpu.dma_semaphore, #tpu.memory_space<semaphore_mem>>) src(%dma_wait3A_166 : memref<10000x16xf32, #tpu.memory_space<hbm>>) dst(%dma_wait3A_160 : memref<128x16xf32, #tpu.memory_space<vmem>>)
      %add3A_167 = arith.constant 0 : i32
      %add3A_168 = arith.addi %mul3A_64, %add3A_167 : i32
      %dma_start3A_169 = arith.constant 0 : i32
      %dma_start3A_170 = arith.constant 0 : i32
      %dma_start3A_171 = arith.constant 0 : i32
      %dma_start3A_172 = tpu.memref_slice %arg9[%dma_start3A_169, %dma_start3A_170, %dma_start3A_171] : memref<4x128x16xf32, #tpu.memory_space<vmem>> -> memref<1x128x16xf32, #tpu.memory_space<vmem>>
      %dma_start3A_173 = tpu.memref_squeeze %dma_start3A_172 : memref<1x128x16xf32, #tpu.memory_space<vmem>> -> memref<128x16xf32, #tpu.memory_space<vmem>>
      %dma_start3A_174 = arith.constant 0 : i32
      %dma_start3A_175 = tpu.memref_slice %arg8[%add3A_168, %dma_start3A_174] : memref<80x128xi32, #tpu.memory_space<vmem>> -> memref<1x128xi32, #tpu.memory_space<vmem>>
      %dma_start3A_176 = tpu.memref_squeeze %dma_start3A_175 : memref<1x128xi32, #tpu.memory_space<vmem>> -> memref<128xi32, #tpu.memory_space<vmem>>
      %dma_start3A_177 = arith.constant 0 : i32
      %dma_start3A_178 = arith.constant 0 : i32
      %dma_start3A_179 = tpu.memref_slice %arg10[%dma_start3A_177, %dma_start3A_178] : memref<10000x16xf32, #tpu.memory_space<vmem_shared>> -> memref<10000x16xf32, #tpu.memory_space<vmem_shared>>
      tpu.enqueue_indirect_dma source(%dma_start3A_173 : memref<128x16xf32, #tpu.memory_space<vmem>>) target(%dma_start3A_179 : memref<10000x16xf32, #tpu.memory_space<vmem_shared>>) offsets(%dma_start3A_176 : memref<128xi32, #tpu.memory_space<vmem>>) semaphore(%arg12 : memref<!tpu.dma_semaphore, #tpu.memory_space<semaphore_mem>>) {add = true}
      %add3A_180 = arith.constant 1 : i32
      %add3A_181 = arith.addi %mul3A_64, %add3A_180 : i32
      %dma_start3A_182 = arith.constant 1 : i32
      %dma_start3A_183 = arith.constant 0 : i32
      %dma_start3A_184 = arith.constant 0 : i32
      %dma_start3A_185 = tpu.memref_slice %arg9[%dma_start3A_182, %dma_start3A_183, %dma_start3A_184] : memref<4x128x16xf32, #tpu.memory_space<vmem>> -> memref<1x128x16xf32, #tpu.memory_space<vmem>>
      %dma_start3A_186 = tpu.memref_squeeze %dma_start3A_185 : memref<1x128x16xf32, #tpu.memory_space<vmem>> -> memref<128x16xf32, #tpu.memory_space<vmem>>
      %dma_start3A_187 = arith.constant 0 : i32
      %dma_start3A_188 = tpu.memref_slice %arg8[%add3A_181, %dma_start3A_187] : memref<80x128xi32, #tpu.memory_space<vmem>> -> memref<1x128xi32, #tpu.memory_space<vmem>>
      %dma_start3A_189 = tpu.memref_squeeze %dma_start3A_188 : memref<1x128xi32, #tpu.memory_space<vmem>> -> memref<128xi32, #tpu.memory_space<vmem>>
      %dma_start3A_190 = arith.constant 0 : i32
      %dma_start3A_191 = arith.constant 0 : i32
      %dma_start3A_192 = tpu.memref_slice %arg10[%dma_start3A_190, %dma_start3A_191] : memref<10000x16xf32, #tpu.memory_space<vmem_shared>> -> memref<10000x16xf32, #tpu.memory_space<vmem_shared>>
      tpu.enqueue_indirect_dma source(%dma_start3A_186 : memref<128x16xf32, #tpu.memory_space<vmem>>) target(%dma_start3A_192 : memref<10000x16xf32, #tpu.memory_space<vmem_shared>>) offsets(%dma_start3A_189 : memref<128xi32, #tpu.memory_space<vmem>>) semaphore(%arg12 : memref<!tpu.dma_semaphore, #tpu.memory_space<semaphore_mem>>) {add = true}
      %add3A_193 = arith.constant 2 : i32
      %add3A_194 = arith.addi %mul3A_64, %add3A_193 : i32
      %dma_start3A_195 = arith.constant 2 : i32
      %dma_start3A_196 = arith.constant 0 : i32
      %dma_start3A_197 = arith.constant 0 : i32
      %dma_start3A_198 = tpu.memref_slice %arg9[%dma_start3A_195, %dma_start3A_196, %dma_start3A_197] : memref<4x128x16xf32, #tpu.memory_space<vmem>> -> memref<1x128x16xf32, #tpu.memory_space<vmem>>
      %dma_start3A_199 = tpu.memref_squeeze %dma_start3A_198 : memref<1x128x16xf32, #tpu.memory_space<vmem>> -> memref<128x16xf32, #tpu.memory_space<vmem>>
      %dma_start3A_200 = arith.constant 0 : i32
      %dma_start3A_201 = tpu.memref_slice %arg8[%add3A_194, %dma_start3A_200] : memref<80x128xi32, #tpu.memory_space<vmem>> -> memref<1x128xi32, #tpu.memory_space<vmem>>
      %dma_start3A_202 = tpu.memref_squeeze %dma_start3A_201 : memref<1x128xi32, #tpu.memory_space<vmem>> -> memref<128xi32, #tpu.memory_space<vmem>>
      %dma_start3A_203 = arith.constant 0 : i32
      %dma_start3A_204 = arith.constant 0 : i32
      %dma_start3A_205 = tpu.memref_slice %arg10[%dma_start3A_203, %dma_start3A_204] : memref<10000x16xf32, #tpu.memory_space<vmem_shared>> -> memref<10000x16xf32, #tpu.memory_space<vmem_shared>>
      tpu.enqueue_indirect_dma source(%dma_start3A_199 : memref<128x16xf32, #tpu.memory_space<vmem>>) target(%dma_start3A_205 : memref<10000x16xf32, #tpu.memory_space<vmem_shared>>) offsets(%dma_start3A_202 : memref<128xi32, #tpu.memory_space<vmem>>) semaphore(%arg12 : memref<!tpu.dma_semaphore, #tpu.memory_space<semaphore_mem>>) {add = true}
      %add3A_206 = arith.constant 3 : i32
      %add3A_207 = arith.addi %mul3A_64, %add3A_206 : i32
      %dma_start3A_208 = arith.constant 3 : i32
      %dma_start3A_209 = arith.constant 0 : i32
      %dma_start3A_210 = arith.constant 0 : i32
      %dma_start3A_211 = tpu.memref_slice %arg9[%dma_start3A_208, %dma_start3A_209, %dma_start3A_210] : memref<4x128x16xf32, #tpu.memory_space<vmem>> -> memref<1x128x16xf32, #tpu.memory_space<vmem>>
      %dma_start3A_212 = tpu.memref_squeeze %dma_start3A_211 : memref<1x128x16xf32, #tpu.memory_space<vmem>> -> memref<128x16xf32, #tpu.memory_space<vmem>>
      %dma_start3A_213 = arith.constant 0 : i32
      %dma_start3A_214 = tpu.memref_slice %arg8[%add3A_207, %dma_start3A_213] : memref<80x128xi32, #tpu.memory_space<vmem>> -> memref<1x128xi32, #tpu.memory_space<vmem>>
      %dma_start3A_215 = tpu.memref_squeeze %dma_start3A_214 : memref<1x128xi32, #tpu.memory_space<vmem>> -> memref<128xi32, #tpu.memory_space<vmem>>
      %dma_start3A_216 = arith.constant 0 : i32
      %dma_start3A_217 = arith.constant 0 : i32
      %dma_start3A_218 = tpu.memref_slice %arg10[%dma_start3A_216, %dma_start3A_217] : memref<10000x16xf32, #tpu.memory_space<vmem_shared>> -> memref<10000x16xf32, #tpu.memory_space<vmem_shared>>
      tpu.enqueue_indirect_dma source(%dma_start3A_212 : memref<128x16xf32, #tpu.memory_space<vmem>>) target(%dma_start3A_218 : memref<10000x16xf32, #tpu.memory_space<vmem_shared>>) offsets(%dma_start3A_215 : memref<128xi32, #tpu.memory_space<vmem>>) semaphore(%arg12 : memref<!tpu.dma_semaphore, #tpu.memory_space<semaphore_mem>>) {add = true}
      %add3A_219 = arith.constant 0 : i32
      %add3A_220 = arith.addi %mul3A_64, %add3A_219 : i32
      %dma_wait3A_221 = arith.constant 0 : i32
      %dma_wait3A_222 = arith.constant 0 : i32
      %dma_wait3A_223 = arith.constant 0 : i32
      %dma_wait3A_224 = tpu.memref_slice %arg9[%dma_wait3A_221, %dma_wait3A_222, %dma_wait3A_223] : memref<4x128x16xf32, #tpu.memory_space<vmem>> -> memref<1x128x16xf32, #tpu.memory_space<vmem>>
      %dma_wait3A_225 = tpu.memref_squeeze %dma_wait3A_224 : memref<1x128x16xf32, #tpu.memory_space<vmem>> -> memref<128x16xf32, #tpu.memory_space<vmem>>
      %dma_wait3A_226 = arith.constant 0 : i32
      %dma_wait3A_227 = tpu.memref_slice %arg8[%add3A_220, %dma_wait3A_226] : memref<80x128xi32, #tpu.memory_space<vmem>> -> memref<1x128xi32, #tpu.memory_space<vmem>>
      %dma_wait3A_228 = tpu.memref_squeeze %dma_wait3A_227 : memref<1x128xi32, #tpu.memory_space<vmem>> -> memref<128xi32, #tpu.memory_space<vmem>>
      %dma_wait3A_229 = arith.constant 0 : i32
      %dma_wait3A_230 = arith.constant 0 : i32
      %dma_wait3A_231 = tpu.memref_slice %arg10[%dma_wait3A_229, %dma_wait3A_230] : memref<10000x16xf32, #tpu.memory_space<vmem_shared>> -> memref<10000x16xf32, #tpu.memory_space<vmem_shared>>
      tpu.wait_indirect_dma semaphore(%arg12 : memref<!tpu.dma_semaphore, #tpu.memory_space<semaphore_mem>>) src(%dma_wait3A_225 : memref<128x16xf32, #tpu.memory_space<vmem>>) dst(%dma_wait3A_231 : memref<10000x16xf32, #tpu.memory_space<vmem_shared>>)
      %add3A_232 = arith.constant 1 : i32
      %add3A_233 = arith.addi %mul3A_64, %add3A_232 : i32
      %dma_wait3A_234 = arith.constant 1 : i32
      %dma_wait3A_235 = arith.constant 0 : i32
      %dma_wait3A_236 = arith.constant 0 : i32
      %dma_wait3A_237 = tpu.memref_slice %arg9[%dma_wait3A_234, %dma_wait3A_235, %dma_wait3A_236] : memref<4x128x16xf32, #tpu.memory_space<vmem>> -> memref<1x128x16xf32, #tpu.memory_space<vmem>>
      %dma_wait3A_238 = tpu.memref_squeeze %dma_wait3A_237 : memref<1x128x16xf32, #tpu.memory_space<vmem>> -> memref<128x16xf32, #tpu.memory_space<vmem>>
      %dma_wait3A_239 = arith.constant 0 : i32
      %dma_wait3A_240 = tpu.memref_slice %arg8[%add3A_233, %dma_wait3A_239] : memref<80x128xi32, #tpu.memory_space<vmem>> -> memref<1x128xi32, #tpu.memory_space<vmem>>
      %dma_wait3A_241 = tpu.memref_squeeze %dma_wait3A_240 : memref<1x128xi32, #tpu.memory_space<vmem>> -> memref<128xi32, #tpu.memory_space<vmem>>
      %dma_wait3A_242 = arith.constant 0 : i32
      %dma_wait3A_243 = arith.constant 0 : i32
      %dma_wait3A_244 = tpu.memref_slice %arg10[%dma_wait3A_242, %dma_wait3A_243] : memref<10000x16xf32, #tpu.memory_space<vmem_shared>> -> memref<10000x16xf32, #tpu.memory_space<vmem_shared>>
      tpu.wait_indirect_dma semaphore(%arg12 : memref<!tpu.dma_semaphore, #tpu.memory_space<semaphore_mem>>) src(%dma_wait3A_238 : memref<128x16xf32, #tpu.memory_space<vmem>>) dst(%dma_wait3A_244 : memref<10000x16xf32, #tpu.memory_space<vmem_shared>>)
      %add3A_245 = arith.constant 2 : i32
      %add3A_246 = arith.addi %mul3A_64, %add3A_245 : i32
      %dma_wait3A_247 = arith.constant 2 : i32
      %dma_wait3A_248 = arith.constant 0 : i32
      %dma_wait3A_249 = arith.constant 0 : i32
      %dma_wait3A_250 = tpu.memref_slice %arg9[%dma_wait3A_247, %dma_wait3A_248, %dma_wait3A_249] : memref<4x128x16xf32, #tpu.memory_space<vmem>> -> memref<1x128x16xf32, #tpu.memory_space<vmem>>
      %dma_wait3A_251 = tpu.memref_squeeze %dma_wait3A_250 : memref<1x128x16xf32, #tpu.memory_space<vmem>> -> memref<128x16xf32, #tpu.memory_space<vmem>>
      %dma_wait3A_252 = arith.constant 0 : i32
      %dma_wait3A_253 = tpu.memref_slice %arg8[%add3A_246, %dma_wait3A_252] : memref<80x128xi32, #tpu.memory_space<vmem>> -> memref<1x128xi32, #tpu.memory_space<vmem>>
      %dma_wait3A_254 = tpu.memref_squeeze %dma_wait3A_253 : memref<1x128xi32, #tpu.memory_space<vmem>> -> memref<128xi32, #tpu.memory_space<vmem>>
      %dma_wait3A_255 = arith.constant 0 : i32
      %dma_wait3A_256 = arith.constant 0 : i32
      %dma_wait3A_257 = tpu.memref_slice %arg10[%dma_wait3A_255, %dma_wait3A_256] : memref<10000x16xf32, #tpu.memory_space<vmem_shared>> -> memref<10000x16xf32, #tpu.memory_space<vmem_shared>>
      tpu.wait_indirect_dma semaphore(%arg12 : memref<!tpu.dma_semaphore, #tpu.memory_space<semaphore_mem>>) src(%dma_wait3A_251 : memref<128x16xf32, #tpu.memory_space<vmem>>) dst(%dma_wait3A_257 : memref<10000x16xf32, #tpu.memory_space<vmem_shared>>)
      %add3A_258 = arith.constant 3 : i32
      %add3A_259 = arith.addi %mul3A_64, %add3A_258 : i32
      %dma_wait3A_260 = arith.constant 3 : i32
      %dma_wait3A_261 = arith.constant 0 : i32
      %dma_wait3A_262 = arith.constant 0 : i32
      %dma_wait3A_263 = tpu.memref_slice %arg9[%dma_wait3A_260, %dma_wait3A_261, %dma_wait3A_262] : memref<4x128x16xf32, #tpu.memory_space<vmem>> -> memref<1x128x16xf32, #tpu.memory_space<vmem>>
      %dma_wait3A_264 = tpu.memref_squeeze %dma_wait3A_263 : memref<1x128x16xf32, #tpu.memory_space<vmem>> -> memref<128x16xf32, #tpu.memory_space<vmem>>
      %dma_wait3A_265 = arith.constant 0 : i32
      %dma_wait3A_266 = tpu.memref_slice %arg8[%add3A_259, %dma_wait3A_265] : memref<80x128xi32, #tpu.memory_space<vmem>> -> memref<1x128xi32, #tpu.memory_space<vmem>>
      %dma_wait3A_267 = tpu.memref_squeeze %dma_wait3A_266 : memref<1x128xi32, #tpu.memory_space<vmem>> -> memref<128xi32, #tpu.memory_space<vmem>>
      %dma_wait3A_268 = arith.constant 0 : i32
      %dma_wait3A_269 = arith.constant 0 : i32
      %dma_wait3A_270 = tpu.memref_slice %arg10[%dma_wait3A_268, %dma_wait3A_269] : memref<10000x16xf32, #tpu.memory_space<vmem_shared>> -> memref<10000x16xf32, #tpu.memory_space<vmem_shared>>
      tpu.wait_indirect_dma semaphore(%arg12 : memref<!tpu.dma_semaphore, #tpu.memory_space<semaphore_mem>>) src(%dma_wait3A_264 : memref<128x16xf32, #tpu.memory_space<vmem>>) dst(%dma_wait3A_270 : memref<10000x16xf32, #tpu.memory_space<vmem_shared>>)
    }
    %while3A_55 = arith.constant 1 : i32
    scf.for %while3A_62 = %while3A_53 to %while3A_49 step %while3A_55  : i32 {
      %mul3A_63 = arith.constant 4 : i32
      %mul3A_64 = arith.muli %mul3A_63, %while3A_62 : i32
      %add3A_65 = arith.constant 0 : i32
      %add3A_66 = arith.addi %mul3A_64, %add3A_65 : i32
      %dma_start3A = arith.constant 0 : i32
      %dma_start3A_67 = arith.constant 0 : i32
      %dma_start3A_68 = arith.constant 0 : i32
      %dma_start3A_69 = tpu.memref_slice %arg9[%dma_start3A, %dma_start3A_67, %dma_start3A_68] : memref<4x128x16xf32, #tpu.memory_space<vmem>> -> memref<1x128x16xf32, #tpu.memory_space<vmem>>
      %dma_start3A_70 = tpu.memref_squeeze %dma_start3A_69 : memref<1x128x16xf32, #tpu.memory_space<vmem>> -> memref<128x16xf32, #tpu.memory_space<vmem>>
      %dma_start3A_71 = arith.constant 0 : i32
      %dma_start3A_72 = tpu.memref_slice %arg7[%add3A_66, %dma_start3A_71] : memref<80x128xi32, #tpu.memory_space<vmem>> -> memref<1x128xi32, #tpu.memory_space<vmem>>
      %dma_start3A_73 = tpu.memref_squeeze %dma_start3A_72 : memref<1x128xi32, #tpu.memory_space<vmem>> -> memref<128xi32, #tpu.memory_space<vmem>>
      %dma_start3A_74 = arith.constant 0 : i32
      %dma_start3A_75 = arith.constant 0 : i32
      %dma_start3A_76 = tpu.memref_slice %arg2[%dma_start3A_74, %dma_start3A_75] : memref<10000x16xf32, #tpu.memory_space<hbm>> -> memref<10000x16xf32, #tpu.memory_space<hbm>>
      tpu.enqueue_indirect_dma source(%dma_start3A_76 : memref<10000x16xf32, #tpu.memory_space<hbm>>) target(%dma_start3A_70 : memref<128x16xf32, #tpu.memory_space<vmem>>) offsets(%dma_start3A_73 : memref<128xi32, #tpu.memory_space<vmem>>) semaphore(%arg11 : memref<!tpu.dma_semaphore, #tpu.memory_space<semaphore_mem>>)
      %add3A_77 = arith.constant 1 : i32
      %add3A_78 = arith.addi %mul3A_64, %add3A_77 : i32
      %dma_start3A_79 = arith.constant 1 : i32
      %dma_start3A_80 = arith.constant 0 : i32
      %dma_start3A_81 = arith.constant 0 : i32
      %dma_start3A_82 = tpu.memref_slice %arg9[%dma_start3A_79, %dma_start3A_80, %dma_start3A_81] : memref<4x128x16xf32, #tpu.memory_space<vmem>> -> memref<1x128x16xf32, #tpu.memory_space<vmem>>
      %dma_start3A_83 = tpu.memref_squeeze %dma_start3A_82 : memref<1x128x16xf32, #tpu.memory_space<vmem>> -> memref<128x16xf32, #tpu.memory_space<vmem>>
      %dma_start3A_84 = arith.constant 0 : i32
      %dma_start3A_85 = tpu.memref_slice %arg7[%add3A_78, %dma_start3A_84] : memref<80x128xi32, #tpu.memory_space<vmem>> -> memref<1x128xi32, #tpu.memory_space<vmem>>
      %dma_start3A_86 = tpu.memref_squeeze %dma_start3A_85 : memref<1x128xi32, #tpu.memory_space<vmem>> -> memref<128xi32, #tpu.memory_space<vmem>>
      %dma_start3A_87 = arith.constant 0 : i32
      %dma_start3A_88 = arith.constant 0 : i32
      %dma_start3A_89 = tpu.memref_slice %arg2[%dma_start3A_87, %dma_start3A_88] : memref<10000x16xf32, #tpu.memory_space<hbm>> -> memref<10000x16xf32, #tpu.memory_space<hbm>>
      tpu.enqueue_indirect_dma source(%dma_start3A_89 : memref<10000x16xf32, #tpu.memory_space<hbm>>) target(%dma_start3A_83 : memref<128x16xf32, #tpu.memory_space<vmem>>) offsets(%dma_start3A_86 : memref<128xi32, #tpu.memory_space<vmem>>) semaphore(%arg11 : memref<!tpu.dma_semaphore, #tpu.memory_space<semaphore_mem>>)
      %add3A_90 = arith.constant 2 : i32
      %add3A_91 = arith.addi %mul3A_64, %add3A_90 : i32
      %dma_start3A_92 = arith.constant 2 : i32
      %dma_start3A_93 = arith.constant 0 : i32
      %dma_start3A_94 = arith.constant 0 : i32
      %dma_start3A_95 = tpu.memref_slice %arg9[%dma_start3A_92, %dma_start3A_93, %dma_start3A_94] : memref<4x128x16xf32, #tpu.memory_space<vmem>> -> memref<1x128x16xf32, #tpu.memory_space<vmem>>
      %dma_start3A_96 = tpu.memref_squeeze %dma_start3A_95 : memref<1x128x16xf32, #tpu.memory_space<vmem>> -> memref<128x16xf32, #tpu.memory_space<vmem>>
      %dma_start3A_97 = arith.constant 0 : i32
      %dma_start3A_98 = tpu.memref_slice %arg7[%add3A_91, %dma_start3A_97] : memref<80x128xi32, #tpu.memory_space<vmem>> -> memref<1x128xi32, #tpu.memory_space<vmem>>
      %dma_start3A_99 = tpu.memref_squeeze %dma_start3A_98 : memref<1x128xi32, #tpu.memory_space<vmem>> -> memref<128xi32, #tpu.memory_space<vmem>>
      %dma_start3A_100 = arith.constant 0 : i32
      %dma_start3A_101 = arith.constant 0 : i32
      %dma_start3A_102 = tpu.memref_slice %arg2[%dma_start3A_100, %dma_start3A_101] : memref<10000x16xf32, #tpu.memory_space<hbm>> -> memref<10000x16xf32, #tpu.memory_space<hbm>>
      tpu.enqueue_indirect_dma source(%dma_start3A_102 : memref<10000x16xf32, #tpu.memory_space<hbm>>) target(%dma_start3A_96 : memref<128x16xf32, #tpu.memory_space<vmem>>) offsets(%dma_start3A_99 : memref<128xi32, #tpu.memory_space<vmem>>) semaphore(%arg11 : memref<!tpu.dma_semaphore, #tpu.memory_space<semaphore_mem>>)
      %add3A_103 = arith.constant 3 : i32
      %add3A_104 = arith.addi %mul3A_64, %add3A_103 : i32
      %dma_start3A_105 = arith.constant 3 : i32
      %dma_start3A_106 = arith.constant 0 : i32
      %dma_start3A_107 = arith.constant 0 : i32
      %dma_start3A_108 = tpu.memref_slice %arg9[%dma_start3A_105, %dma_start3A_106, %dma_start3A_107] : memref<4x128x16xf32, #tpu.memory_space<vmem>> -> memref<1x128x16xf32, #tpu.memory_space<vmem>>
      %dma_start3A_109 = tpu.memref_squeeze %dma_start3A_108 : memref<1x128x16xf32, #tpu.memory_space<vmem>> -> memref<128x16xf32, #tpu.memory_space<vmem>>
      %dma_start3A_110 = arith.constant 0 : i32
      %dma_start3A_111 = tpu.memref_slice %arg7[%add3A_104, %dma_start3A_110] : memref<80x128xi32, #tpu.memory_space<vmem>> -> memref<1x128xi32, #tpu.memory_space<vmem>>
      %dma_start3A_112 = tpu.memref_squeeze %dma_start3A_111 : memref<1x128xi32, #tpu.memory_space<vmem>> -> memref<128xi32, #tpu.memory_space<vmem>>
      %dma_start3A_113 = arith.constant 0 : i32
      %dma_start3A_114 = arith.constant 0 : i32
      %dma_start3A_115 = tpu.memref_slice %arg2[%dma_start3A_113, %dma_start3A_114] : memref<10000x16xf32, #tpu.memory_space<hbm>> -> memref<10000x16xf32, #tpu.memory_space<hbm>>
      tpu.enqueue_indirect_dma source(%dma_start3A_115 : memref<10000x16xf32, #tpu.memory_space<hbm>>) target(%dma_start3A_109 : memref<128x16xf32, #tpu.memory_space<vmem>>) offsets(%dma_start3A_112 : memref<128xi32, #tpu.memory_space<vmem>>) semaphore(%arg11 : memref<!tpu.dma_semaphore, #tpu.memory_space<semaphore_mem>>)
      %add3A_116 = arith.constant 0 : i32
      %add3A_117 = arith.addi %mul3A_64, %add3A_116 : i32
      %dma_wait3A = arith.constant 0 : i32
      %dma_wait3A_118 = arith.constant 0 : i32
      %dma_wait3A_119 = arith.constant 0 : i32
      %dma_wait3A_120 = tpu.memref_slice %arg9[%dma_wait3A, %dma_wait3A_118, %dma_wait3A_119] : memref<4x128x16xf32, #tpu.memory_space<vmem>> -> memref<1x128x16xf32, #tpu.memory_space<vmem>>
      %dma_wait3A_121 = tpu.memref_squeeze %dma_wait3A_120 : memref<1x128x16xf32, #tpu.memory_space<vmem>> -> memref<128x16xf32, #tpu.memory_space<vmem>>
      %dma_wait3A_122 = arith.constant 0 : i32
      %dma_wait3A_123 = tpu.memref_slice %arg7[%add3A_117, %dma_wait3A_122] : memref<80x128xi32, #tpu.memory_space<vmem>> -> memref<1x128xi32, #tpu.memory_space<vmem>>
      %dma_wait3A_124 = tpu.memref_squeeze %dma_wait3A_123 : memref<1x128xi32, #tpu.memory_space<vmem>> -> memref<128xi32, #tpu.memory_space<vmem>>
      %dma_wait3A_125 = arith.constant 0 : i32
      %dma_wait3A_126 = arith.constant 0 : i32
      %dma_wait3A_127 = tpu.memref_slice %arg2[%dma_wait3A_125, %dma_wait3A_126] : memref<10000x16xf32, #tpu.memory_space<hbm>> -> memref<10000x16xf32, #tpu.memory_space<hbm>>
      tpu.wait_indirect_dma semaphore(%arg11 : memref<!tpu.dma_semaphore, #tpu.memory_space<semaphore_mem>>) src(%dma_wait3A_127 : memref<10000x16xf32, #tpu.memory_space<hbm>>) dst(%dma_wait3A_121 : memref<128x16xf32, #tpu.memory_space<vmem>>)
      %add3A_128 = arith.constant 1 : i32
      %add3A_129 = arith.addi %mul3A_64, %add3A_128 : i32
      %dma_wait3A_130 = arith.constant 1 : i32
      %dma_wait3A_131 = arith.constant 0 : i32
      %dma_wait3A_132 = arith.constant 0 : i32
      %dma_wait3A_133 = tpu.memref_slice %arg9[%dma_wait3A_130, %dma_wait3A_131, %dma_wait3A_132] : memref<4x128x16xf32, #tpu.memory_space<vmem>> -> memref<1x128x16xf32, #tpu.memory_space<vmem>>
      %dma_wait3A_134 = tpu.memref_squeeze %dma_wait3A_133 : memref<1x128x16xf32, #tpu.memory_space<vmem>> -> memref<128x16xf32, #tpu.memory_space<vmem>>
      %dma_wait3A_135 = arith.constant 0 : i32
      %dma_wait3A_136 = tpu.memref_slice %arg7[%add3A_129, %dma_wait3A_135] : memref<80x128xi32, #tpu.memory_space<vmem>> -> memref<1x128xi32, #tpu.memory_space<vmem>>
      %dma_wait3A_137 = tpu.memref_squeeze %dma_wait3A_136 : memref<1x128xi32, #tpu.memory_space<vmem>> -> memref<128xi32, #tpu.memory_space<vmem>>
      %dma_wait3A_138 = arith.constant 0 : i32
      %dma_wait3A_139 = arith.constant 0 : i32
      %dma_wait3A_140 = tpu.memref_slice %arg2[%dma_wait3A_138, %dma_wait3A_139] : memref<10000x16xf32, #tpu.memory_space<hbm>> -> memref<10000x16xf32, #tpu.memory_space<hbm>>
      tpu.wait_indirect_dma semaphore(%arg11 : memref<!tpu.dma_semaphore, #tpu.memory_space<semaphore_mem>>) src(%dma_wait3A_140 : memref<10000x16xf32, #tpu.memory_space<hbm>>) dst(%dma_wait3A_134 : memref<128x16xf32, #tpu.memory_space<vmem>>)
      %add3A_141 = arith.constant 2 : i32
      %add3A_142 = arith.addi %mul3A_64, %add3A_141 : i32
      %dma_wait3A_143 = arith.constant 2 : i32
      %dma_wait3A_144 = arith.constant 0 : i32
      %dma_wait3A_145 = arith.constant 0 : i32
      %dma_wait3A_146 = tpu.memref_slice %arg9[%dma_wait3A_143, %dma_wait3A_144, %dma_wait3A_145] : memref<4x128x16xf32, #tpu.memory_space<vmem>> -> memref<1x128x16xf32, #tpu.memory_space<vmem>>
      %dma_wait3A_147 = tpu.memref_squeeze %dma_wait3A_146 : memref<1x128x16xf32, #tpu.memory_space<vmem>> -> memref<128x16xf32, #tpu.memory_space<vmem>>
      %dma_wait3A_148 = arith.constant 0 : i32
      %dma_wait3A_149 = tpu.memref_slice %arg7[%add3A_142, %dma_wait3A_148] : memref<80x128xi32, #tpu.memory_space<vmem>> -> memref<1x128xi32, #tpu.memory_space<vmem>>
      %dma_wait3A_150 = tpu.memref_squeeze %dma_wait3A_149 : memref<1x128xi32, #tpu.memory_space<vmem>> -> memref<128xi32, #tpu.memory_space<vmem>>
      %dma_wait3A_151 = arith.constant 0 : i32
      %dma_wait3A_152 = arith.constant 0 : i32
      %dma_wait3A_153 = tpu.memref_slice %arg2[%dma_wait3A_151, %dma_wait3A_152] : memref<10000x16xf32, #tpu.memory_space<hbm>> -> memref<10000x16xf32, #tpu.memory_space<hbm>>
      tpu.wait_indirect_dma semaphore(%arg11 : memref<!tpu.dma_semaphore, #tpu.memory_space<semaphore_mem>>) src(%dma_wait3A_153 : memref<10000x16xf32, #tpu.memory_space<hbm>>) dst(%dma_wait3A_147 : memref<128x16xf32, #tpu.memory_space<vmem>>)
      %add3A_154 = arith.constant 3 : i32
      %add3A_155 = arith.addi %mul3A_64, %add3A_154 : i32
      %dma_wait3A_156 = arith.constant 3 : i32
      %dma_wait3A_157 = arith.constant 0 : i32
      %dma_wait3A_158 = arith.constant 0 : i32
      %dma_wait3A_159 = tpu.memref_slice %arg9[%dma_wait3A_156, %dma_wait3A_157, %dma_wait3A_158] : memref<4x128x16xf32, #tpu.memory_space<vmem>> -> memref<1x128x16xf32, #tpu.memory_space<vmem>>
      %dma_wait3A_160 = tpu.memref_squeeze %dma_wait3A_159 : memref<1x128x16xf32, #tpu.memory_space<vmem>> -> memref<128x16xf32, #tpu.memory_space<vmem>>
      %dma_wait3A_161 = arith.constant 0 : i32
      %dma_wait3A_162 = tpu.memref_slice %arg7[%add3A_155, %dma_wait3A_161] : memref<80x128xi32, #tpu.memory_space<vmem>> -> memref<1x128xi32, #tpu.memory_space<vmem>>
      %dma_wait3A_163 = tpu.memref_squeeze %dma_wait3A_162 : memref<1x128xi32, #tpu.memory_space<vmem>> -> memref<128xi32, #tpu.memory_space<vmem>>
      %dma_wait3A_164 = arith.constant 0 : i32
      %dma_wait3A_165 = arith.constant 0 : i32
      %dma_wait3A_166 = tpu.memref_slice %arg2[%dma_wait3A_164, %dma_wait3A_165] : memref<10000x16xf32, #tpu.memory_space<hbm>> -> memref<10000x16xf32, #tpu.memory_space<hbm>>
      tpu.wait_indirect_dma semaphore(%arg11 : memref<!tpu.dma_semaphore, #tpu.memory_space<semaphore_mem>>) src(%dma_wait3A_166 : memref<10000x16xf32, #tpu.memory_space<hbm>>) dst(%dma_wait3A_160 : memref<128x16xf32, #tpu.memory_space<vmem>>)
      %add3A_167 = arith.constant 0 : i32
      %add3A_168 = arith.addi %mul3A_64, %add3A_167 : i32
      %dma_start3A_169 = arith.constant 0 : i32
      %dma_start3A_170 = arith.constant 0 : i32
      %dma_start3A_171 = arith.constant 0 : i32
      %dma_start3A_172 = tpu.memref_slice %arg9[%dma_start3A_169, %dma_start3A_170, %dma_start3A_171] : memref<4x128x16xf32, #tpu.memory_space<vmem>> -> memref<1x128x16xf32, #tpu.memory_space<vmem>>
      %dma_start3A_173 = tpu.memref_squeeze %dma_start3A_172 : memref<1x128x16xf32, #tpu.memory_space<vmem>> -> memref<128x16xf32, #tpu.memory_space<vmem>>
      %dma_start3A_174 = arith.constant 0 : i32
      %dma_start3A_175 = tpu.memref_slice %arg8[%add3A_168, %dma_start3A_174] : memref<80x128xi32, #tpu.memory_space<vmem>> -> memref<1x128xi32, #tpu.memory_space<vmem>>
      %dma_start3A_176 = tpu.memref_squeeze %dma_start3A_175 : memref<1x128xi32, #tpu.memory_space<vmem>> -> memref<128xi32, #tpu.memory_space<vmem>>
      %dma_start3A_177 = arith.constant 0 : i32
      %dma_start3A_178 = arith.constant 0 : i32
      %dma_start3A_179 = tpu.memref_slice %arg10[%dma_start3A_177, %dma_start3A_178] : memref<10000x16xf32, #tpu.memory_space<vmem_shared>> -> memref<10000x16xf32, #tpu.memory_space<vmem_shared>>
      tpu.enqueue_indirect_dma source(%dma_start3A_173 : memref<128x16xf32, #tpu.memory_space<vmem>>) target(%dma_start3A_179 : memref<10000x16xf32, #tpu.memory_space<vmem_shared>>) offsets(%dma_start3A_176 : memref<128xi32, #tpu.memory_space<vmem>>) semaphore(%arg12 : memref<!tpu.dma_semaphore, #tpu.memory_space<semaphore_mem>>) {add = true}
      %add3A_180 = arith.constant 1 : i32
      %add3A_181 = arith.addi %mul3A_64, %add3A_180 : i32
      %dma_start3A_182 = arith.constant 1 : i32
      %dma_start3A_183 = arith.constant 0 : i32
      %dma_start3A_184 = arith.constant 0 : i32
      %dma_start3A_185 = tpu.memref_slice %arg9[%dma_start3A_182, %dma_start3A_183, %dma_start3A_184] : memref<4x128x16xf32, #tpu.memory_space<vmem>> -> memref<1x128x16xf32, #tpu.memory_space<vmem>>
      %dma_start3A_186 = tpu.memref_squeeze %dma_start3A_185 : memref<1x128x16xf32, #tpu.memory_space<vmem>> -> memref<128x16xf32, #tpu.memory_space<vmem>>
      %dma_start3A_187 = arith.constant 0 : i32
      %dma_start3A_188 = tpu.memref_slice %arg8[%add3A_181, %dma_start3A_187] : memref<80x128xi32, #tpu.memory_space<vmem>> -> memref<1x128xi32, #tpu.memory_space<vmem>>
      %dma_start3A_189 = tpu.memref_squeeze %dma_start3A_188 : memref<1x128xi32, #tpu.memory_space<vmem>> -> memref<128xi32, #tpu.memory_space<vmem>>
      %dma_start3A_190 = arith.constant 0 : i32
      %dma_start3A_191 = arith.constant 0 : i32
      %dma_start3A_192 = tpu.memref_slice %arg10[%dma_start3A_190, %dma_start3A_191] : memref<10000x16xf32, #tpu.memory_space<vmem_shared>> -> memref<10000x16xf32, #tpu.memory_space<vmem_shared>>
      tpu.enqueue_indirect_dma source(%dma_start3A_186 : memref<128x16xf32, #tpu.memory_space<vmem>>) target(%dma_start3A_192 : memref<10000x16xf32, #tpu.memory_space<vmem_shared>>) offsets(%dma_start3A_189 : memref<128xi32, #tpu.memory_space<vmem>>) semaphore(%arg12 : memref<!tpu.dma_semaphore, #tpu.memory_space<semaphore_mem>>) {add = true}
      %add3A_193 = arith.constant 2 : i32
      %add3A_194 = arith.addi %mul3A_64, %add3A_193 : i32
      %dma_start3A_195 = arith.constant 2 : i32
      %dma_start3A_196 = arith.constant 0 : i32
      %dma_start3A_197 = arith.constant 0 : i32
      %dma_start3A_198 = tpu.memref_slice %arg9[%dma_start3A_195, %dma_start3A_196, %dma_start3A_197] : memref<4x128x16xf32, #tpu.memory_space<vmem>> -> memref<1x128x16xf32, #tpu.memory_space<vmem>>
      %dma_start3A_199 = tpu.memref_squeeze %dma_start3A_198 : memref<1x128x16xf32, #tpu.memory_space<vmem>> -> memref<128x16xf32, #tpu.memory_space<vmem>>
      %dma_start3A_200 = arith.constant 0 : i32
      %dma_start3A_201 = tpu.memref_slice %arg8[%add3A_194, %dma_start3A_200] : memref<80x128xi32, #tpu.memory_space<vmem>> -> memref<1x128xi32, #tpu.memory_space<vmem>>
      %dma_start3A_202 = tpu.memref_squeeze %dma_start3A_201 : memref<1x128xi32, #tpu.memory_space<vmem>> -> memref<128xi32, #tpu.memory_space<vmem>>
      %dma_start3A_203 = arith.constant 0 : i32
      %dma_start3A_204 = arith.constant 0 : i32
      %dma_start3A_205 = tpu.memref_slice %arg10[%dma_start3A_203, %dma_start3A_204] : memref<10000x16xf32, #tpu.memory_space<vmem_shared>> -> memref<10000x16xf32, #tpu.memory_space<vmem_shared>>
      tpu.enqueue_indirect_dma source(%dma_start3A_199 : memref<128x16xf32, #tpu.memory_space<vmem>>) target(%dma_start3A_205 : memref<10000x16xf32, #tpu.memory_space<vmem_shared>>) offsets(%dma_start3A_202 : memref<128xi32, #tpu.memory_space<vmem>>) semaphore(%arg12 : memref<!tpu.dma_semaphore, #tpu.memory_space<semaphore_mem>>) {add = true}
      %add3A_206 = arith.constant 3 : i32
      %add3A_207 = arith.addi %mul3A_64, %add3A_206 : i32
      %dma_start3A_208 = arith.constant 3 : i32
      %dma_start3A_209 = arith.constant 0 : i32
      %dma_start3A_210 = arith.constant 0 : i32
      %dma_start3A_211 = tpu.memref_slice %arg9[%dma_start3A_208, %dma_start3A_209, %dma_start3A_210] : memref<4x128x16xf32, #tpu.memory_space<vmem>> -> memref<1x128x16xf32, #tpu.memory_space<vmem>>
      %dma_start3A_212 = tpu.memref_squeeze %dma_start3A_211 : memref<1x128x16xf32, #tpu.memory_space<vmem>> -> memref<128x16xf32, #tpu.memory_space<vmem>>
      %dma_start3A_213 = arith.constant 0 : i32
      %dma_start3A_214 = tpu.memref_slice %arg8[%add3A_207, %dma_start3A_213] : memref<80x128xi32, #tpu.memory_space<vmem>> -> memref<1x128xi32, #tpu.memory_space<vmem>>
      %dma_start3A_215 = tpu.memref_squeeze %dma_start3A_214 : memref<1x128xi32, #tpu.memory_space<vmem>> -> memref<128xi32, #tpu.memory_space<vmem>>
      %dma_start3A_216 = arith.constant 0 : i32
      %dma_start3A_217 = arith.constant 0 : i32
      %dma_start3A_218 = tpu.memref_slice %arg10[%dma_start3A_216, %dma_start3A_217] : memref<10000x16xf32, #tpu.memory_space<vmem_shared>> -> memref<10000x16xf32, #tpu.memory_space<vmem_shared>>
      tpu.enqueue_indirect_dma source(%dma_start3A_212 : memref<128x16xf32, #tpu.memory_space<vmem>>) target(%dma_start3A_218 : memref<10000x16xf32, #tpu.memory_space<vmem_shared>>) offsets(%dma_start3A_215 : memref<128xi32, #tpu.memory_space<vmem>>) semaphore(%arg12 : memref<!tpu.dma_semaphore, #tpu.memory_space<semaphore_mem>>) {add = true}
      %add3A_219 = arith.constant 0 : i32
      %add3A_220 = arith.addi %mul3A_64, %add3A_219 : i32
      %dma_wait3A_221 = arith.constant 0 : i32
      %dma_wait3A_222 = arith.constant 0 : i32
      %dma_wait3A_223 = arith.constant 0 : i32
      %dma_wait3A_224 = tpu.memref_slice %arg9[%dma_wait3A_221, %dma_wait3A_222, %dma_wait3A_223] : memref<4x128x16xf32, #tpu.memory_space<vmem>> -> memref<1x128x16xf32, #tpu.memory_space<vmem>>
      %dma_wait3A_225 = tpu.memref_squeeze %dma_wait3A_224 : memref<1x128x16xf32, #tpu.memory_space<vmem>> -> memref<128x16xf32, #tpu.memory_space<vmem>>
      %dma_wait3A_226 = arith.constant 0 : i32
      %dma_wait3A_227 = tpu.memref_slice %arg8[%add3A_220, %dma_wait3A_226] : memref<80x128xi32, #tpu.memory_space<vmem>> -> memref<1x128xi32, #tpu.memory_space<vmem>>
      %dma_wait3A_228 = tpu.memref_squeeze %dma_wait3A_227 : memref<1x128xi32, #tpu.memory_space<vmem>> -> memref<128xi32, #tpu.memory_space<vmem>>
      %dma_wait3A_229 = arith.constant 0 : i32
      %dma_wait3A_230 = arith.constant 0 : i32
      %dma_wait3A_231 = tpu.memref_slice %arg10[%dma_wait3A_229, %dma_wait3A_230] : memref<10000x16xf32, #tpu.memory_space<vmem_shared>> -> memref<10000x16xf32, #tpu.memory_space<vmem_shared>>
      tpu.wait_indirect_dma semaphore(%arg12 : memref<!tpu.dma_semaphore, #tpu.memory_space<semaphore_mem>>) src(%dma_wait3A_225 : memref<128x16xf32, #tpu.memory_space<vmem>>) dst(%dma_wait3A_231 : memref<10000x16xf32, #tpu.memory_space<vmem_shared>>)
      %add3A_232 = arith.constant 1 : i32
      %add3A_233 = arith.addi %mul3A_64, %add3A_232 : i32
      %dma_wait3A_234 = arith.constant 1 : i32
      %dma_wait3A_235 = arith.constant 0 : i32
      %dma_wait3A_236 = arith.constant 0 : i32
      %dma_wait3A_237 = tpu.memref_slice %arg9[%dma_wait3A_234, %dma_wait3A_235, %dma_wait3A_236] : memref<4x128x16xf32, #tpu.memory_space<vmem>> -> memref<1x128x16xf32, #tpu.memory_space<vmem>>
      %dma_wait3A_238 = tpu.memref_squeeze %dma_wait3A_237 : memref<1x128x16xf32, #tpu.memory_space<vmem>> -> memref<128x16xf32, #tpu.memory_space<vmem>>
      %dma_wait3A_239 = arith.constant 0 : i32
      %dma_wait3A_240 = tpu.memref_slice %arg8[%add3A_233, %dma_wait3A_239] : memref<80x128xi32, #tpu.memory_space<vmem>> -> memref<1x128xi32, #tpu.memory_space<vmem>>
      %dma_wait3A_241 = tpu.memref_squeeze %dma_wait3A_240 : memref<1x128xi32, #tpu.memory_space<vmem>> -> memref<128xi32, #tpu.memory_space<vmem>>
      %dma_wait3A_242 = arith.constant 0 : i32
      %dma_wait3A_243 = arith.constant 0 : i32
      %dma_wait3A_244 = tpu.memref_slice %arg10[%dma_wait3A_242, %dma_wait3A_243] : memref<10000x16xf32, #tpu.memory_space<vmem_shared>> -> memref<10000x16xf32, #tpu.memory_space<vmem_shared>>
      tpu.wait_indirect_dma semaphore(%arg12 : memref<!tpu.dma_semaphore, #tpu.memory_space<semaphore_mem>>) src(%dma_wait3A_238 : memref<128x16xf32, #tpu.memory_space<vmem>>) dst(%dma_wait3A_244 : memref<10000x16xf32, #tpu.memory_space<vmem_shared>>)
      %add3A_245 = arith.constant 2 : i32
      %add3A_246 = arith.addi %mul3A_64, %add3A_245 : i32
      %dma_wait3A_247 = arith.constant 2 : i32
      %dma_wait3A_248 = arith.constant 0 : i32
      %dma_wait3A_249 = arith.constant 0 : i32
      %dma_wait3A_250 = tpu.memref_slice %arg9[%dma_wait3A_247, %dma_wait3A_248, %dma_wait3A_249] : memref<4x128x16xf32, #tpu.memory_space<vmem>> -> memref<1x128x16xf32, #tpu.memory_space<vmem>>
      %dma_wait3A_251 = tpu.memref_squeeze %dma_wait3A_250 : memref<1x128x16xf32, #tpu.memory_space<vmem>> -> memref<128x16xf32, #tpu.memory_space<vmem>>
      %dma_wait3A_252 = arith.constant 0 : i32
      %dma_wait3A_253 = tpu.memref_slice %arg8[%add3A_246, %dma_wait3A_252] : memref<80x128xi32, #tpu.memory_space<vmem>> -> memref<1x128xi32, #tpu.memory_space<vmem>>
      %dma_wait3A_254 = tpu.memref_squeeze %dma_wait3A_253 : memref<1x128xi32, #tpu.memory_space<vmem>> -> memref<128xi32, #tpu.memory_space<vmem>>
      %dma_wait3A_255 = arith.constant 0 : i32
      %dma_wait3A_256 = arith.constant 0 : i32
      %dma_wait3A_257 = tpu.memref_slice %arg10[%dma_wait3A_255, %dma_wait3A_256] : memref<10000x16xf32, #tpu.memory_space<vmem_shared>> -> memref<10000x16xf32, #tpu.memory_space<vmem_shared>>
      tpu.wait_indirect_dma semaphore(%arg12 : memref<!tpu.dma_semaphore, #tpu.memory_space<semaphore_mem>>) src(%dma_wait3A_251 : memref<128x16xf32, #tpu.memory_space<vmem>>) dst(%dma_wait3A_257 : memref<10000x16xf32, #tpu.memory_space<vmem_shared>>)
      %add3A_258 = arith.constant 3 : i32
      %add3A_259 = arith.addi %mul3A_64, %add3A_258 : i32
      %dma_wait3A_260 = arith.constant 3 : i32
      %dma_wait3A_261 = arith.constant 0 : i32
      %dma_wait3A_262 = arith.constant 0 : i32
      %dma_wait3A_263 = tpu.memref_slice %arg9[%dma_wait3A_260, %dma_wait3A_261, %dma_wait3A_262] : memref<4x128x16xf32, #tpu.memory_space<vmem>> -> memref<1x128x16xf32, #tpu.memory_space<vmem>>
      %dma_wait3A_264 = tpu.memref_squeeze %dma_wait3A_263 : memref<1x128x16xf32, #tpu.memory_space<vmem>> -> memref<128x16xf32, #tpu.memory_space<vmem>>
      %dma_wait3A_265 = arith.constant 0 : i32
      %dma_wait3A_266 = tpu.memref_slice %arg8[%add3A_259, %dma_wait3A_265] : memref<80x128xi32, #tpu.memory_space<vmem>> -> memref<1x128xi32, #tpu.memory_space<vmem>>
      %dma_wait3A_267 = tpu.memref_squeeze %dma_wait3A_266 : memref<1x128xi32, #tpu.memory_space<vmem>> -> memref<128xi32, #tpu.memory_space<vmem>>
      %dma_wait3A_268 = arith.constant 0 : i32
      %dma_wait3A_269 = arith.constant 0 : i32
      %dma_wait3A_270 = tpu.memref_slice %arg10[%dma_wait3A_268, %dma_wait3A_269] : memref<10000x16xf32, #tpu.memory_space<vmem_shared>> -> memref<10000x16xf32, #tpu.memory_space<vmem_shared>>
      tpu.wait_indirect_dma semaphore(%arg12 : memref<!tpu.dma_semaphore, #tpu.memory_space<semaphore_mem>>) src(%dma_wait3A_264 : memref<128x16xf32, #tpu.memory_space<vmem>>) dst(%dma_wait3A_270 : memref<10000x16xf32, #tpu.memory_space<vmem_shared>>)
    }
    %barrier3A_56 = arith.constant 0 : index
    tpu.barrier barrier_id(%barrier3A_56)
    %eq3A_57 = arith.constant 0 : i32
    %eq3A_58 = arith.cmpi eq, %arg1, %eq3A_57 : i32
    %convert_element_type3A_59 = arith.extui %eq3A_58 : i1 to i32
    %cond3A_60 = arith.constant 0 : i32
    %cond3A_61 = arith.cmpi ne, %convert_element_type3A_59, %cond3A_60 : i32
    scf.if %cond3A_61 {
      "tpu.region"() ({
        %run_scoped3A = tpu.sem_alloc : memref<!tpu.dma_semaphore, #tpu.memory_space<semaphore_mem>>
        %dma_start3A = arith.constant 0 : i32
        %dma_start3A_62 = arith.constant 0 : i32
        %dma_start3A_63 = tpu.memref_slice %arg6[%arg0, %dma_start3A, %dma_start3A_62] : memref<2x10000x16xf32, #tpu.memory_space<hbm>> -> memref<1x10000x16xf32, #tpu.memory_space<hbm>>
        %dma_start3A_64 = tpu.memref_squeeze %dma_start3A_63 : memref<1x10000x16xf32, #tpu.memory_space<hbm>> -> memref<10000x16xf32, #tpu.memory_space<hbm>>
        tpu.enqueue_dma source(%arg10 : memref<10000x16xf32, #tpu.memory_space<vmem_shared>>) target(%dma_start3A_64 : memref<10000x16xf32, #tpu.memory_space<hbm>>) target_semaphore(%run_scoped3A : memref<!tpu.dma_semaphore, #tpu.memory_space<semaphore_mem>>)
        %dma_wait3A = arith.constant 0 : i32
        %dma_wait3A_65 = arith.constant 0 : i32
        %dma_wait3A_66 = tpu.memref_slice %arg6[%arg0, %dma_wait3A, %dma_wait3A_65] : memref<2x10000x16xf32, #tpu.memory_space<hbm>> -> memref<1x10000x16xf32, #tpu.memory_space<hbm>>
        %dma_wait3A_67 = tpu.memref_squeeze %dma_wait3A_66 : memref<1x10000x16xf32, #tpu.memory_space<hbm>> -> memref<10000x16xf32, #tpu.memory_space<hbm>>
        tpu.wait_dma2 semaphore(%run_scoped3A : memref<!tpu.dma_semaphore, #tpu.memory_space<semaphore_mem>>) src(%arg10 : memref<10000x16xf32, #tpu.memory_space<vmem_shared>>) dst(%dma_wait3A_67 : memref<10000x16xf32, #tpu.memory_space<hbm>>)
        tpu.yield
      }) : () -> ()
    } else {
    }
    return
  }
}

#map = affine_map<(d0, d1) -> (0, 0)>
#map1 = affine_map<(d0, d1) -> (0, 0, 0)>
module attributes {stable_mosaic.version = 14 : i64} {
  func.func @_agg_kernel(%arg0: i32, %arg1: i32, %arg2: memref<20000x64xf32, #tpu.memory_space<hbm>>, %arg3: memref<2x2500x128xi32, #tpu.memory_space<hbm>>, %arg4: memref<2500x128xi32, #tpu.memory_space<hbm>>, %arg5: memref<10240x64xf32, #tpu.memory_space<hbm>>, %arg6: memref<2x10240x64xf32, #tpu.memory_space<hbm>>, %arg7: memref<160x128xi32, #tpu.memory_space<vmem>>, %arg8: memref<160x128xi32, #tpu.memory_space<vmem>>, %arg9: memref<4x128x64xf32, #tpu.memory_space<vmem>>, %arg10: memref<10240x64xf32, #tpu.memory_space<vmem_shared>>, %arg11: memref<!tpu.dma_semaphore, #tpu.memory_space<semaphore_mem>>, %arg12: memref<!tpu.dma_semaphore, #tpu.memory_space<semaphore_mem>>) attributes {dimension_semantics = [#tpu.dimension_semantics<core_parallel>, #tpu.dimension_semantics<subcore_parallel>], iteration_bounds = array<i64: 2, 16>, scalar_prefetch = 0 : i64, scratch_operands = 6 : i64, tpu.core_type = #tpu.core_type<sc_vector_subcore>, window_params = [{transform_indices = #map}, {transform_indices = #map1}, {transform_indices = #map}, {transform_indices = #map}, {transform_indices = #map1}]} {
    %mul3A = arith.constant 640 : i32
    %mul3A_0 = arith.muli %arg1, %mul3A : i32
    "tpu.region"() ({
      %run_scoped3A = tpu.sem_alloc : memref<!tpu.dma_semaphore, #tpu.memory_space<semaphore_mem>>
      %dma_start3A = arith.constant 0 : i32
      %dma_start3A_8 = tpu.memref_slice %arg10[%mul3A_0, %dma_start3A] : memref<10240x64xf32, #tpu.memory_space<vmem_shared>> -> memref<640x64xf32, #tpu.memory_space<vmem_shared>>
      %dma_start3A_9 = arith.constant 0 : i32
      %dma_start3A_10 = tpu.memref_slice %arg5[%mul3A_0, %dma_start3A_9] : memref<10240x64xf32, #tpu.memory_space<hbm>> -> memref<640x64xf32, #tpu.memory_space<hbm>>
      tpu.enqueue_dma source(%dma_start3A_10 : memref<640x64xf32, #tpu.memory_space<hbm>>) target(%dma_start3A_8 : memref<640x64xf32, #tpu.memory_space<vmem_shared>>) target_semaphore(%run_scoped3A : memref<!tpu.dma_semaphore, #tpu.memory_space<semaphore_mem>>)
      %dma_wait3A = arith.constant 0 : i32
      %dma_wait3A_11 = tpu.memref_slice %arg10[%mul3A_0, %dma_wait3A] : memref<10240x64xf32, #tpu.memory_space<vmem_shared>> -> memref<640x64xf32, #tpu.memory_space<vmem_shared>>
      %dma_wait3A_12 = arith.constant 0 : i32
      %dma_wait3A_13 = tpu.memref_slice %arg5[%mul3A_0, %dma_wait3A_12] : memref<10240x64xf32, #tpu.memory_space<hbm>> -> memref<640x64xf32, #tpu.memory_space<hbm>>
      tpu.wait_dma2 semaphore(%run_scoped3A : memref<!tpu.dma_semaphore, #tpu.memory_space<semaphore_mem>>) src(%dma_wait3A_13 : memref<640x64xf32, #tpu.memory_space<hbm>>) dst(%dma_wait3A_11 : memref<640x64xf32, #tpu.memory_space<vmem_shared>>)
      tpu.yield
    }) : () -> ()
    %barrier3A = arith.constant 0 : index
    tpu.barrier barrier_id(%barrier3A)
    %lt3A = arith.constant 15 : i32
    %lt3A_1 = arith.cmpi slt, %arg1, %lt3A : i32
    %convert_element_type3A = arith.extui %lt3A_1 : i1 to i32
    %cond3A = arith.constant 0 : i32
    %cond3A_2 = arith.cmpi ne, %convert_element_type3A, %cond3A : i32
    scf.if %cond3A_2 {
      %mul3A_8 = arith.constant 156 : i32
      %mul3A_9 = arith.muli %arg1, %mul3A_8 : i32
      "tpu.region"() ({
        %run_scoped3A = tpu.sem_alloc : memref<!tpu.dma_semaphore, #tpu.memory_space<semaphore_mem>>
        %dma_start3A_44 = arith.constant 0 : i32
        %dma_start3A_45 = arith.constant 0 : i32
        %dma_start3A_46 = tpu.memref_slice %arg7[%dma_start3A_44, %dma_start3A_45] : memref<160x128xi32, #tpu.memory_space<vmem>> -> memref<156x128xi32, #tpu.memory_space<vmem>>
        %dma_start3A_47 = arith.constant 0 : i32
        %dma_start3A_48 = tpu.memref_slice %arg3[%arg0, %mul3A_9, %dma_start3A_47] : memref<2x2500x128xi32, #tpu.memory_space<hbm>> -> memref<1x156x128xi32, #tpu.memory_space<hbm>>
        %dma_start3A_49 = tpu.memref_squeeze %dma_start3A_48 : memref<1x156x128xi32, #tpu.memory_space<hbm>> -> memref<156x128xi32, #tpu.memory_space<hbm>>
        %dma_start3A_50 = arith.constant 0 : i32
        %dma_start3A_51 = arith.constant 0 : i32
        %dma_start3A_52 = tpu.memref_slice %arg7[%dma_start3A_50, %dma_start3A_51] : memref<160x128xi32, #tpu.memory_space<vmem>> -> memref<156x128xi32, #tpu.memory_space<vmem>>
        %dma_start3A_53 = arith.constant 0 : i32
        %dma_start3A_54 = tpu.memref_slice %arg3[%arg0, %mul3A_9, %dma_start3A_53] : memref<2x2500x128xi32, #tpu.memory_space<hbm>> -> memref<1x156x128xi32, #tpu.memory_space<hbm>>
        %dma_start3A_55 = tpu.memref_squeeze %dma_start3A_54 : memref<1x156x128xi32, #tpu.memory_space<hbm>> -> memref<156x128xi32, #tpu.memory_space<hbm>>
        tpu.enqueue_dma source(%dma_start3A_55 : memref<156x128xi32, #tpu.memory_space<hbm>>) target(%dma_start3A_52 : memref<156x128xi32, #tpu.memory_space<vmem>>) target_semaphore(%run_scoped3A : memref<!tpu.dma_semaphore, #tpu.memory_space<semaphore_mem>>)
        %dma_wait3A = arith.constant 0 : i32
        %dma_wait3A_56 = arith.constant 0 : i32
        %dma_wait3A_57 = tpu.memref_slice %arg7[%dma_wait3A, %dma_wait3A_56] : memref<160x128xi32, #tpu.memory_space<vmem>> -> memref<156x128xi32, #tpu.memory_space<vmem>>
        %dma_wait3A_58 = arith.constant 0 : i32
        %dma_wait3A_59 = tpu.memref_slice %arg3[%arg0, %mul3A_9, %dma_wait3A_58] : memref<2x2500x128xi32, #tpu.memory_space<hbm>> -> memref<1x156x128xi32, #tpu.memory_space<hbm>>
        %dma_wait3A_60 = tpu.memref_squeeze %dma_wait3A_59 : memref<1x156x128xi32, #tpu.memory_space<hbm>> -> memref<156x128xi32, #tpu.memory_space<hbm>>
        %dma_wait3A_61 = arith.constant 0 : i32
        %dma_wait3A_62 = arith.constant 0 : i32
        %dma_wait3A_63 = tpu.memref_slice %arg7[%dma_wait3A_61, %dma_wait3A_62] : memref<160x128xi32, #tpu.memory_space<vmem>> -> memref<156x128xi32, #tpu.memory_space<vmem>>
        %dma_wait3A_64 = arith.constant 0 : i32
        %dma_wait3A_65 = tpu.memref_slice %arg3[%arg0, %mul3A_9, %dma_wait3A_64] : memref<2x2500x128xi32, #tpu.memory_space<hbm>> -> memref<1x156x128xi32, #tpu.memory_space<hbm>>
        %dma_wait3A_66 = tpu.memref_squeeze %dma_wait3A_65 : memref<1x156x128xi32, #tpu.memory_space<hbm>> -> memref<156x128xi32, #tpu.memory_space<hbm>>
        tpu.wait_dma2 semaphore(%run_scoped3A : memref<!tpu.dma_semaphore, #tpu.memory_space<semaphore_mem>>) src(%dma_wait3A_66 : memref<156x128xi32, #tpu.memory_space<hbm>>) dst(%dma_wait3A_63 : memref<156x128xi32, #tpu.memory_space<vmem>>)
        tpu.yield
      }) : () -> ()
      "tpu.region"() ({
        %run_scoped3A = tpu.sem_alloc : memref<!tpu.dma_semaphore, #tpu.memory_space<semaphore_mem>>
        %dma_start3A_44 = arith.constant 0 : i32
        %dma_start3A_45 = arith.constant 0 : i32
        %dma_start3A_46 = tpu.memref_slice %arg8[%dma_start3A_44, %dma_start3A_45] : memref<160x128xi32, #tpu.memory_space<vmem>> -> memref<156x128xi32, #tpu.memory_space<vmem>>
        %dma_start3A_47 = arith.constant 0 : i32
        %dma_start3A_48 = tpu.memref_slice %arg4[%mul3A_9, %dma_start3A_47] : memref<2500x128xi32, #tpu.memory_space<hbm>> -> memref<156x128xi32, #tpu.memory_space<hbm>>
        %dma_start3A_49 = arith.constant 0 : i32
        %dma_start3A_50 = arith.constant 0 : i32
        %dma_start3A_51 = tpu.memref_slice %arg8[%dma_start3A_49, %dma_start3A_50] : memref<160x128xi32, #tpu.memory_space<vmem>> -> memref<156x128xi32, #tpu.memory_space<vmem>>
        %dma_start3A_52 = arith.constant 0 : i32
        %dma_start3A_53 = tpu.memref_slice %arg4[%mul3A_9, %dma_start3A_52] : memref<2500x128xi32, #tpu.memory_space<hbm>> -> memref<156x128xi32, #tpu.memory_space<hbm>>
        tpu.enqueue_dma source(%dma_start3A_53 : memref<156x128xi32, #tpu.memory_space<hbm>>) target(%dma_start3A_51 : memref<156x128xi32, #tpu.memory_space<vmem>>) target_semaphore(%run_scoped3A : memref<!tpu.dma_semaphore, #tpu.memory_space<semaphore_mem>>)
        %dma_wait3A = arith.constant 0 : i32
        %dma_wait3A_54 = arith.constant 0 : i32
        %dma_wait3A_55 = tpu.memref_slice %arg8[%dma_wait3A, %dma_wait3A_54] : memref<160x128xi32, #tpu.memory_space<vmem>> -> memref<156x128xi32, #tpu.memory_space<vmem>>
        %dma_wait3A_56 = arith.constant 0 : i32
        %dma_wait3A_57 = tpu.memref_slice %arg4[%mul3A_9, %dma_wait3A_56] : memref<2500x128xi32, #tpu.memory_space<hbm>> -> memref<156x128xi32, #tpu.memory_space<hbm>>
        %dma_wait3A_58 = arith.constant 0 : i32
        %dma_wait3A_59 = arith.constant 0 : i32
        %dma_wait3A_60 = tpu.memref_slice %arg8[%dma_wait3A_58, %dma_wait3A_59] : memref<160x128xi32, #tpu.memory_space<vmem>> -> memref<156x128xi32, #tpu.memory_space<vmem>>
        %dma_wait3A_61 = arith.constant 0 : i32
        %dma_wait3A_62 = tpu.memref_slice %arg4[%mul3A_9, %dma_wait3A_61] : memref<2500x128xi32, #tpu.memory_space<hbm>> -> memref<156x128xi32, #tpu.memory_space<hbm>>
        tpu.wait_dma2 semaphore(%run_scoped3A : memref<!tpu.dma_semaphore, #tpu.memory_space<semaphore_mem>>) src(%dma_wait3A_62 : memref<156x128xi32, #tpu.memory_space<hbm>>) dst(%dma_wait3A_60 : memref<156x128xi32, #tpu.memory_space<vmem>>)
        tpu.yield
      }) : () -> ()
      %dma_start3A = arith.constant 0 : i32
      %dma_start3A_10 = arith.constant 0 : i32
      %dma_start3A_11 = arith.constant 0 : i32
      %dma_start3A_12 = arith.constant 0 : i32
      %dma_start3A_13 = tpu.memref_slice %arg9[%dma_start3A_10, %dma_start3A_11, %dma_start3A_12] : memref<4x128x64xf32, #tpu.memory_space<vmem>> -> memref<1x128x64xf32, #tpu.memory_space<vmem>>
      %dma_start3A_14 = tpu.memref_squeeze %dma_start3A_13 : memref<1x128x64xf32, #tpu.memory_space<vmem>> -> memref<128x64xf32, #tpu.memory_space<vmem>>
      %dma_start3A_15 = arith.constant 0 : i32
      %dma_start3A_16 = tpu.memref_slice %arg7[%dma_start3A, %dma_start3A_15] : memref<160x128xi32, #tpu.memory_space<vmem>> -> memref<1x128xi32, #tpu.memory_space<vmem>>
      %dma_start3A_17 = tpu.memref_squeeze %dma_start3A_16 : memref<1x128xi32, #tpu.memory_space<vmem>> -> memref<128xi32, #tpu.memory_space<vmem>>
      %dma_start3A_18 = arith.constant 0 : i32
      %dma_start3A_19 = arith.constant 0 : i32
      %dma_start3A_20 = tpu.memref_slice %arg2[%dma_start3A_18, %dma_start3A_19] : memref<20000x64xf32, #tpu.memory_space<hbm>> -> memref<20000x64xf32, #tpu.memory_space<hbm>>
      tpu.enqueue_indirect_dma source(%dma_start3A_20 : memref<20000x64xf32, #tpu.memory_space<hbm>>) target(%dma_start3A_14 : memref<128x64xf32, #tpu.memory_space<vmem>>) offsets(%dma_start3A_17 : memref<128xi32, #tpu.memory_space<vmem>>) semaphore(%arg11 : memref<!tpu.dma_semaphore, #tpu.memory_space<semaphore_mem>>)
      %dma_start3A_21 = arith.constant 1 : i32
      %dma_start3A_22 = arith.constant 1 : i32
      %dma_start3A_23 = arith.constant 0 : i32
      %dma_start3A_24 = arith.constant 0 : i32
      %dma_start3A_25 = tpu.memref_slice %arg9[%dma_start3A_22, %dma_start3A_23, %dma_start3A_24] : memref<4x128x64xf32, #tpu.memory_space<vmem>> -> memref<1x128x64xf32, #tpu.memory_space<vmem>>
      %dma_start3A_26 = tpu.memref_squeeze %dma_start3A_25 : memref<1x128x64xf32, #tpu.memory_space<vmem>> -> memref<128x64xf32, #tpu.memory_space<vmem>>
      %dma_start3A_27 = arith.constant 0 : i32
      %dma_start3A_28 = tpu.memref_slice %arg7[%dma_start3A_21, %dma_start3A_27] : memref<160x128xi32, #tpu.memory_space<vmem>> -> memref<1x128xi32, #tpu.memory_space<vmem>>
      %dma_start3A_29 = tpu.memref_squeeze %dma_start3A_28 : memref<1x128xi32, #tpu.memory_space<vmem>> -> memref<128xi32, #tpu.memory_space<vmem>>
      %dma_start3A_30 = arith.constant 0 : i32
      %dma_start3A_31 = arith.constant 0 : i32
      %dma_start3A_32 = tpu.memref_slice %arg2[%dma_start3A_30, %dma_start3A_31] : memref<20000x64xf32, #tpu.memory_space<hbm>> -> memref<20000x64xf32, #tpu.memory_space<hbm>>
      tpu.enqueue_indirect_dma source(%dma_start3A_32 : memref<20000x64xf32, #tpu.memory_space<hbm>>) target(%dma_start3A_26 : memref<128x64xf32, #tpu.memory_space<vmem>>) offsets(%dma_start3A_29 : memref<128xi32, #tpu.memory_space<vmem>>) semaphore(%arg11 : memref<!tpu.dma_semaphore, #tpu.memory_space<semaphore_mem>>)
      %scan3A = arith.constant 0 : i32
      %scan3A_33 = arith.constant 0 : i32
      %scan3A_34 = arith.constant 78 : i32
      %scan3A_35 = arith.addi %scan3A_33, %scan3A_34 : i32
      %scan3A_36 = arith.constant 1 : i32
      scf.for %scan3A_44 = %scan3A_33 to %scan3A_35 step %scan3A_36  : i32 {
        %jit3A = arith.constant 2 : i32
        %eq3A_45 = arith.constant 0 : i32
        %eq3A_46 = arith.cmpi eq, %jit3A, %eq3A_45 : i32
        %jit3A_47 = arith.constant 1 : i32
        %select_n3A = arith.select %eq3A_46, %jit3A_47, %jit3A : i32
        %rem3A = arith.remsi %scan3A_44, %select_n3A : i32
        %ne3A = arith.constant 0 : i32
        %ne3A_48 = arith.cmpi ne, %rem3A, %ne3A : i32
        %lt3A_49 = arith.constant 0 : i32
        %lt3A_50 = arith.cmpi slt, %rem3A, %lt3A_49 : i32
        %lt3A_51 = arith.constant 0 : i32
        %lt3A_52 = arith.cmpi slt, %select_n3A, %lt3A_51 : i32
        %ne3A_53 = arith.xori %lt3A_50, %lt3A_52 : i1
        %and3A = arith.andi %ne3A_53, %ne3A_48 : i1
        %add3A = arith.addi %rem3A, %select_n3A : i32
        %select_n3A_54 = arith.select %and3A, %add3A, %rem3A : i32
        %mul3A_55 = arith.constant 2 : i32
        %mul3A_56 = arith.muli %select_n3A_54, %mul3A_55 : i32
        %scan3A_57 = arith.constant 0 : i32
        %scan3A_58 = arith.constant 0 : i32
        %scan3A_59 = arith.constant 2 : i32
        %scan3A_60 = arith.addi %scan3A_58, %scan3A_59 : i32
        %scan3A_61 = arith.constant 1 : i32
        scf.for %scan3A_100 = %scan3A_58 to %scan3A_60 step %scan3A_61  : i32 {
          %dma_wait3A = arith.constant 0 : i32
          %dma_wait3A_101 = arith.constant 0 : i32
          %dma_wait3A_102 = arith.constant 0 : i32
          %dma_wait3A_103 = arith.constant 0 : i32
          %dma_wait3A_104 = tpu.memref_slice %arg9[%dma_wait3A_101, %dma_wait3A_102, %dma_wait3A_103] : memref<4x128x64xf32, #tpu.memory_space<vmem>> -> memref<1x128x64xf32, #tpu.memory_space<vmem>>
          %dma_wait3A_105 = tpu.memref_squeeze %dma_wait3A_104 : memref<1x128x64xf32, #tpu.memory_space<vmem>> -> memref<128x64xf32, #tpu.memory_space<vmem>>
          %dma_wait3A_106 = arith.constant 0 : i32
          %dma_wait3A_107 = tpu.memref_slice %arg7[%dma_wait3A, %dma_wait3A_106] : memref<160x128xi32, #tpu.memory_space<vmem>> -> memref<1x128xi32, #tpu.memory_space<vmem>>
          %dma_wait3A_108 = tpu.memref_squeeze %dma_wait3A_107 : memref<1x128xi32, #tpu.memory_space<vmem>> -> memref<128xi32, #tpu.memory_space<vmem>>
          %dma_wait3A_109 = arith.constant 0 : i32
          %dma_wait3A_110 = arith.constant 0 : i32
          %dma_wait3A_111 = tpu.memref_slice %arg2[%dma_wait3A_109, %dma_wait3A_110] : memref<20000x64xf32, #tpu.memory_space<hbm>> -> memref<20000x64xf32, #tpu.memory_space<hbm>>
          tpu.wait_indirect_dma semaphore(%arg11 : memref<!tpu.dma_semaphore, #tpu.memory_space<semaphore_mem>>) src(%dma_wait3A_111 : memref<20000x64xf32, #tpu.memory_space<hbm>>) dst(%dma_wait3A_105 : memref<128x64xf32, #tpu.memory_space<vmem>>)
        }
        %scan3A_62 = arith.constant 2 : i32
        %gt3A = arith.constant 0 : i32
        %gt3A_63 = arith.cmpi sgt, %scan3A_44, %gt3A : i32
        %convert_element_type3A_64 = arith.extui %gt3A_63 : i1 to i32
        %cond3A_65 = arith.constant 0 : i32
        %cond3A_66 = arith.cmpi ne, %convert_element_type3A_64, %cond3A_65 : i32
        scf.if %cond3A_66 {
          %scan3A_100 = arith.constant 0 : i32
          %scan3A_101 = arith.constant 0 : i32
          %scan3A_102 = arith.constant 2 : i32
          %scan3A_103 = arith.addi %scan3A_101, %scan3A_102 : i32
          %scan3A_104 = arith.constant 1 : i32
          scf.for %scan3A_106 = %scan3A_101 to %scan3A_103 step %scan3A_104  : i32 {
            %dma_wait3A = arith.constant 0 : i32
            %dma_wait3A_107 = arith.constant 0 : i32
            %dma_wait3A_108 = arith.constant 0 : i32
            %dma_wait3A_109 = arith.constant 0 : i32
            %dma_wait3A_110 = tpu.memref_slice %arg9[%dma_wait3A, %dma_wait3A_108, %dma_wait3A_109] : memref<4x128x64xf32, #tpu.memory_space<vmem>> -> memref<1x128x64xf32, #tpu.memory_space<vmem>>
            %dma_wait3A_111 = tpu.memref_squeeze %dma_wait3A_110 : memref<1x128x64xf32, #tpu.memory_space<vmem>> -> memref<128x64xf32, #tpu.memory_space<vmem>>
            %dma_wait3A_112 = arith.constant 0 : i32
            %dma_wait3A_113 = tpu.memref_slice %arg8[%dma_wait3A_107, %dma_wait3A_112] : memref<160x128xi32, #tpu.memory_space<vmem>> -> memref<1x128xi32, #tpu.memory_space<vmem>>
            %dma_wait3A_114 = tpu.memref_squeeze %dma_wait3A_113 : memref<1x128xi32, #tpu.memory_space<vmem>> -> memref<128xi32, #tpu.memory_space<vmem>>
            %dma_wait3A_115 = arith.constant 0 : i32
            %dma_wait3A_116 = arith.constant 0 : i32
            %dma_wait3A_117 = tpu.memref_slice %arg10[%dma_wait3A_115, %dma_wait3A_116] : memref<10240x64xf32, #tpu.memory_space<vmem_shared>> -> memref<10240x64xf32, #tpu.memory_space<vmem_shared>>
            tpu.wait_indirect_dma semaphore(%arg12 : memref<!tpu.dma_semaphore, #tpu.memory_space<semaphore_mem>>) src(%dma_wait3A_111 : memref<128x64xf32, #tpu.memory_space<vmem>>) dst(%dma_wait3A_117 : memref<10240x64xf32, #tpu.memory_space<vmem_shared>>)
          }
          %scan3A_105 = arith.constant 2 : i32
        } else {
        }
        %add3A_67 = arith.constant 1 : i32
        %add3A_68 = arith.addi %scan3A_44, %add3A_67 : i32
        %lt3A_69 = arith.constant 78 : i32
        %lt3A_70 = arith.cmpi slt, %add3A_68, %lt3A_69 : i32
        %convert_element_type3A_71 = arith.extui %lt3A_70 : i1 to i32
        %cond3A_72 = arith.constant 0 : i32
        %cond3A_73 = arith.cmpi ne, %convert_element_type3A_71, %cond3A_72 : i32
        scf.if %cond3A_73 {
          %add3A_100 = arith.constant 1 : i32
          %add3A_101 = arith.addi %scan3A_44, %add3A_100 : i32
          %sub3A = arith.constant 2 : i32
          %sub3A_102 = arith.subi %sub3A, %mul3A_56 : i32
          %mul3A_103 = arith.constant 2 : i32
          %mul3A_104 = arith.muli %mul3A_103, %add3A_101 : i32
          %dma_start3A_105 = arith.constant 0 : i32
          %dma_start3A_106 = arith.constant 0 : i32
          %dma_start3A_107 = tpu.memref_slice %arg9[%sub3A_102, %dma_start3A_105, %dma_start3A_106] : memref<4x128x64xf32, #tpu.memory_space<vmem>> -> memref<1x128x64xf32, #tpu.memory_space<vmem>>
          %dma_start3A_108 = tpu.memref_squeeze %dma_start3A_107 : memref<1x128x64xf32, #tpu.memory_space<vmem>> -> memref<128x64xf32, #tpu.memory_space<vmem>>
          %dma_start3A_109 = arith.constant 0 : i32
          %dma_start3A_110 = tpu.memref_slice %arg7[%mul3A_104, %dma_start3A_109] : memref<160x128xi32, #tpu.memory_space<vmem>> -> memref<1x128xi32, #tpu.memory_space<vmem>>
          %dma_start3A_111 = tpu.memref_squeeze %dma_start3A_110 : memref<1x128xi32, #tpu.memory_space<vmem>> -> memref<128xi32, #tpu.memory_space<vmem>>
          %dma_start3A_112 = arith.constant 0 : i32
          %dma_start3A_113 = arith.constant 0 : i32
          %dma_start3A_114 = tpu.memref_slice %arg2[%dma_start3A_112, %dma_start3A_113] : memref<20000x64xf32, #tpu.memory_space<hbm>> -> memref<20000x64xf32, #tpu.memory_space<hbm>>
          tpu.enqueue_indirect_dma source(%dma_start3A_114 : memref<20000x64xf32, #tpu.memory_space<hbm>>) target(%dma_start3A_108 : memref<128x64xf32, #tpu.memory_space<vmem>>) offsets(%dma_start3A_111 : memref<128xi32, #tpu.memory_space<vmem>>) semaphore(%arg11 : memref<!tpu.dma_semaphore, #tpu.memory_space<semaphore_mem>>)
          %add3A_115 = arith.constant 1 : i32
          %add3A_116 = arith.addi %mul3A_104, %add3A_115 : i32
          %add3A_117 = arith.constant 1 : i32
          %add3A_118 = arith.addi %sub3A_102, %add3A_117 : i32
          %dma_start3A_119 = arith.constant 0 : i32
          %dma_start3A_120 = arith.constant 0 : i32
          %dma_start3A_121 = tpu.memref_slice %arg9[%add3A_118, %dma_start3A_119, %dma_start3A_120] : memref<4x128x64xf32, #tpu.memory_space<vmem>> -> memref<1x128x64xf32, #tpu.memory_space<vmem>>
          %dma_start3A_122 = tpu.memref_squeeze %dma_start3A_121 : memref<1x128x64xf32, #tpu.memory_space<vmem>> -> memref<128x64xf32, #tpu.memory_space<vmem>>
          %dma_start3A_123 = arith.constant 0 : i32
          %dma_start3A_124 = tpu.memref_slice %arg7[%add3A_116, %dma_start3A_123] : memref<160x128xi32, #tpu.memory_space<vmem>> -> memref<1x128xi32, #tpu.memory_space<vmem>>
          %dma_start3A_125 = tpu.memref_squeeze %dma_start3A_124 : memref<1x128xi32, #tpu.memory_space<vmem>> -> memref<128xi32, #tpu.memory_space<vmem>>
          %dma_start3A_126 = arith.constant 0 : i32
          %dma_start3A_127 = arith.constant 0 : i32
          %dma_start3A_128 = tpu.memref_slice %arg2[%dma_start3A_126, %dma_start3A_127] : memref<20000x64xf32, #tpu.memory_space<hbm>> -> memref<20000x64xf32, #tpu.memory_space<hbm>>
          tpu.enqueue_indirect_dma source(%dma_start3A_128 : memref<20000x64xf32, #tpu.memory_space<hbm>>) target(%dma_start3A_122 : memref<128x64xf32, #tpu.memory_space<vmem>>) offsets(%dma_start3A_125 : memref<128xi32, #tpu.memory_space<vmem>>) semaphore(%arg11 : memref<!tpu.dma_semaphore, #tpu.memory_space<semaphore_mem>>)
        } else {
        }
        %mul3A_74 = arith.constant 2 : i32
        %mul3A_75 = arith.muli %mul3A_74, %scan3A_44 : i32
        %dma_start3A_76 = arith.constant 0 : i32
        %dma_start3A_77 = arith.constant 0 : i32
        %dma_start3A_78 = tpu.memref_slice %arg9[%mul3A_56, %dma_start3A_76, %dma_start3A_77] : memref<4x128x64xf32, #tpu.memory_space<vmem>> -> memref<1x128x64xf32, #tpu.memory_space<vmem>>
        %dma_start3A_79 = tpu.memref_squeeze %dma_start3A_78 : memref<1x128x64xf32, #tpu.memory_space<vmem>> -> memref<128x64xf32, #tpu.memory_space<vmem>>
        %dma_start3A_80 = arith.constant 0 : i32
        %dma_start3A_81 = tpu.memref_slice %arg8[%mul3A_75, %dma_start3A_80] : memref<160x128xi32, #tpu.memory_space<vmem>> -> memref<1x128xi32, #tpu.memory_space<vmem>>
        %dma_start3A_82 = tpu.memref_squeeze %dma_start3A_81 : memref<1x128xi32, #tpu.memory_space<vmem>> -> memref<128xi32, #tpu.memory_space<vmem>>
        %dma_start3A_83 = arith.constant 0 : i32
        %dma_start3A_84 = arith.constant 0 : i32
        %dma_start3A_85 = tpu.memref_slice %arg10[%dma_start3A_83, %dma_start3A_84] : memref<10240x64xf32, #tpu.memory_space<vmem_shared>> -> memref<10240x64xf32, #tpu.memory_space<vmem_shared>>
        tpu.enqueue_indirect_dma source(%dma_start3A_79 : memref<128x64xf32, #tpu.memory_space<vmem>>) target(%dma_start3A_85 : memref<10240x64xf32, #tpu.memory_space<vmem_shared>>) offsets(%dma_start3A_82 : memref<128xi32, #tpu.memory_space<vmem>>) semaphore(%arg12 : memref<!tpu.dma_semaphore, #tpu.memory_space<semaphore_mem>>) {add = true}
        %add3A_86 = arith.constant 1 : i32
        %add3A_87 = arith.addi %mul3A_56, %add3A_86 : i32
        %add3A_88 = arith.constant 1 : i32
        %add3A_89 = arith.addi %mul3A_75, %add3A_88 : i32
        %dma_start3A_90 = arith.constant 0 : i32
        %dma_start3A_91 = arith.constant 0 : i32
        %dma_start3A_92 = tpu.memref_slice %arg9[%add3A_87, %dma_start3A_90, %dma_start3A_91] : memref<4x128x64xf32, #tpu.memory_space<vmem>> -> memref<1x128x64xf32, #tpu.memory_space<vmem>>
        %dma_start3A_93 = tpu.memref_squeeze %dma_start3A_92 : memref<1x128x64xf32, #tpu.memory_space<vmem>> -> memref<128x64xf32, #tpu.memory_space<vmem>>
        %dma_start3A_94 = arith.constant 0 : i32
        %dma_start3A_95 = tpu.memref_slice %arg8[%add3A_89, %dma_start3A_94] : memref<160x128xi32, #tpu.memory_space<vmem>> -> memref<1x128xi32, #tpu.memory_space<vmem>>
        %dma_start3A_96 = tpu.memref_squeeze %dma_start3A_95 : memref<1x128xi32, #tpu.memory_space<vmem>> -> memref<128xi32, #tpu.memory_space<vmem>>
        %dma_start3A_97 = arith.constant 0 : i32
        %dma_start3A_98 = arith.constant 0 : i32
        %dma_start3A_99 = tpu.memref_slice %arg10[%dma_start3A_97, %dma_start3A_98] : memref<10240x64xf32, #tpu.memory_space<vmem_shared>> -> memref<10240x64xf32, #tpu.memory_space<vmem_shared>>
        tpu.enqueue_indirect_dma source(%dma_start3A_93 : memref<128x64xf32, #tpu.memory_space<vmem>>) target(%dma_start3A_99 : memref<10240x64xf32, #tpu.memory_space<vmem_shared>>) offsets(%dma_start3A_96 : memref<128xi32, #tpu.memory_space<vmem>>) semaphore(%arg12 : memref<!tpu.dma_semaphore, #tpu.memory_space<semaphore_mem>>) {add = true}
      }
      %scan3A_37 = arith.constant 78 : i32
      %scan3A_38 = arith.constant 0 : i32
      %scan3A_39 = arith.constant 0 : i32
      %scan3A_40 = arith.constant 2 : i32
      %scan3A_41 = arith.addi %scan3A_39, %scan3A_40 : i32
      %scan3A_42 = arith.constant 1 : i32
      scf.for %scan3A_44 = %scan3A_39 to %scan3A_41 step %scan3A_42  : i32 {
        %dma_wait3A = arith.constant 0 : i32
        %dma_wait3A_45 = arith.constant 0 : i32
        %dma_wait3A_46 = arith.constant 0 : i32
        %dma_wait3A_47 = arith.constant 0 : i32
        %dma_wait3A_48 = tpu.memref_slice %arg9[%dma_wait3A, %dma_wait3A_46, %dma_wait3A_47] : memref<4x128x64xf32, #tpu.memory_space<vmem>> -> memref<1x128x64xf32, #tpu.memory_space<vmem>>
        %dma_wait3A_49 = tpu.memref_squeeze %dma_wait3A_48 : memref<1x128x64xf32, #tpu.memory_space<vmem>> -> memref<128x64xf32, #tpu.memory_space<vmem>>
        %dma_wait3A_50 = arith.constant 0 : i32
        %dma_wait3A_51 = tpu.memref_slice %arg8[%dma_wait3A_45, %dma_wait3A_50] : memref<160x128xi32, #tpu.memory_space<vmem>> -> memref<1x128xi32, #tpu.memory_space<vmem>>
        %dma_wait3A_52 = tpu.memref_squeeze %dma_wait3A_51 : memref<1x128xi32, #tpu.memory_space<vmem>> -> memref<128xi32, #tpu.memory_space<vmem>>
        %dma_wait3A_53 = arith.constant 0 : i32
        %dma_wait3A_54 = arith.constant 0 : i32
        %dma_wait3A_55 = tpu.memref_slice %arg10[%dma_wait3A_53, %dma_wait3A_54] : memref<10240x64xf32, #tpu.memory_space<vmem_shared>> -> memref<10240x64xf32, #tpu.memory_space<vmem_shared>>
        tpu.wait_indirect_dma semaphore(%arg12 : memref<!tpu.dma_semaphore, #tpu.memory_space<semaphore_mem>>) src(%dma_wait3A_49 : memref<128x64xf32, #tpu.memory_space<vmem>>) dst(%dma_wait3A_55 : memref<10240x64xf32, #tpu.memory_space<vmem_shared>>)
      }
      %scan3A_43 = arith.constant 2 : i32
    } else {
    }
    %eq3A = arith.constant 15 : i32
    %eq3A_3 = arith.cmpi eq, %arg1, %eq3A : i32
    %convert_element_type3A_4 = arith.extui %eq3A_3 : i1 to i32
    %cond3A_5 = arith.constant 0 : i32
    %cond3A_6 = arith.cmpi ne, %convert_element_type3A_4, %cond3A_5 : i32
    scf.if %cond3A_6 {
      %mul3A_8 = arith.constant 156 : i32
      %mul3A_9 = arith.muli %arg1, %mul3A_8 : i32
      "tpu.region"() ({
        %run_scoped3A = tpu.sem_alloc : memref<!tpu.dma_semaphore, #tpu.memory_space<semaphore_mem>>
        %dma_start3A_44 = arith.constant 0 : i32
        %dma_start3A_45 = arith.constant 0 : i32
        %dma_start3A_46 = tpu.memref_slice %arg7[%dma_start3A_44, %dma_start3A_45] : memref<160x128xi32, #tpu.memory_space<vmem>> -> memref<160x128xi32, #tpu.memory_space<vmem>>
        %dma_start3A_47 = arith.constant 0 : i32
        %dma_start3A_48 = tpu.memref_slice %arg3[%arg0, %mul3A_9, %dma_start3A_47] : memref<2x2500x128xi32, #tpu.memory_space<hbm>> -> memref<1x160x128xi32, #tpu.memory_space<hbm>>
        %dma_start3A_49 = tpu.memref_squeeze %dma_start3A_48 : memref<1x160x128xi32, #tpu.memory_space<hbm>> -> memref<160x128xi32, #tpu.memory_space<hbm>>
        %dma_start3A_50 = arith.constant 0 : i32
        %dma_start3A_51 = arith.constant 0 : i32
        %dma_start3A_52 = tpu.memref_slice %arg7[%dma_start3A_50, %dma_start3A_51] : memref<160x128xi32, #tpu.memory_space<vmem>> -> memref<160x128xi32, #tpu.memory_space<vmem>>
        %dma_start3A_53 = arith.constant 0 : i32
        %dma_start3A_54 = tpu.memref_slice %arg3[%arg0, %mul3A_9, %dma_start3A_53] : memref<2x2500x128xi32, #tpu.memory_space<hbm>> -> memref<1x160x128xi32, #tpu.memory_space<hbm>>
        %dma_start3A_55 = tpu.memref_squeeze %dma_start3A_54 : memref<1x160x128xi32, #tpu.memory_space<hbm>> -> memref<160x128xi32, #tpu.memory_space<hbm>>
        tpu.enqueue_dma source(%dma_start3A_55 : memref<160x128xi32, #tpu.memory_space<hbm>>) target(%dma_start3A_52 : memref<160x128xi32, #tpu.memory_space<vmem>>) target_semaphore(%run_scoped3A : memref<!tpu.dma_semaphore, #tpu.memory_space<semaphore_mem>>)
        %dma_wait3A = arith.constant 0 : i32
        %dma_wait3A_56 = arith.constant 0 : i32
        %dma_wait3A_57 = tpu.memref_slice %arg7[%dma_wait3A, %dma_wait3A_56] : memref<160x128xi32, #tpu.memory_space<vmem>> -> memref<160x128xi32, #tpu.memory_space<vmem>>
        %dma_wait3A_58 = arith.constant 0 : i32
        %dma_wait3A_59 = tpu.memref_slice %arg3[%arg0, %mul3A_9, %dma_wait3A_58] : memref<2x2500x128xi32, #tpu.memory_space<hbm>> -> memref<1x160x128xi32, #tpu.memory_space<hbm>>
        %dma_wait3A_60 = tpu.memref_squeeze %dma_wait3A_59 : memref<1x160x128xi32, #tpu.memory_space<hbm>> -> memref<160x128xi32, #tpu.memory_space<hbm>>
        %dma_wait3A_61 = arith.constant 0 : i32
        %dma_wait3A_62 = arith.constant 0 : i32
        %dma_wait3A_63 = tpu.memref_slice %arg7[%dma_wait3A_61, %dma_wait3A_62] : memref<160x128xi32, #tpu.memory_space<vmem>> -> memref<160x128xi32, #tpu.memory_space<vmem>>
        %dma_wait3A_64 = arith.constant 0 : i32
        %dma_wait3A_65 = tpu.memref_slice %arg3[%arg0, %mul3A_9, %dma_wait3A_64] : memref<2x2500x128xi32, #tpu.memory_space<hbm>> -> memref<1x160x128xi32, #tpu.memory_space<hbm>>
        %dma_wait3A_66 = tpu.memref_squeeze %dma_wait3A_65 : memref<1x160x128xi32, #tpu.memory_space<hbm>> -> memref<160x128xi32, #tpu.memory_space<hbm>>
        tpu.wait_dma2 semaphore(%run_scoped3A : memref<!tpu.dma_semaphore, #tpu.memory_space<semaphore_mem>>) src(%dma_wait3A_66 : memref<160x128xi32, #tpu.memory_space<hbm>>) dst(%dma_wait3A_63 : memref<160x128xi32, #tpu.memory_space<vmem>>)
        tpu.yield
      }) : () -> ()
      "tpu.region"() ({
        %run_scoped3A = tpu.sem_alloc : memref<!tpu.dma_semaphore, #tpu.memory_space<semaphore_mem>>
        %dma_start3A_44 = arith.constant 0 : i32
        %dma_start3A_45 = arith.constant 0 : i32
        %dma_start3A_46 = tpu.memref_slice %arg8[%dma_start3A_44, %dma_start3A_45] : memref<160x128xi32, #tpu.memory_space<vmem>> -> memref<160x128xi32, #tpu.memory_space<vmem>>
        %dma_start3A_47 = arith.constant 0 : i32
        %dma_start3A_48 = tpu.memref_slice %arg4[%mul3A_9, %dma_start3A_47] : memref<2500x128xi32, #tpu.memory_space<hbm>> -> memref<160x128xi32, #tpu.memory_space<hbm>>
        %dma_start3A_49 = arith.constant 0 : i32
        %dma_start3A_50 = arith.constant 0 : i32
        %dma_start3A_51 = tpu.memref_slice %arg8[%dma_start3A_49, %dma_start3A_50] : memref<160x128xi32, #tpu.memory_space<vmem>> -> memref<160x128xi32, #tpu.memory_space<vmem>>
        %dma_start3A_52 = arith.constant 0 : i32
        %dma_start3A_53 = tpu.memref_slice %arg4[%mul3A_9, %dma_start3A_52] : memref<2500x128xi32, #tpu.memory_space<hbm>> -> memref<160x128xi32, #tpu.memory_space<hbm>>
        tpu.enqueue_dma source(%dma_start3A_53 : memref<160x128xi32, #tpu.memory_space<hbm>>) target(%dma_start3A_51 : memref<160x128xi32, #tpu.memory_space<vmem>>) target_semaphore(%run_scoped3A : memref<!tpu.dma_semaphore, #tpu.memory_space<semaphore_mem>>)
        %dma_wait3A = arith.constant 0 : i32
        %dma_wait3A_54 = arith.constant 0 : i32
        %dma_wait3A_55 = tpu.memref_slice %arg8[%dma_wait3A, %dma_wait3A_54] : memref<160x128xi32, #tpu.memory_space<vmem>> -> memref<160x128xi32, #tpu.memory_space<vmem>>
        %dma_wait3A_56 = arith.constant 0 : i32
        %dma_wait3A_57 = tpu.memref_slice %arg4[%mul3A_9, %dma_wait3A_56] : memref<2500x128xi32, #tpu.memory_space<hbm>> -> memref<160x128xi32, #tpu.memory_space<hbm>>
        %dma_wait3A_58 = arith.constant 0 : i32
        %dma_wait3A_59 = arith.constant 0 : i32
        %dma_wait3A_60 = tpu.memref_slice %arg8[%dma_wait3A_58, %dma_wait3A_59] : memref<160x128xi32, #tpu.memory_space<vmem>> -> memref<160x128xi32, #tpu.memory_space<vmem>>
        %dma_wait3A_61 = arith.constant 0 : i32
        %dma_wait3A_62 = tpu.memref_slice %arg4[%mul3A_9, %dma_wait3A_61] : memref<2500x128xi32, #tpu.memory_space<hbm>> -> memref<160x128xi32, #tpu.memory_space<hbm>>
        tpu.wait_dma2 semaphore(%run_scoped3A : memref<!tpu.dma_semaphore, #tpu.memory_space<semaphore_mem>>) src(%dma_wait3A_62 : memref<160x128xi32, #tpu.memory_space<hbm>>) dst(%dma_wait3A_60 : memref<160x128xi32, #tpu.memory_space<vmem>>)
        tpu.yield
      }) : () -> ()
      %dma_start3A = arith.constant 0 : i32
      %dma_start3A_10 = arith.constant 0 : i32
      %dma_start3A_11 = arith.constant 0 : i32
      %dma_start3A_12 = arith.constant 0 : i32
      %dma_start3A_13 = tpu.memref_slice %arg9[%dma_start3A_10, %dma_start3A_11, %dma_start3A_12] : memref<4x128x64xf32, #tpu.memory_space<vmem>> -> memref<1x128x64xf32, #tpu.memory_space<vmem>>
      %dma_start3A_14 = tpu.memref_squeeze %dma_start3A_13 : memref<1x128x64xf32, #tpu.memory_space<vmem>> -> memref<128x64xf32, #tpu.memory_space<vmem>>
      %dma_start3A_15 = arith.constant 0 : i32
      %dma_start3A_16 = tpu.memref_slice %arg7[%dma_start3A, %dma_start3A_15] : memref<160x128xi32, #tpu.memory_space<vmem>> -> memref<1x128xi32, #tpu.memory_space<vmem>>
      %dma_start3A_17 = tpu.memref_squeeze %dma_start3A_16 : memref<1x128xi32, #tpu.memory_space<vmem>> -> memref<128xi32, #tpu.memory_space<vmem>>
      %dma_start3A_18 = arith.constant 0 : i32
      %dma_start3A_19 = arith.constant 0 : i32
      %dma_start3A_20 = tpu.memref_slice %arg2[%dma_start3A_18, %dma_start3A_19] : memref<20000x64xf32, #tpu.memory_space<hbm>> -> memref<20000x64xf32, #tpu.memory_space<hbm>>
      tpu.enqueue_indirect_dma source(%dma_start3A_20 : memref<20000x64xf32, #tpu.memory_space<hbm>>) target(%dma_start3A_14 : memref<128x64xf32, #tpu.memory_space<vmem>>) offsets(%dma_start3A_17 : memref<128xi32, #tpu.memory_space<vmem>>) semaphore(%arg11 : memref<!tpu.dma_semaphore, #tpu.memory_space<semaphore_mem>>)
      %dma_start3A_21 = arith.constant 1 : i32
      %dma_start3A_22 = arith.constant 1 : i32
      %dma_start3A_23 = arith.constant 0 : i32
      %dma_start3A_24 = arith.constant 0 : i32
      %dma_start3A_25 = tpu.memref_slice %arg9[%dma_start3A_22, %dma_start3A_23, %dma_start3A_24] : memref<4x128x64xf32, #tpu.memory_space<vmem>> -> memref<1x128x64xf32, #tpu.memory_space<vmem>>
      %dma_start3A_26 = tpu.memref_squeeze %dma_start3A_25 : memref<1x128x64xf32, #tpu.memory_space<vmem>> -> memref<128x64xf32, #tpu.memory_space<vmem>>
      %dma_start3A_27 = arith.constant 0 : i32
      %dma_start3A_28 = tpu.memref_slice %arg7[%dma_start3A_21, %dma_start3A_27] : memref<160x128xi32, #tpu.memory_space<vmem>> -> memref<1x128xi32, #tpu.memory_space<vmem>>
      %dma_start3A_29 = tpu.memref_squeeze %dma_start3A_28 : memref<1x128xi32, #tpu.memory_space<vmem>> -> memref<128xi32, #tpu.memory_space<vmem>>
      %dma_start3A_30 = arith.constant 0 : i32
      %dma_start3A_31 = arith.constant 0 : i32
      %dma_start3A_32 = tpu.memref_slice %arg2[%dma_start3A_30, %dma_start3A_31] : memref<20000x64xf32, #tpu.memory_space<hbm>> -> memref<20000x64xf32, #tpu.memory_space<hbm>>
      tpu.enqueue_indirect_dma source(%dma_start3A_32 : memref<20000x64xf32, #tpu.memory_space<hbm>>) target(%dma_start3A_26 : memref<128x64xf32, #tpu.memory_space<vmem>>) offsets(%dma_start3A_29 : memref<128xi32, #tpu.memory_space<vmem>>) semaphore(%arg11 : memref<!tpu.dma_semaphore, #tpu.memory_space<semaphore_mem>>)
      %scan3A = arith.constant 0 : i32
      %scan3A_33 = arith.constant 0 : i32
      %scan3A_34 = arith.constant 80 : i32
      %scan3A_35 = arith.addi %scan3A_33, %scan3A_34 : i32
      %scan3A_36 = arith.constant 1 : i32
      scf.for %scan3A_44 = %scan3A_33 to %scan3A_35 step %scan3A_36  : i32 {
        %jit3A = arith.constant 2 : i32
        %eq3A_45 = arith.constant 0 : i32
        %eq3A_46 = arith.cmpi eq, %jit3A, %eq3A_45 : i32
        %jit3A_47 = arith.constant 1 : i32
        %select_n3A = arith.select %eq3A_46, %jit3A_47, %jit3A : i32
        %rem3A = arith.remsi %scan3A_44, %select_n3A : i32
        %ne3A = arith.constant 0 : i32
        %ne3A_48 = arith.cmpi ne, %rem3A, %ne3A : i32
        %lt3A_49 = arith.constant 0 : i32
        %lt3A_50 = arith.cmpi slt, %rem3A, %lt3A_49 : i32
        %lt3A_51 = arith.constant 0 : i32
        %lt3A_52 = arith.cmpi slt, %select_n3A, %lt3A_51 : i32
        %ne3A_53 = arith.xori %lt3A_50, %lt3A_52 : i1
        %and3A = arith.andi %ne3A_53, %ne3A_48 : i1
        %add3A = arith.addi %rem3A, %select_n3A : i32
        %select_n3A_54 = arith.select %and3A, %add3A, %rem3A : i32
        %mul3A_55 = arith.constant 2 : i32
        %mul3A_56 = arith.muli %select_n3A_54, %mul3A_55 : i32
        %scan3A_57 = arith.constant 0 : i32
        %scan3A_58 = arith.constant 0 : i32
        %scan3A_59 = arith.constant 2 : i32
        %scan3A_60 = arith.addi %scan3A_58, %scan3A_59 : i32
        %scan3A_61 = arith.constant 1 : i32
        scf.for %scan3A_100 = %scan3A_58 to %scan3A_60 step %scan3A_61  : i32 {
          %dma_wait3A = arith.constant 0 : i32
          %dma_wait3A_101 = arith.constant 0 : i32
          %dma_wait3A_102 = arith.constant 0 : i32
          %dma_wait3A_103 = arith.constant 0 : i32
          %dma_wait3A_104 = tpu.memref_slice %arg9[%dma_wait3A_101, %dma_wait3A_102, %dma_wait3A_103] : memref<4x128x64xf32, #tpu.memory_space<vmem>> -> memref<1x128x64xf32, #tpu.memory_space<vmem>>
          %dma_wait3A_105 = tpu.memref_squeeze %dma_wait3A_104 : memref<1x128x64xf32, #tpu.memory_space<vmem>> -> memref<128x64xf32, #tpu.memory_space<vmem>>
          %dma_wait3A_106 = arith.constant 0 : i32
          %dma_wait3A_107 = tpu.memref_slice %arg7[%dma_wait3A, %dma_wait3A_106] : memref<160x128xi32, #tpu.memory_space<vmem>> -> memref<1x128xi32, #tpu.memory_space<vmem>>
          %dma_wait3A_108 = tpu.memref_squeeze %dma_wait3A_107 : memref<1x128xi32, #tpu.memory_space<vmem>> -> memref<128xi32, #tpu.memory_space<vmem>>
          %dma_wait3A_109 = arith.constant 0 : i32
          %dma_wait3A_110 = arith.constant 0 : i32
          %dma_wait3A_111 = tpu.memref_slice %arg2[%dma_wait3A_109, %dma_wait3A_110] : memref<20000x64xf32, #tpu.memory_space<hbm>> -> memref<20000x64xf32, #tpu.memory_space<hbm>>
          tpu.wait_indirect_dma semaphore(%arg11 : memref<!tpu.dma_semaphore, #tpu.memory_space<semaphore_mem>>) src(%dma_wait3A_111 : memref<20000x64xf32, #tpu.memory_space<hbm>>) dst(%dma_wait3A_105 : memref<128x64xf32, #tpu.memory_space<vmem>>)
        }
        %scan3A_62 = arith.constant 2 : i32
        %gt3A = arith.constant 0 : i32
        %gt3A_63 = arith.cmpi sgt, %scan3A_44, %gt3A : i32
        %convert_element_type3A_64 = arith.extui %gt3A_63 : i1 to i32
        %cond3A_65 = arith.constant 0 : i32
        %cond3A_66 = arith.cmpi ne, %convert_element_type3A_64, %cond3A_65 : i32
        scf.if %cond3A_66 {
          %scan3A_100 = arith.constant 0 : i32
          %scan3A_101 = arith.constant 0 : i32
          %scan3A_102 = arith.constant 2 : i32
          %scan3A_103 = arith.addi %scan3A_101, %scan3A_102 : i32
          %scan3A_104 = arith.constant 1 : i32
          scf.for %scan3A_106 = %scan3A_101 to %scan3A_103 step %scan3A_104  : i32 {
            %dma_wait3A = arith.constant 0 : i32
            %dma_wait3A_107 = arith.constant 0 : i32
            %dma_wait3A_108 = arith.constant 0 : i32
            %dma_wait3A_109 = arith.constant 0 : i32
            %dma_wait3A_110 = tpu.memref_slice %arg9[%dma_wait3A, %dma_wait3A_108, %dma_wait3A_109] : memref<4x128x64xf32, #tpu.memory_space<vmem>> -> memref<1x128x64xf32, #tpu.memory_space<vmem>>
            %dma_wait3A_111 = tpu.memref_squeeze %dma_wait3A_110 : memref<1x128x64xf32, #tpu.memory_space<vmem>> -> memref<128x64xf32, #tpu.memory_space<vmem>>
            %dma_wait3A_112 = arith.constant 0 : i32
            %dma_wait3A_113 = tpu.memref_slice %arg8[%dma_wait3A_107, %dma_wait3A_112] : memref<160x128xi32, #tpu.memory_space<vmem>> -> memref<1x128xi32, #tpu.memory_space<vmem>>
            %dma_wait3A_114 = tpu.memref_squeeze %dma_wait3A_113 : memref<1x128xi32, #tpu.memory_space<vmem>> -> memref<128xi32, #tpu.memory_space<vmem>>
            %dma_wait3A_115 = arith.constant 0 : i32
            %dma_wait3A_116 = arith.constant 0 : i32
            %dma_wait3A_117 = tpu.memref_slice %arg10[%dma_wait3A_115, %dma_wait3A_116] : memref<10240x64xf32, #tpu.memory_space<vmem_shared>> -> memref<10240x64xf32, #tpu.memory_space<vmem_shared>>
            tpu.wait_indirect_dma semaphore(%arg12 : memref<!tpu.dma_semaphore, #tpu.memory_space<semaphore_mem>>) src(%dma_wait3A_111 : memref<128x64xf32, #tpu.memory_space<vmem>>) dst(%dma_wait3A_117 : memref<10240x64xf32, #tpu.memory_space<vmem_shared>>)
          }
          %scan3A_105 = arith.constant 2 : i32
        } else {
        }
        %add3A_67 = arith.constant 1 : i32
        %add3A_68 = arith.addi %scan3A_44, %add3A_67 : i32
        %lt3A_69 = arith.constant 80 : i32
        %lt3A_70 = arith.cmpi slt, %add3A_68, %lt3A_69 : i32
        %convert_element_type3A_71 = arith.extui %lt3A_70 : i1 to i32
        %cond3A_72 = arith.constant 0 : i32
        %cond3A_73 = arith.cmpi ne, %convert_element_type3A_71, %cond3A_72 : i32
        scf.if %cond3A_73 {
          %add3A_100 = arith.constant 1 : i32
          %add3A_101 = arith.addi %scan3A_44, %add3A_100 : i32
          %sub3A = arith.constant 2 : i32
          %sub3A_102 = arith.subi %sub3A, %mul3A_56 : i32
          %mul3A_103 = arith.constant 2 : i32
          %mul3A_104 = arith.muli %mul3A_103, %add3A_101 : i32
          %dma_start3A_105 = arith.constant 0 : i32
          %dma_start3A_106 = arith.constant 0 : i32
          %dma_start3A_107 = tpu.memref_slice %arg9[%sub3A_102, %dma_start3A_105, %dma_start3A_106] : memref<4x128x64xf32, #tpu.memory_space<vmem>> -> memref<1x128x64xf32, #tpu.memory_space<vmem>>
          %dma_start3A_108 = tpu.memref_squeeze %dma_start3A_107 : memref<1x128x64xf32, #tpu.memory_space<vmem>> -> memref<128x64xf32, #tpu.memory_space<vmem>>
          %dma_start3A_109 = arith.constant 0 : i32
          %dma_start3A_110 = tpu.memref_slice %arg7[%mul3A_104, %dma_start3A_109] : memref<160x128xi32, #tpu.memory_space<vmem>> -> memref<1x128xi32, #tpu.memory_space<vmem>>
          %dma_start3A_111 = tpu.memref_squeeze %dma_start3A_110 : memref<1x128xi32, #tpu.memory_space<vmem>> -> memref<128xi32, #tpu.memory_space<vmem>>
          %dma_start3A_112 = arith.constant 0 : i32
          %dma_start3A_113 = arith.constant 0 : i32
          %dma_start3A_114 = tpu.memref_slice %arg2[%dma_start3A_112, %dma_start3A_113] : memref<20000x64xf32, #tpu.memory_space<hbm>> -> memref<20000x64xf32, #tpu.memory_space<hbm>>
          tpu.enqueue_indirect_dma source(%dma_start3A_114 : memref<20000x64xf32, #tpu.memory_space<hbm>>) target(%dma_start3A_108 : memref<128x64xf32, #tpu.memory_space<vmem>>) offsets(%dma_start3A_111 : memref<128xi32, #tpu.memory_space<vmem>>) semaphore(%arg11 : memref<!tpu.dma_semaphore, #tpu.memory_space<semaphore_mem>>)
          %add3A_115 = arith.constant 1 : i32
          %add3A_116 = arith.addi %mul3A_104, %add3A_115 : i32
          %add3A_117 = arith.constant 1 : i32
          %add3A_118 = arith.addi %sub3A_102, %add3A_117 : i32
          %dma_start3A_119 = arith.constant 0 : i32
          %dma_start3A_120 = arith.constant 0 : i32
          %dma_start3A_121 = tpu.memref_slice %arg9[%add3A_118, %dma_start3A_119, %dma_start3A_120] : memref<4x128x64xf32, #tpu.memory_space<vmem>> -> memref<1x128x64xf32, #tpu.memory_space<vmem>>
          %dma_start3A_122 = tpu.memref_squeeze %dma_start3A_121 : memref<1x128x64xf32, #tpu.memory_space<vmem>> -> memref<128x64xf32, #tpu.memory_space<vmem>>
          %dma_start3A_123 = arith.constant 0 : i32
          %dma_start3A_124 = tpu.memref_slice %arg7[%add3A_116, %dma_start3A_123] : memref<160x128xi32, #tpu.memory_space<vmem>> -> memref<1x128xi32, #tpu.memory_space<vmem>>
          %dma_start3A_125 = tpu.memref_squeeze %dma_start3A_124 : memref<1x128xi32, #tpu.memory_space<vmem>> -> memref<128xi32, #tpu.memory_space<vmem>>
          %dma_start3A_126 = arith.constant 0 : i32
          %dma_start3A_127 = arith.constant 0 : i32
          %dma_start3A_128 = tpu.memref_slice %arg2[%dma_start3A_126, %dma_start3A_127] : memref<20000x64xf32, #tpu.memory_space<hbm>> -> memref<20000x64xf32, #tpu.memory_space<hbm>>
          tpu.enqueue_indirect_dma source(%dma_start3A_128 : memref<20000x64xf32, #tpu.memory_space<hbm>>) target(%dma_start3A_122 : memref<128x64xf32, #tpu.memory_space<vmem>>) offsets(%dma_start3A_125 : memref<128xi32, #tpu.memory_space<vmem>>) semaphore(%arg11 : memref<!tpu.dma_semaphore, #tpu.memory_space<semaphore_mem>>)
        } else {
        }
        %mul3A_74 = arith.constant 2 : i32
        %mul3A_75 = arith.muli %mul3A_74, %scan3A_44 : i32
        %dma_start3A_76 = arith.constant 0 : i32
        %dma_start3A_77 = arith.constant 0 : i32
        %dma_start3A_78 = tpu.memref_slice %arg9[%mul3A_56, %dma_start3A_76, %dma_start3A_77] : memref<4x128x64xf32, #tpu.memory_space<vmem>> -> memref<1x128x64xf32, #tpu.memory_space<vmem>>
        %dma_start3A_79 = tpu.memref_squeeze %dma_start3A_78 : memref<1x128x64xf32, #tpu.memory_space<vmem>> -> memref<128x64xf32, #tpu.memory_space<vmem>>
        %dma_start3A_80 = arith.constant 0 : i32
        %dma_start3A_81 = tpu.memref_slice %arg8[%mul3A_75, %dma_start3A_80] : memref<160x128xi32, #tpu.memory_space<vmem>> -> memref<1x128xi32, #tpu.memory_space<vmem>>
        %dma_start3A_82 = tpu.memref_squeeze %dma_start3A_81 : memref<1x128xi32, #tpu.memory_space<vmem>> -> memref<128xi32, #tpu.memory_space<vmem>>
        %dma_start3A_83 = arith.constant 0 : i32
        %dma_start3A_84 = arith.constant 0 : i32
        %dma_start3A_85 = tpu.memref_slice %arg10[%dma_start3A_83, %dma_start3A_84] : memref<10240x64xf32, #tpu.memory_space<vmem_shared>> -> memref<10240x64xf32, #tpu.memory_space<vmem_shared>>
        tpu.enqueue_indirect_dma source(%dma_start3A_79 : memref<128x64xf32, #tpu.memory_space<vmem>>) target(%dma_start3A_85 : memref<10240x64xf32, #tpu.memory_space<vmem_shared>>) offsets(%dma_start3A_82 : memref<128xi32, #tpu.memory_space<vmem>>) semaphore(%arg12 : memref<!tpu.dma_semaphore, #tpu.memory_space<semaphore_mem>>) {add = true}
        %add3A_86 = arith.constant 1 : i32
        %add3A_87 = arith.addi %mul3A_56, %add3A_86 : i32
        %add3A_88 = arith.constant 1 : i32
        %add3A_89 = arith.addi %mul3A_75, %add3A_88 : i32
        %dma_start3A_90 = arith.constant 0 : i32
        %dma_start3A_91 = arith.constant 0 : i32
        %dma_start3A_92 = tpu.memref_slice %arg9[%add3A_87, %dma_start3A_90, %dma_start3A_91] : memref<4x128x64xf32, #tpu.memory_space<vmem>> -> memref<1x128x64xf32, #tpu.memory_space<vmem>>
        %dma_start3A_93 = tpu.memref_squeeze %dma_start3A_92 : memref<1x128x64xf32, #tpu.memory_space<vmem>> -> memref<128x64xf32, #tpu.memory_space<vmem>>
        %dma_start3A_94 = arith.constant 0 : i32
        %dma_start3A_95 = tpu.memref_slice %arg8[%add3A_89, %dma_start3A_94] : memref<160x128xi32, #tpu.memory_space<vmem>> -> memref<1x128xi32, #tpu.memory_space<vmem>>
        %dma_start3A_96 = tpu.memref_squeeze %dma_start3A_95 : memref<1x128xi32, #tpu.memory_space<vmem>> -> memref<128xi32, #tpu.memory_space<vmem>>
        %dma_start3A_97 = arith.constant 0 : i32
        %dma_start3A_98 = arith.constant 0 : i32
        %dma_start3A_99 = tpu.memref_slice %arg10[%dma_start3A_97, %dma_start3A_98] : memref<10240x64xf32, #tpu.memory_space<vmem_shared>> -> memref<10240x64xf32, #tpu.memory_space<vmem_shared>>
        tpu.enqueue_indirect_dma source(%dma_start3A_93 : memref<128x64xf32, #tpu.memory_space<vmem>>) target(%dma_start3A_99 : memref<10240x64xf32, #tpu.memory_space<vmem_shared>>) offsets(%dma_start3A_96 : memref<128xi32, #tpu.memory_space<vmem>>) semaphore(%arg12 : memref<!tpu.dma_semaphore, #tpu.memory_space<semaphore_mem>>) {add = true}
      }
      %scan3A_37 = arith.constant 80 : i32
      %scan3A_38 = arith.constant 0 : i32
      %scan3A_39 = arith.constant 0 : i32
      %scan3A_40 = arith.constant 2 : i32
      %scan3A_41 = arith.addi %scan3A_39, %scan3A_40 : i32
      %scan3A_42 = arith.constant 1 : i32
      scf.for %scan3A_44 = %scan3A_39 to %scan3A_41 step %scan3A_42  : i32 {
        %dma_wait3A = arith.constant 0 : i32
        %dma_wait3A_45 = arith.constant 0 : i32
        %dma_wait3A_46 = arith.constant 0 : i32
        %dma_wait3A_47 = arith.constant 0 : i32
        %dma_wait3A_48 = tpu.memref_slice %arg9[%dma_wait3A, %dma_wait3A_46, %dma_wait3A_47] : memref<4x128x64xf32, #tpu.memory_space<vmem>> -> memref<1x128x64xf32, #tpu.memory_space<vmem>>
        %dma_wait3A_49 = tpu.memref_squeeze %dma_wait3A_48 : memref<1x128x64xf32, #tpu.memory_space<vmem>> -> memref<128x64xf32, #tpu.memory_space<vmem>>
        %dma_wait3A_50 = arith.constant 0 : i32
        %dma_wait3A_51 = tpu.memref_slice %arg8[%dma_wait3A_45, %dma_wait3A_50] : memref<160x128xi32, #tpu.memory_space<vmem>> -> memref<1x128xi32, #tpu.memory_space<vmem>>
        %dma_wait3A_52 = tpu.memref_squeeze %dma_wait3A_51 : memref<1x128xi32, #tpu.memory_space<vmem>> -> memref<128xi32, #tpu.memory_space<vmem>>
        %dma_wait3A_53 = arith.constant 0 : i32
        %dma_wait3A_54 = arith.constant 0 : i32
        %dma_wait3A_55 = tpu.memref_slice %arg10[%dma_wait3A_53, %dma_wait3A_54] : memref<10240x64xf32, #tpu.memory_space<vmem_shared>> -> memref<10240x64xf32, #tpu.memory_space<vmem_shared>>
        tpu.wait_indirect_dma semaphore(%arg12 : memref<!tpu.dma_semaphore, #tpu.memory_space<semaphore_mem>>) src(%dma_wait3A_49 : memref<128x64xf32, #tpu.memory_space<vmem>>) dst(%dma_wait3A_55 : memref<10240x64xf32, #tpu.memory_space<vmem_shared>>)
      }
      %scan3A_43 = arith.constant 2 : i32
    } else {
    }
    %barrier3A_7 = arith.constant 0 : index
    tpu.barrier barrier_id(%barrier3A_7)
    "tpu.region"() ({
      %run_scoped3A = tpu.sem_alloc : memref<!tpu.dma_semaphore, #tpu.memory_space<semaphore_mem>>
      %dma_start3A = arith.constant 0 : i32
      %dma_start3A_8 = tpu.memref_slice %arg6[%arg0, %mul3A_0, %dma_start3A] : memref<2x10240x64xf32, #tpu.memory_space<hbm>> -> memref<1x640x64xf32, #tpu.memory_space<hbm>>
      %dma_start3A_9 = tpu.memref_squeeze %dma_start3A_8 : memref<1x640x64xf32, #tpu.memory_space<hbm>> -> memref<640x64xf32, #tpu.memory_space<hbm>>
      %dma_start3A_10 = arith.constant 0 : i32
      %dma_start3A_11 = tpu.memref_slice %arg10[%mul3A_0, %dma_start3A_10] : memref<10240x64xf32, #tpu.memory_space<vmem_shared>> -> memref<640x64xf32, #tpu.memory_space<vmem_shared>>
      tpu.enqueue_dma source(%dma_start3A_11 : memref<640x64xf32, #tpu.memory_space<vmem_shared>>) target(%dma_start3A_9 : memref<640x64xf32, #tpu.memory_space<hbm>>) target_semaphore(%run_scoped3A : memref<!tpu.dma_semaphore, #tpu.memory_space<semaphore_mem>>)
      %dma_wait3A = arith.constant 0 : i32
      %dma_wait3A_12 = tpu.memref_slice %arg6[%arg0, %mul3A_0, %dma_wait3A] : memref<2x10240x64xf32, #tpu.memory_space<hbm>> -> memref<1x640x64xf32, #tpu.memory_space<hbm>>
      %dma_wait3A_13 = tpu.memref_squeeze %dma_wait3A_12 : memref<1x640x64xf32, #tpu.memory_space<hbm>> -> memref<640x64xf32, #tpu.memory_space<hbm>>
      %dma_wait3A_14 = arith.constant 0 : i32
      %dma_wait3A_15 = tpu.memref_slice %arg10[%mul3A_0, %dma_wait3A_14] : memref<10240x64xf32, #tpu.memory_space<vmem_shared>> -> memref<640x64xf32, #tpu.memory_space<vmem_shared>>
      tpu.wait_dma2 semaphore(%run_scoped3A : memref<!tpu.dma_semaphore, #tpu.memory_space<semaphore_mem>>) src(%dma_wait3A_15 : memref<640x64xf32, #tpu.memory_space<vmem_shared>>) dst(%dma_wait3A_13 : memref<640x64xf32, #tpu.memory_space<hbm>>)
      tpu.yield
    }) : () -> ()
    return
  }
}

module attributes {stable_mosaic.version = 14 : i64} {
  func.func @_prep_body(%arg0: i32, %arg1: memref<2x1000x16xf32, #tpu.memory_space<vmem>>, %arg2: memref<1000x128xf32, #tpu.memory_space<vmem>>, %arg3: memref<1000x1xf32, #tpu.memory_space<vmem>>, %arg4: memref<2x1000x64xf32, #tpu.memory_space<vmem>>) attributes {dimension_semantics = [#tpu.dimension_semantics<arbitrary>], iteration_bounds = array<i64: 10>, scalar_prefetch = 0 : i64, scratch_operands = 0 : i64, tpu.core_type = #tpu.core_type<tc>, window_params = [{transform_indices = @transform_0, window_bounds = array<i64: 2, 1000, 16>}, {transform_indices = @transform_1, window_bounds = array<i64: 1000, 128>}, {transform_indices = @transform_2, window_bounds = array<i64: 1000, 1>}, {transform_indices = @transform_3, window_bounds = array<i64: 2, 1000, 64>}]} {
    %get3A = arith.constant 0 : index
    %get3A_0 = arith.constant 0 : index
    %get3A_1 = arith.constant 0 : index
    %get3A_2 = vector.load %arg1[%get3A, %get3A_0, %get3A_1] : memref<2x1000x16xf32, #tpu.memory_space<vmem>>, vector<1x1000x1xf32>
    %get3A_3 = vector.shape_cast %get3A_2 : vector<1x1000x1xf32> to vector<1000x1xf32>
    %get3A_4 = arith.constant 1 : index
    %get3A_5 = arith.constant 0 : index
    %get3A_6 = arith.constant 0 : index
    %get3A_7 = vector.load %arg1[%get3A_4, %get3A_5, %get3A_6] : memref<2x1000x16xf32, #tpu.memory_space<vmem>>, vector<1x1000x1xf32>
    %get3A_8 = vector.shape_cast %get3A_7 : vector<1x1000x1xf32> to vector<1000x1xf32>
    %add3A = arith.addf %get3A_3, %get3A_8 : vector<1000x1xf32>
    %add3A_9 = arith.constant 2.000000e+00 : f32
    %add3A_10 = vector.broadcast %add3A_9 : f32 to vector<1000x1xf32>
    %add3A_11 = arith.addf %add3A, %add3A_10 : vector<1000x1xf32>
    %rsqrt3A = math.rsqrt %add3A_11 : vector<1000x1xf32>
    %swap3A = arith.constant 0 : index
    %swap3A_12 = arith.constant 0 : index
    %swap3A_13 = vector.load %arg3[%swap3A, %swap3A_12] : memref<1000x1xf32, #tpu.memory_space<vmem>>, vector<1000x1xf32>
    tpu.vector_store %arg3[%swap3A, %swap3A_12], %rsqrt3A {strides = array<i32>} : memref<1000x1xf32, #tpu.memory_space<vmem>>, vector<1000x1xf32>,
    %get3A_14 = arith.constant 0 : index
    %get3A_15 = arith.constant 0 : index
    %get3A_16 = vector.load %arg2[%get3A_14, %get3A_15] : memref<1000x128xf32, #tpu.memory_space<vmem>>, vector<1000x128xf32>
    %mul3A = vector.broadcast %rsqrt3A : vector<1000x1xf32> to vector<1000x128xf32>
    %mul3A_17 = arith.mulf %get3A_16, %mul3A : vector<1000x128xf32>
    %slice3A = vector.extract_strided_slice %mul3A_17 {offsets = [0, 0], sizes = [1000, 64], strides = [1, 1]} : vector<1000x128xf32> to vector<1000x64xf32>
    %swap3A_18 = arith.constant 0 : index
    %swap3A_19 = arith.constant 0 : index
    %swap3A_20 = arith.constant 0 : index
    %swap3A_21 = vector.load %arg4[%swap3A_18, %swap3A_19, %swap3A_20] : memref<2x1000x64xf32, #tpu.memory_space<vmem>>, vector<1x1000x64xf32>
    %swap3A_22 = vector.shape_cast %swap3A_21 : vector<1x1000x64xf32> to vector<1000x64xf32>
    %swap3A_23 = vector.shape_cast %slice3A : vector<1000x64xf32> to vector<1x1000x64xf32>
    tpu.vector_store %arg4[%swap3A_18, %swap3A_19, %swap3A_20], %swap3A_23 {strides = array<i32>} : memref<2x1000x64xf32, #tpu.memory_space<vmem>>, vector<1x1000x64xf32>,
    %slice3A_24 = vector.extract_strided_slice %mul3A_17 {offsets = [0, 64], sizes = [1000, 64], strides = [1, 1]} : vector<1000x128xf32> to vector<1000x64xf32>
    %swap3A_25 = arith.constant 1 : index
    %swap3A_26 = arith.constant 0 : index
    %swap3A_27 = arith.constant 0 : index
    %swap3A_28 = vector.load %arg4[%swap3A_25, %swap3A_26, %swap3A_27] : memref<2x1000x64xf32, #tpu.memory_space<vmem>>, vector<1x1000x64xf32>
    %swap3A_29 = vector.shape_cast %swap3A_28 : vector<1x1000x64xf32> to vector<1000x64xf32>
    %swap3A_30 = vector.shape_cast %slice3A_24 : vector<1000x64xf32> to vector<1x1000x64xf32>
    tpu.vector_store %arg4[%swap3A_25, %swap3A_26, %swap3A_27], %swap3A_30 {strides = array<i32>} : memref<2x1000x64xf32, #tpu.memory_space<vmem>>, vector<1x1000x64xf32>,
    return
  }
  func.func @transform_0(%arg0: i32) -> (i32, i32, i32) {
    %c0_i32 = arith.constant 0 : i32
    %c0_i32_0 = arith.constant 0 : i32
    %c0_i32_1 = arith.constant 0 : i32
    return %c0_i32, %arg0, %c0_i32_0 : i32, i32, i32
  }
  func.func @transform_1(%arg0: i32) -> (i32, i32) {
    %c0_i32 = arith.constant 0 : i32
    %c0_i32_0 = arith.constant 0 : i32
    return %arg0, %c0_i32 : i32, i32
  }
  func.func @transform_2(%arg0: i32) -> (i32, i32) {
    %c0_i32 = arith.constant 0 : i32
    %c0_i32_0 = arith.constant 0 : i32
    return %arg0, %c0_i32 : i32, i32
  }
  func.func @transform_3(%arg0: i32) -> (i32, i32, i32) {
    %c0_i32 = arith.constant 0 : i32
    %c0_i32_0 = arith.constant 0 : i32
    %c0_i32_1 = arith.constant 0 : i32
    return %c0_i32, %arg0, %c0_i32_0 : i32, i32, i32
  }
}

module attributes {stable_mosaic.version = 14 : i64} {
  func.func @_dense_body(%arg0: i32, %arg1: memref<1000x1xf32, #tpu.memory_space<vmem>>, %arg2: memref<1000x128xf32, #tpu.memory_space<vmem>>, %arg3: memref<2x1000x64xf32, #tpu.memory_space<vmem>>, %arg4: memref<128x256xf32, #tpu.memory_space<vmem>>, %arg5: memref<1x256xf32, #tpu.memory_space<vmem>>, %arg6: memref<256x1xf32, #tpu.memory_space<vmem>>, %arg7: memref<1000x1xf32, #tpu.memory_space<vmem>>, %arg8: memref<1000x16xf32, #tpu.memory_space<vmem>>) attributes {dimension_semantics = [#tpu.dimension_semantics<arbitrary>], iteration_bounds = array<i64: 10>, scalar_prefetch = 0 : i64, scratch_operands = 0 : i64, tpu.core_type = #tpu.core_type<tc>, window_params = [{transform_indices = @transform_0, window_bounds = array<i64: 1000, 1>}, {transform_indices = @transform_1, window_bounds = array<i64: 1000, 128>}, {transform_indices = @transform_2, window_bounds = array<i64: 2, 1000, 64>}, {pipeline_mode = #tpu.pipeline_mode<synchronous>, transform_indices = @transform_3, window_bounds = array<i64: 128, 256>}, {pipeline_mode = #tpu.pipeline_mode<synchronous>, transform_indices = @transform_4, window_bounds = array<i64: 1, 256>}, {pipeline_mode = #tpu.pipeline_mode<synchronous>, transform_indices = @transform_5, window_bounds = array<i64: 256, 1>}, {transform_indices = @transform_6, window_bounds = array<i64: 1000, 1>}, {transform_indices = @transform_7, window_bounds = array<i64: 1000, 16>}]} {
    %get3A = arith.constant 0 : index
    %get3A_0 = arith.constant 0 : index
    %get3A_1 = vector.load %arg1[%get3A, %get3A_0] : memref<1000x1xf32, #tpu.memory_space<vmem>>, vector<1000x1xf32>
    %get3A_2 = arith.constant 0 : index
    %get3A_3 = arith.constant 0 : index
    %get3A_4 = arith.constant 0 : index
    %get3A_5 = vector.load %arg3[%get3A_2, %get3A_3, %get3A_4] : memref<2x1000x64xf32, #tpu.memory_space<vmem>>, vector<1x1000x64xf32>
    %get3A_6 = vector.shape_cast %get3A_5 : vector<1x1000x64xf32> to vector<1000x64xf32>
    %get3A_7 = arith.constant 1 : index
    %get3A_8 = arith.constant 0 : index
    %get3A_9 = arith.constant 0 : index
    %get3A_10 = vector.load %arg3[%get3A_7, %get3A_8, %get3A_9] : memref<2x1000x64xf32, #tpu.memory_space<vmem>>, vector<1x1000x64xf32>
    %get3A_11 = vector.shape_cast %get3A_10 : vector<1x1000x64xf32> to vector<1000x64xf32>
    %concatenate3A = tpu.concatenate %get3A_6, %get3A_11 in 1 : vector<1000x64xf32>, vector<1000x64xf32> -> vector<1000x128xf32>
    %mul3A = vector.broadcast %get3A_1 : vector<1000x1xf32> to vector<1000x128xf32>
    %mul3A_12 = arith.mulf %mul3A, %concatenate3A : vector<1000x128xf32>
    %mul3A_13 = arith.constant 2.000000e+00 : f32
    %mul3A_14 = vector.broadcast %mul3A_13 : f32 to vector<1000x1xf32>
    %mul3A_15 = arith.mulf %mul3A_14, %get3A_1 : vector<1000x1xf32>
    %mul3A_16 = arith.mulf %mul3A_15, %get3A_1 : vector<1000x1xf32>
    %get3A_17 = arith.constant 0 : index
    %get3A_18 = arith.constant 0 : index
    %get3A_19 = vector.load %arg2[%get3A_17, %get3A_18] : memref<1000x128xf32, #tpu.memory_space<vmem>>, vector<1000x128xf32>
    %mul3A_20 = vector.broadcast %mul3A_16 : vector<1000x1xf32> to vector<1000x128xf32>
    %mul3A_21 = arith.mulf %mul3A_20, %get3A_19 : vector<1000x128xf32>
    %add3A = arith.addf %mul3A_12, %mul3A_21 : vector<1000x128xf32>
    %get3A_22 = arith.constant 0 : index
    %get3A_23 = arith.constant 0 : index
    %get3A_24 = vector.load %arg4[%get3A_22, %get3A_23] : memref<128x256xf32, #tpu.memory_space<vmem>>, vector<128x256xf32>
    %dot_general3A = arith.constant dense<0.000000e+00> : vector<1000x256xf32>
    %dot_general3A_25 = tpu.matmul %add3A, %get3A_24, %dot_general3A {dimension_numbers = #tpu.dot_dimension_numbers<[1], [0], [0], [1], [0, 0, 1, 1], [], []>, transpose_lhs_hint = false} : vector<1000x128xf32>, vector<128x256xf32>, vector<1000x256xf32> -> vector<1000x256xf32>
    %get3A_26 = arith.constant 0 : index
    %get3A_27 = arith.constant 0 : index
    %get3A_28 = vector.load %arg5[%get3A_26, %get3A_27] : memref<1x256xf32, #tpu.memory_space<vmem>>, vector<1x256xf32>
    %add3A_29 = vector.broadcast %get3A_28 : vector<1x256xf32> to vector<1000x256xf32>
    %add3A_30 = arith.addf %dot_general3A_25, %add3A_29 : vector<1000x256xf32>
    %max3A = arith.constant 0.000000e+00 : f32
    %max3A_31 = vector.broadcast %max3A : f32 to vector<1000x256xf32>
    %max3A_32 = arith.maximumf %add3A_30, %max3A_31 : vector<1000x256xf32>
    %get3A_33 = arith.constant 0 : index
    %get3A_34 = arith.constant 0 : index
    %get3A_35 = vector.load %arg6[%get3A_33, %get3A_34] : memref<256x1xf32, #tpu.memory_space<vmem>>, vector<256x1xf32>
    %dot_general3A_36 = arith.constant dense<0.000000e+00> : vector<1000x1xf32>
    %dot_general3A_37 = tpu.matmul %max3A_32, %get3A_35, %dot_general3A_36 {dimension_numbers = #tpu.dot_dimension_numbers<[1], [0], [0], [1], [0, 0, 1, 1], [], []>, transpose_lhs_hint = false} : vector<1000x256xf32>, vector<256x1xf32>, vector<1000x1xf32> -> vector<1000x1xf32>
    %swap3A = arith.constant 0 : index
    %swap3A_38 = arith.constant 0 : index
    %swap3A_39 = vector.load %arg7[%swap3A, %swap3A_38] : memref<1000x1xf32, #tpu.memory_space<vmem>>, vector<1000x1xf32>
    tpu.vector_store %arg7[%swap3A, %swap3A_38], %dot_general3A_37 {strides = array<i32>} : memref<1000x1xf32, #tpu.memory_space<vmem>>, vector<1000x1xf32>,
    %mul3A_40 = arith.mulf %dot_general3A_37, %get3A_1 : vector<1000x1xf32>
    %broadcast_in_dim3A = vector.shape_cast %mul3A_40 : vector<1000x1xf32> to vector<1000x1xf32>
    %broadcast_in_dim3A_41 = vector.broadcast %broadcast_in_dim3A : vector<1000x1xf32> to vector<1000x16xf32>
    %swap3A_42 = arith.constant 0 : index
    %swap3A_43 = arith.constant 0 : index
    %swap3A_44 = vector.load %arg8[%swap3A_42, %swap3A_43] : memref<1000x16xf32, #tpu.memory_space<vmem>>, vector<1000x16xf32>
    tpu.vector_store %arg8[%swap3A_42, %swap3A_43], %broadcast_in_dim3A_41 {strides = array<i32>} : memref<1000x16xf32, #tpu.memory_space<vmem>>, vector<1000x16xf32>,
    return
  }
  func.func @transform_0(%arg0: i32) -> (i32, i32) {
    %c0_i32 = arith.constant 0 : i32
    %c0_i32_0 = arith.constant 0 : i32
    return %arg0, %c0_i32 : i32, i32
  }
  func.func @transform_1(%arg0: i32) -> (i32, i32) {
    %c0_i32 = arith.constant 0 : i32
    %c0_i32_0 = arith.constant 0 : i32
    return %arg0, %c0_i32 : i32, i32
  }
  func.func @transform_2(%arg0: i32) -> (i32, i32, i32) {
    %c0_i32 = arith.constant 0 : i32
    %c0_i32_0 = arith.constant 0 : i32
    %c0_i32_1 = arith.constant 0 : i32
    return %c0_i32, %arg0, %c0_i32_0 : i32, i32, i32
  }
  func.func @transform_3(%arg0: i32) -> (i32, i32) {
    %c0_i32 = arith.constant 0 : i32
    %c0_i32_0 = arith.constant 0 : i32
    %c0_i32_1 = arith.constant 0 : i32
    return %c0_i32, %c0_i32_0 : i32, i32
  }
  func.func @transform_4(%arg0: i32) -> (i32, i32) {
    %c0_i32 = arith.constant 0 : i32
    %c0_i32_0 = arith.constant 0 : i32
    %c0_i32_1 = arith.constant 0 : i32
    return %c0_i32, %c0_i32_0 : i32, i32
  }
  func.func @transform_5(%arg0: i32) -> (i32, i32) {
    %c0_i32 = arith.constant 0 : i32
    %c0_i32_0 = arith.constant 0 : i32
    %c0_i32_1 = arith.constant 0 : i32
    return %c0_i32, %c0_i32_0 : i32, i32
  }
  func.func @transform_6(%arg0: i32) -> (i32, i32) {
    %c0_i32 = arith.constant 0 : i32
    %c0_i32_0 = arith.constant 0 : i32
    return %arg0, %c0_i32 : i32, i32
  }
  func.func @transform_7(%arg0: i32) -> (i32, i32) {
    %c0_i32 = arith.constant 0 : i32
    %c0_i32_0 = arith.constant 0 : i32
    return %arg0, %c0_i32 : i32, i32
  }
}

module attributes {stable_mosaic.version = 14 : i64} {
  func.func @_final_body(%arg0: memref<2x10000x16xf32, #tpu.memory_space<vmem>>, %arg1: memref<10000x1xf32, #tpu.memory_space<vmem>>, %arg2: memref<10000x1xf32, #tpu.memory_space<vmem>>, %arg3: memref<1x1xf32, #tpu.memory_space<vmem>>, %arg4: memref<10000x1xi32, #tpu.memory_space<vmem>>, %arg5: memref<64x1xf32, #tpu.memory_space<vmem>>) attributes {dimension_semantics = [], scalar_prefetch = 0 : i64, scratch_operands = 0 : i64, tpu.core_type = #tpu.core_type<tc>} {
    %get3A = arith.constant 0 : index
    %get3A_0 = arith.constant 0 : index
    %get3A_1 = vector.load %arg1[%get3A, %get3A_0] : memref<10000x1xf32, #tpu.memory_space<vmem>>, vector<10000x1xf32>
    %get3A_2 = arith.constant 0 : index
    %get3A_3 = arith.constant 0 : index
    %get3A_4 = arith.constant 0 : index
    %get3A_5 = vector.load %arg0[%get3A_2, %get3A_3, %get3A_4] : memref<2x10000x16xf32, #tpu.memory_space<vmem>>, vector<1x10000x1xf32>
    %get3A_6 = vector.shape_cast %get3A_5 : vector<1x10000x1xf32> to vector<10000x1xf32>
    %get3A_7 = arith.constant 1 : index
    %get3A_8 = arith.constant 0 : index
    %get3A_9 = arith.constant 0 : index
    %get3A_10 = vector.load %arg0[%get3A_7, %get3A_8, %get3A_9] : memref<2x10000x16xf32, #tpu.memory_space<vmem>>, vector<1x10000x1xf32>
    %get3A_11 = vector.shape_cast %get3A_10 : vector<1x10000x1xf32> to vector<10000x1xf32>
    %add3A = arith.addf %get3A_6, %get3A_11 : vector<10000x1xf32>
    %mul3A = arith.mulf %get3A_1, %add3A : vector<10000x1xf32>
    %mul3A_12 = arith.constant 2.000000e+00 : f32
    %mul3A_13 = vector.broadcast %mul3A_12 : f32 to vector<10000x1xf32>
    %mul3A_14 = arith.mulf %mul3A_13, %get3A_1 : vector<10000x1xf32>
    %mul3A_15 = arith.mulf %mul3A_14, %get3A_1 : vector<10000x1xf32>
    %get3A_16 = arith.constant 0 : index
    %get3A_17 = arith.constant 0 : index
    %get3A_18 = vector.load %arg2[%get3A_16, %get3A_17] : memref<10000x1xf32, #tpu.memory_space<vmem>>, vector<10000x1xf32>
    %mul3A_19 = arith.mulf %mul3A_15, %get3A_18 : vector<10000x1xf32>
    %add3A_20 = arith.addf %mul3A, %mul3A_19 : vector<10000x1xf32>
    %get3A_21 = arith.constant 0 : index
    %get3A_22 = arith.constant 0 : index
    %get3A_23 = vector.load %arg3[%get3A_21, %get3A_22] : memref<1x1xf32, #tpu.memory_space<vmem>>, vector<1x1xf32>
    %get3A_24 = vector.extract %get3A_23[0, 0] : f32 from vector<1x1xf32>
    %add3A_25 = vector.broadcast %get3A_24 : f32 to vector<10000x1xf32>
    %add3A_26 = arith.addf %add3A_20, %add3A_25 : vector<10000x1xf32>
    %iota3A = tpu.iota {dimensions = array<i32: 1>} : vector<1x64xi32>
    %get3A_27 = arith.constant 0 : index
    %get3A_28 = arith.constant 0 : index
    %get3A_29 = vector.load %arg4[%get3A_27, %get3A_28] : memref<10000x1xi32, #tpu.memory_space<vmem>>, vector<10000x1xi32>
    %eq3A = vector.broadcast %get3A_29 : vector<10000x1xi32> to vector<10000x64xi32>
    %eq3A_30 = vector.broadcast %iota3A : vector<1x64xi32> to vector<10000x64xi32>
    %eq3A_31 = arith.cmpi eq, %eq3A, %eq3A_30 : vector<10000x64xi32>
    %convert_element_type3A = arith.extui %eq3A_31 : vector<10000x64xi1> to vector<10000x64xi32>
    %convert_element_type3A_32 = arith.sitofp %convert_element_type3A : vector<10000x64xi32> to vector<10000x64xf32>
    %broadcast_in_dim3A = arith.constant 1.000000e+00 : f32
    %broadcast_in_dim3A_33 = vector.broadcast %broadcast_in_dim3A : f32 to vector<10000x1xf32>
    %concatenate3A = tpu.concatenate %add3A_26, %broadcast_in_dim3A_33 in 1 : vector<10000x1xf32>, vector<10000x1xf32> -> vector<10000x2xf32>
    %dot_general3A = arith.constant dense<0.000000e+00> : vector<64x2xf32>
    %dot_general3A_34 = tpu.matmul %convert_element_type3A_32, %concatenate3A, %dot_general3A {dimension_numbers = #tpu.dot_dimension_numbers<[0], [0], [1], [1], [0, 1, 1, 1], [], []>, transpose_lhs_hint = false} : vector<10000x64xf32>, vector<10000x2xf32>, vector<64x2xf32> -> vector<64x2xf32>
    %slice3A = vector.extract_strided_slice %dot_general3A_34 {offsets = [0, 0], sizes = [64, 1], strides = [1, 1]} : vector<64x2xf32> to vector<64x1xf32>
    %slice3A_35 = vector.extract_strided_slice %dot_general3A_34 {offsets = [0, 1], sizes = [64, 1], strides = [1, 1]} : vector<64x2xf32> to vector<64x1xf32>
    %max3A = arith.constant 1.000000e+00 : f32
    %max3A_36 = vector.broadcast %max3A : f32 to vector<64x1xf32>
    %max3A_37 = arith.maximumf %slice3A_35, %max3A_36 : vector<64x1xf32>
    %div3A = arith.divf %slice3A, %max3A_37 : vector<64x1xf32>
    %swap3A = arith.constant 0 : index
    %swap3A_38 = arith.constant 0 : index
    %swap3A_39 = vector.load %arg5[%swap3A, %swap3A_38] : memref<64x1xf32, #tpu.memory_space<vmem>>, vector<64x1xf32>
    tpu.vector_store %arg5[%swap3A, %swap3A_38], %div3A {strides = array<i32>} : memref<64x1xf32, #tpu.memory_space<vmem>>, vector<64x1xf32>,
    return
  }
}

</mosaic_0001>

<sc_bundles>
// kernel: kernel.11.cloned.1.call-start
scs
__scs_entry_jumppad:
0x0: {  	(pc) =	sbr.rel $0x88, $3  }
0x1: {  	(tag) =	ssettag $0x0;
	lr =	simm.s32 $0x1  }
0x2: {  	[smem:$0x3F9A] =	sst lr;
	_ =	strace $0xD0000000  }
0x3: {  	_ = 	snop  }
0x4: {  	_ = 	snop  }
0x5: {  	_ = 	snop  }
0x6: {  	_ = 	snop  }
0x7: {  	_ = 	snop  }
__scs_overlays_trampoline_lowered:
0x8: {  	[smem:$0x3FA9] =	sst s0  }
0x9: {  	[smem:$0x3FAA] =	sst s1  }
0xa: {  	[smem:$0x3FAB] =	sst s2  }
0xb: {  	[smem:$0x3FAC] =	sst s3  }
0xc: {  	[smem:$0x3FAD] =	sst s4  }
0xd: {  	[smem:$0x3FAE] =	sst s5  }
0xe: {  	[smem:$0x3FAF] =	sst s6  }
0xf: {  	[smem:$0x3FB0] =	sst s7  }
0x10: {  	[smem:$0x3FB1] =	sst s8  }
0x11: {  	[smem:$0x3FB2] =	sst s9;
	s0 =	simm.s32 @!p0 $0x0  }
0x12: {  	s1 =	sld [smem:$0x3F98];
	s0 =	simm.s32 @p0 $0x1  }
0x13: {  	[smem:$0x3FB3] =	sst s0;
	s0 =	simm.s32 @!p1 $0x0  }
0x14: {  	s2 =	sld [smem:$0x3F97];
	s0 =	simm.s32 @p1 $0x1  }
0x15: {  	[smem:$0x3FB4] =	sst s0;
	s0 =	simm.s32 @!p2 $0x0  }
0x16: {  	s3 =	sld [smem:$0x3FDB];
	s0 =	simm.s32 @p2 $0x1  }
0x17: {  	s4 =	simm.s32 $0x1BF5;
	[smem:$0x3FB6] =	sst s0  }
0x18: {  	s0 =	sld [smem:$0x3F99];
	_ =	swait.ge [sflag:s4], $0x0  }
0x19: {  	s7 =	sld [smem:$0x3F9A]  }
0x1a: {  	s8 =	sadd.s32 $0xFFFFE003, lr  }
0x1b: {  	s9 =	sadd.s32 $0xFFFFFEF7, lr;
	s5 =	simm.s32 $0xFFFFFFFF;
	p2 =	slt.u32 s8, $0xFFFFF086  }
0x1c: {  	p1 =	slt.u32 s9, $0xF7A;
	s5 =	simm.s32 @!p2 $0x0  }
0x1d: {  	s5 =	simm.s32 @p1 $0x1;
	p0 =	seq.s32 s7, s2  }
0x1e: {  	s7 =	smul.u32 @!p0 $0xF7A, s2;
	p2 =	seq.s32 @!p0 s5, $0x0  }
0x1f: {  	s9 =	smul.u32 $0xF7A, s1;
	s8 =	simm.s32 @!p0 $0x1BF5;
	p2 =	por !p2, p0  }
0x20: {  	[sflag:s8] =	ssyncset.s32 @!p0 $0xFFFFF086;
	s6 =	sadd.s32 @!p0 s3, s7;
	s7 =	simm.s32 @!p0 $0x108  }
0x21: {  	s3 =	sadd.s32 s3, s9;
	s6 =	sadd.s32 @!p0 $0x88, s6;
	s7 =	simm.s32 @p2 $0x1082  }
0x22: {  	[simem:s7], [sflag:s8] =	dma.local @!p0 [hbm:s6], $0xF7A  }
0x23: {  	s9 =	sor.u32 $0xD0000000, s2;
	s6 =	simm.s32 $0x108;
	_ =	swait.ge @!p0 [sflag:s8], $0x0  }
0x24: {  	s3 =	sadd.s32 $0x88, s3;
	s6 =	simm.s32 @!p1 $0x1082;
	[sflag:s4] =	ssyncset.s32 $0xFFFFF086  }
0x25: {  	[simem:s6], [sflag:s4] =	dma.local [hbm:s3], $0xF7A  }
0x26: {  	[smem:$0x3F9A] =	sst s1;
	(tag) =	ssettag s2;
	_ =	strace s9  }
0x27: {  	s1 =	sld [smem:$0x3FAA]  }
0x28: {  	s2 =	sld [smem:$0x3FAB]  }
0x29: {  	s4 =	sld [smem:$0x3FAD]  }
0x2a: {  	p0 =	seq.s32 s5, $0x0;
	s5 =	sld [smem:$0x3FAE]  }
0x2b: {  	s6 =	sld [smem:$0x3FAF]  }
0x2c: {  	s7 =	sld [smem:$0x3FB0]  }
0x2d: {  	s3 =	simm.s32 $0x108;
	s8 =	sld [smem:$0x3FB1]  }
0x2e: {  	s3 =	simm.s32 @!p0 $0x1082;
	s9 =	sld [smem:$0x3FB2]  }
0x2f: {  	lr =	sadd.s32 s0, s3;
	s0 =	sld [smem:$0x3FA9]  }
0x30: {  	s3 =	sld [smem:$0x3FAC]  }
0x31: {  	[smem:$0x3FB5] =	sst s10  }
0x32: {  	s10 =	sld [smem:$0x3FB3];
	_ =	sdelay $0x3  }
0x33: {  	p0 =	seq.s32 s10, $0x1;
	s10 =	sld [smem:$0x3FB5];
	_ =	sdelay $0x3  }
0x34: {  	[smem:$0x3FB5] =	sst s10  }
0x35: {  	s10 =	sld [smem:$0x3FB4];
	_ =	sdelay $0x3  }
0x36: {  	p1 =	seq.s32 s10, $0x1;
	s10 =	sld [smem:$0x3FB5];
	_ =	sdelay $0x3  }
0x37: {  	[smem:$0x3FB5] =	sst s10  }
0x38: {  	s10 =	sld [smem:$0x3FB6]  }
0x39: {  	_ = 	snop;
	(pc) =	sbr.ind lr, $3  }
0x3a: {  	_ = 	snop  }
0x3b: {  	_ = 	snop  }
0x3c: {  	p2 =	seq.s32 s10, $0x1;
	s10 =	sld [smem:$0x3FB5]  }
0x3d: {  	_ =	shalt  }
0x3e: {  	_ =	shalt  }
0x3f: {  	_ =	shalt  }
0x40: {  	_ =	shalt  }
0x41: {  	_ =	shalt  }
0x42: {  	_ =	shalt  }
0x43: {  	_ =	shalt  }
0x44: {  	_ =	shalt  }
0x45: {  	_ =	shalt  }
0x46: {  	_ =	shalt  }
0x47: {  	_ =	shalt  }
0x48: {  	_ =	shalt  }
0x49: {  	_ =	shalt  }
0x4a: {  	_ =	shalt  }
0x4b: {  	_ =	shalt  }
0x4c: {  	_ =	shalt  }
0x4d: {  	_ =	shalt  }
0x4e: {  	_ =	shalt  }
0x4f: {  	_ =	shalt  }
0x50: {  	_ =	shalt  }
0x51: {  	_ =	shalt  }
0x52: {  	_ =	shalt  }
0x53: {  	_ =	shalt  }
0x54: {  	_ =	shalt  }
0x55: {  	_ =	shalt  }
0x56: {  	_ =	shalt  }
0x57: {  	_ =	shalt  }
0x58: {  	_ =	shalt  }
0x59: {  	_ =	shalt  }
0x5a: {  	_ =	shalt  }
0x5b: {  	_ =	shalt  }
0x5c: {  	_ =	shalt  }
0x5d: {  	_ =	shalt  }
0x5e: {  	_ =	shalt  }
0x5f: {  	_ =	shalt  }
0x60: {  	_ =	shalt  }
0x61: {  	_ =	shalt  }
0x62: {  	_ =	shalt  }
0x63: {  	_ =	shalt  }
0x64: {  	_ =	shalt  }
0x65: {  	_ =	shalt  }
0x66: {  	_ =	shalt  }
0x67: {  	_ =	shalt  }
0x68: {  	_ =	shalt  }
0x69: {  	_ =	shalt  }
0x6a: {  	_ =	shalt  }
0x6b: {  	_ =	shalt  }
0x6c: {  	_ =	shalt  }
0x6d: {  	_ =	shalt  }
0x6e: {  	_ =	shalt  }
0x6f: {  	_ =	shalt  }
0x70: {  	_ =	shalt  }
0x71: {  	_ =	shalt  }
0x72: {  	_ =	shalt  }
0x73: {  	_ =	shalt  }
0x74: {  	_ =	shalt  }
0x75: {  	_ =	shalt  }
0x76: {  	_ =	shalt  }
0x77: {  	_ =	shalt  }
0x78: {  	_ =	shalt  }
0x79: {  	_ =	shalt  }
0x7a: {  	_ =	shalt  }
0x7b: {  	_ =	shalt  }
0x7c: {  	_ =	shalt  }
0x7d: {  	_ =	shalt  }
0x7e: {  	_ =	shalt  }
0x7f: {  	_ =	shalt  }
0x80: {  	_ =	shalt  }
0x81: {  	_ =	shalt  }
0x82: {  	_ =	shalt  }
0x83: {  	_ =	shalt  }
0x84: {  	_ =	shalt  }
0x85: {  	_ =	shalt  }
0x86: {  	_ =	shalt  }
0x87: {  	_ =	shalt  }
.Lfunc_end0:
.L_simem_size_0:
called_computation.1_lowered:
.L_overlay_start_0:
0x88: {  	s2 =	sld [smem:$0x3FD9]  }
0x89: {  	s3 =	sld [smem:$0x3FFE];
	_ =	sdelay $0x1  }
0x8a: {  	s1 =	srdreg.scid  }
0x8b: {  	s0 =	sand.u32 $0x1, s1  }
0x8c: {  	s16 =	sshll.u32 s0, $0xA;
	s2 =	sadd.s32 s3, s2  }
0x8d: {  	s2 =	sadd.s32 s2, s16  }
0x8e: {  	[smem:$0x3FC1] =	sst s2  }
0x8f: {  	_ = 	snop  }
0x90: {  	(tm) =	ssettm $0x1  }
0x91: {  	s17 =	sld [smem:$0x3FFB];
	_ =	sdelay $0x3  }
0x92: {  	_ =	strace s17  }
0x93: {  	s2 =	sld [smem:$0x3FFC];
	_ =	sdelay $0x3  }
0x94: {  	_ =	strace s2  }
0x95: {  	s2 =	sld [smem:$0x3FFD];
	_ =	sdelay $0x3  }
0x96: {  	_ =	strace s2  }
0x97: {  	_ =	strace $0x8FFFFFFF  }
0x98: {  	s18 =	sld [smem:$0x3FDB];
	_ =	sdelay $0x1  }
0x99: {  	s19 =	simm.s32 $_scs_section_size  }
0x9a: {  	s4 =	simm.s32 $_size__tile_overlayer_lowered;
	s5 =	simm.s32 $_tile_overlayer_lowered  }
0x9b: {  	s22 =	simm.s32 $0x1BFF;
	s21 =	sshll.u32 s5, $0x1;
	s2 =	sadd.s32 s19, s18  }
0x9c: {  	s6 =	simm.s32 $0x0;
	s20 =	sshll.u32 s4, $0x1;
	s4 =	sadd.s32 s21, s2  }
0x9d: {  	[timem:s6], [sflag:s22] =	dma.local [hbm:s4], s20  }
0x9e: {  	_ =	swait.ge [sflag:s22], s20  }
0x9f: {  	s3 =	ssub.s32 $0x0, s20;
	[sflag:s22] =	ssyncset.done $0x0  }
0xa0: {  	[sflag:s22] =	ssyncadd.s32 s3;
	_ =	sdelay $0x1  }
0xa1: {  	s23 =	simm.s32 $0x1B8B  }
0xa2: {  	_ =	swait.ge [sflag:s23], $0x1  }
0xa3: {  	[sflag:s23] =	ssyncset.done $0x0  }
0xa4: {  	s25 =	simm.s32 $0x1B8E;
	s24 =	sld [smem:$0x3FFE];
	[sflag:s23] =	ssyncadd.s32 $0xFFFFFFFF  }
0xa5: {  	s26 =	simm.s32 $execute0_lowered;
	[smem:$0x3FD2] =	sst s25  }
0xa6: {  	s4 =	sshll.u32 s26, $0x1;
	_ =	strace $0x80000049;
	[dreg:$0x1] =	wrdreg $0xFFFFFFFF  }
0xa7: {  	s28 =	simm.s32 $_size_execute0_lowered;
	s2 =	sadd.s32 s2, s4;
	[dreg:$0x0] =	wrdreg $0x0  }
0xa8: {  	s4 =	sshll.u32 s28, $0x1;
	[dreg:$0x2] =	wrdreg s2  }
0xa9: {  	[dreg:$0x3] =	wrdreg s4  }
0xaa: {  	[dreg:$0x4] =	wrdreg $0xC0  }
0xab: {  	_ =	task [dreg:s6], $0x5FFFF  }
0xac: {  	[dreg:$0x1] =	wrdreg $0xFFFFFFFF  }
0xad: {  	[dreg:$0x0] =	wrdreg $0x60  }
0xae: {  	[dreg:$0x2] =	wrdreg s24  }
0xaf: {  	[dreg:$0x3] =	wrdreg $0x120000  }
0xb0: {  	[dreg:$0x4] =	wrdreg $0x9  }
0xb1: {  	_ =	task.clear_ibuf [dreg:s6], $0x5FFFF;
	_ =	strace $0x90000049  }
0xb2: {  	s29 =	simm.s32 $0x9;
	_ =	strace $0x8000004B  }
0xb3: {  	_ =	swait.ge [sflag:s29], $0x1  }
0xb4: {  	[sflag:s29] =	ssyncadd.s32 $0xFFFFFFFF  }
0xb5: {  	_ =	strace $0x9000004B  }
0xb6: {  	_ =	sfence  }
0xb7: {  	s30 =	sld [smem:$0x0];
	_ =	sdelay $0x2  }
0xb8: {  	s31 =	sshll.u32 s1, $0xD;
	s1 =	sshrl.u32 s1, $0x2  }
0xb9: {  	s3 =	sand.u32 $0x4000, s31;
	s1 =	sadd.s32 s1, s30  }
0xba: {  	s0 =	sor.u32 s3, s0;
	s1 =	sshll.u32 s1, $0x11  }
0xbb: {  	s0 =	sor.u32 s1, s0  }
0xbc: {  	s0 =	sadd.s32 $0x8F2B, s0  }
0xbd: {  	[sflag:s0] =	ssyncadd.remote.s32 $0x1  }
0xbe: {  	_ =	sfence.sel $0xFFFF  }
0xbf: {  	[dreg:$0x0] =	wrdreg $0xFFFFFFFF;
	(pc) =	sbr.abs _section_cstart, $3  }
0xc0: {  	[dreg:$0x1] =	wrdreg $0xFFFFFFFF  }
0xc1: {  	_ =	task.clear_ibuf [dreg:s6], $0x2FFFF;
	_ =	strace $0x9FFFFFFF  }
0xc2: {  	(tm) =	ssettm $0x7FFFFFFF  }
0xc3: {  	_ =	shalt  }
tec
execute0_lowered:
.L_overlay_start_1:
0x0: {  	(tag) =	ssettag $0x1  }
0x1: {  	s10 =	rddreg [dreg:$0x0]  }
0x2: {  	s2 =	rddreg [dreg:$0x1]  }
0x3: {  	s0 =	rddreg [dreg:$0x2];
	s1 =	stileid.u32  }
0x4: {  	s3 =	simm.s32 $0x0;
	s4 =	srdreg.scid;
	s16 =	simm.s32 $0x80  }
0x5: {  	s17 =	simm.s32 $0xA000;
	s18 =	simm.s32 $0xC000;
	s19 =	simm.s32 $0x1  }
0x6: {  	s20 =	simm.s32 $0x2;
	s6 =	smul.u32 $0x4E00, s1;
	[smem:$0x7FF] =	sst s3  }
0x7: {  	s5 =	smul.u32 $0xA000, s1;
	s7 =	sand.u32 $0x1, s4;
	s4 =	sadd.s32 $0x38000, s10  }
0x8: {  	s9 =	sadd.s32 $0x24600, s10;
	s28 =	sshll.u32 s1, $0x6;
	p0 =	seq.s32 s1, $0xF  }
0x9: {  	_ =	strace $0x8000004A;
	s8 =	smul.u32 $0xA0000, s7;
	s13 =	ssub.s32 $0x2, s7  }
0xa: {  	s7 =	smul.u32 $0x4E200, s7;
	s11 =	sshrl.u32 s6, $0x3;
	s12 =	sshrl.u32 s5, $0x3  }
0xb: {  	s26 =	sshrl.u32 s13, $0x1;
	s15 =	sadd.s32 s5, s2;
	s11 =	sadd.s32 s11, s10  }
0xc: {  	s8 =	sadd.s32 s5, s8;
	s12 =	sadd.s32 s12, s10;
	s13 =	ssub.s32 s13, s26  }
0xd: {  	s29 =	sadd.s32 s6, s7;
	s7 =	sshrl.u32 s7, $0x3;
	s6 =	sor.u32 $0x1C03, s28  }
.Ltmp0:
0xe: {  	s8 =	sshrl.u32 s8, $0x3;
	s5 =	sadd.s32 $0x5F200, s12;
	(pc) =	sbr.rel .LBB2_1-.Ltmp0, $4  }
0xf: {  	s30 =	sshrl.u32 s29, $0x3;
	s31 =	sadd.s32 s9, s7;
	s12 =	smax.u32 s13, $0x1  }
0x10: {  	s13 =	sshrl.u32 s15, $0x3;
	s15 =	simm.s32 $0x5000;
	s14 =	sadd.s32 s8, s10  }
0x11: {  	s7 =	sadd.s32 s9, s30;
	s8 =	sadd.s32 $0x1A00, s11;
	s9 =	sadd.s32 $0x9240, s31  }
0x12: {  	s10 =	sadd.s32 $0xAC40, s10;
	s11 =	sadd.s32 $0x73200, s14;
	s14 =	simm.s32 $0x3  }
.LBB2_10:
0x13: {  	_ =	swait.ge [sflag:s20], $0x2000  }
0x14: {  	[sflag:s20] =	ssyncset.done $0x0  }
0x15: {  	[sflag:s20] =	ssyncadd.s32 $0xFFFFE000  }
0x16: {  	_ =	swait.ge [sflag:s20], $0x2000  }
0x17: {  	s3 =	sadd.s32 $0x1, s3;
	[sflag:s20] =	ssyncset.done $0x0  }
0x18: {  	p1 =	sne.s32 s3, s12;
	[sflag:s20] =	ssyncadd.s32 $0xFFFFE000  }
.Ltmp1:
0x19: {  	[bflag:$0x0] =	sbarrier.arrive $0xFFFF;
	(pc) =	sbr.rel @!p1 .LBB2_11-.Ltmp1, $4  }
0x1a: {  	[hbm:s11], [sflag:s6] =	dma.local [spmem:s13], $0x1400  }
0x1b: {  	_ =	swait.ge [sflag:s14], $0x1400  }
0x1c: {  	[sflag:s14] =	ssyncset.done $0x0  }
0x1d: {  	[sflag:s14] =	ssyncadd.s32 $0xFFFFEC00  }
.LBB2_1:
0x1e: {  	[spmem:s13], [sflag:s6] =	dma.local [hbm:s5], $0x1400  }
.Ltmp2:
0x1f: {  	_ =	swait.ge [sflag:s14], $0x1400;
	(pc) =	sbr.rel @!p0 .LBB2_2-.Ltmp2, $4  }
0x20: {  	[sflag:s14] =	ssyncset.done $0x0  }
0x21: {  	[sflag:s14] =	ssyncadd.s32 $0xFFFFEC00  }
0x22: {  	[bflag:$0x0] =	sbarrier.arrive $0xFFFF  }
0x23: {  	s21 =	simm.s32 $0x0  }
0x24: {  	[tilespmem:s21], [sflag:$0x3] =	stream.linear.gather [hbm4b:s9+s21], $0x5000, $0x38;
	[tilespmem:$0x1C000] =	vst v63  }
0x25: {  	_ =	swait.ge [sflag:s14], $0x5000  }
0x26: {  	[sflag:s14] =	ssyncset.done $0x0  }
0x27: {  	[sflag:s14] =	ssyncadd.s32 $0xFFFFB000  }
0x28: {  	[tilespmem:s15], [sflag:$0x3] =	stream.linear.gather [hbm4b:s10+s21], $0x5000, $0x38;
	[tilespmem:$0x1C000] =	vst v63  }
0x29: {  	_ =	swait.ge [sflag:s14], $0x5000  }
.Ltmp3:
0x2a: {  	[sflag:s14] =	ssyncset.done $0x0;
	(pc) =	sbr.rel .LBB2_7-.Ltmp3, $4  }
0x2b: {  	[sflag:s14] =	ssyncadd.s32 $0xFFFFB000  }
0x2c: {  	[tilespmem:s17], [sflag:$0x1] =	stream.indirect.gather [hbm4b:s4+s16], $0x40, s21, s16, $0xb8;
	[tilespmem:$0x1C000] =	vst v63  }
0x2d: {  	_ = 	snop  }
0x2e: {  	[tilespmem:s18], [sflag:$0x1] =	stream.indirect.gather [hbm4b:s4+s16], $0x40, s16, s16, $0xb8;
	[tilespmem:$0x1C000] =	vst v63  }
.LBB2_9:
0x2f: {  	s21 =	sshll.u32 s21, $0x8  }
0x30: {  	s23 =	sshll.u32 s23, $0xD;
	p1 =	slt.u32 s22, $0x50;
	s21 =	sand.u32 $0x3FFFFF00, s21  }
.Ltmp4:
0x31: {  	s24 =	sadd.s32 $0xA000, s23;
	s25 =	sadd.s32 $0x5000, s21;
	(pc) =	sbr.rel @!p1 .LBB2_10-.Ltmp4, $4  }
0x32: {  	[spmem:s2] =	stream.indirect.scatter.add.f32 [tilespmem:s24], [sflag:$0x2], $0x40, s25, s16, $0xb8;
	[tilespmem:$0x1C000] =	vst v63  }
0x33: {  	s23 =	sadd.s32 $0xC000, s23;
	s21 =	sadd.s32 $0x5080, s21  }
0x34: {  	[spmem:s2] =	stream.indirect.scatter.add.f32 [tilespmem:s23], [sflag:$0x2], $0x40, s21, s16, $0xb8;
	[tilespmem:$0x1C000] =	vst v63  }
0x35: {  	s21 =	smov.u32 s22  }
.LBB2_7:
0x36: {  	_ =	swait.ge [sflag:s19], $0x2000  }
0x37: {  	[sflag:s19] =	ssyncset.done $0x0  }
0x38: {  	[sflag:s19] =	ssyncadd.s32 $0xFFFFE000  }
0x39: {  	_ =	swait.ge [sflag:s19], $0x2000  }
0x3a: {  	p1 =	seq.s32 s21, $0x0;
	[sflag:s19] =	ssyncset.done $0x0  }
0x3b: {  	s22 =	simm.s32 @!p1 $0x2;
	p2 =	seq.s32 @!p1 s21, $0x4F;
	[sflag:s19] =	ssyncadd.s32 $0xFFFFE000  }
0x3c: {  	p2 =	por p1, !p2;
	_ =	swait.ge @!p1 [sflag:s22], $0x2000  }
.Ltmp5:
0x3d: {  	[sflag:s22] =	ssyncset.done @!p1 $0x0;
	(pc) =	sbr.rel @!p2 .LBB2_9-.Ltmp5, $4  }
0x3e: {  	[sflag:s22] =	ssyncadd.s32 @!p1 $0xFFFFE000  }
0x3f: {  	_ =	swait.ge @!p1 [sflag:s22], $0x2000  }
0x40: {  	s23 =	sshll.u32 s21, $0x1;
	[sflag:s22] =	ssyncset.done @!p1 $0x0  }
0x41: {  	s23 =	sand.u32 $0x2, s23;
	[sflag:s22] =	ssyncadd.s32 @!p1 $0xFFFFE000;
	s22 =	simm.s32 @!p1 $0x50  }
0x42: {  	s22 =	sadd.s32 @!p1 $0x1, s21  }
0x43: {  	s22 =	simm.s32 @p1 $0x1  }
.Ltmp6:
0x44: {  	s24 =	sshll.u32 s23, $0xD;
	s25 =	sshll.u32 s22, $0x8;
	(pc) =	sbr.rel .LBB2_9-.Ltmp6, $4  }
0x45: {  	s26 =	sxor.u32 $0xE000, s24;
	s24 =	sxor.u32 $0x6000, s24;
	s25 =	sand.u32 $0x3FFFFF00, s25  }
0x46: {  	[tilespmem:s26], [sflag:$0x1] =	stream.indirect.gather [hbm4b:s4+s16], $0x40, s25, s16, $0xb8;
	[tilespmem:$0x1C000] =	vst v63  }
0x47: {  	s24 =	sadd.s32 $0xA000, s24;
	s25 =	sor.u32 $0x80, s25  }
0x48: {  	[tilespmem:s24], [sflag:$0x1] =	stream.indirect.gather [hbm4b:s4+s16], $0x40, s25, s16, $0xb8;
	[tilespmem:$0x1C000] =	vst v63  }
.LBB2_2:
0x49: {  	[tilespmem:s21], [sflag:$0x3] =	stream.linear.gather [hbm4b:s7+s21], $0x4E00, $0x38;
	[tilespmem:$0x1C000] =	vst v63  }
0x4a: {  	_ =	swait.ge [sflag:s14], $0x4E00  }
0x4b: {  	[sflag:s14] =	ssyncset.done $0x0  }
0x4c: {  	[sflag:s14] =	ssyncadd.s32 $0xFFFFB200  }
0x4d: {  	[tilespmem:s15], [sflag:$0x3] =	stream.linear.gather [hbm4b:s8+s21], $0x4E00, $0x38;
	[tilespmem:$0x1C000] =	vst v63  }
0x4e: {  	_ =	swait.ge [sflag:s14], $0x4E00  }
.Ltmp7:
0x4f: {  	[sflag:s14] =	ssyncset.done $0x0;
	(pc) =	sbr.rel .LBB2_3-.Ltmp7, $4  }
0x50: {  	[sflag:s14] =	ssyncadd.s32 $0xFFFFB200  }
0x51: {  	[tilespmem:s17], [sflag:$0x1] =	stream.indirect.gather [hbm4b:s4+s16], $0x40, s21, s16, $0xb8;
	[tilespmem:$0x1C000] =	vst v63  }
0x52: {  	_ = 	snop  }
0x53: {  	[tilespmem:s18], [sflag:$0x1] =	stream.indirect.gather [hbm4b:s4+s16], $0x40, s16, s16, $0xb8;
	[tilespmem:$0x1C000] =	vst v63  }
.LBB2_5:
0x54: {  	s21 =	sshll.u32 s21, $0x8  }
0x55: {  	s23 =	sshll.u32 s23, $0xD;
	p1 =	slt.u32 s22, $0x4E;
	s21 =	sand.u32 $0x3FFFFF00, s21  }
.Ltmp8:
0x56: {  	s24 =	sadd.s32 $0xA000, s23;
	s25 =	sadd.s32 $0x5000, s21;
	(pc) =	sbr.rel @!p1 .LBB2_10-.Ltmp8, $4  }
0x57: {  	[spmem:s2] =	stream.indirect.scatter.add.f32 [tilespmem:s24], [sflag:$0x2], $0x40, s25, s16, $0xb8;
	[tilespmem:$0x1C000] =	vst v63  }
0x58: {  	s23 =	sadd.s32 $0xC000, s23;
	s21 =	sadd.s32 $0x5080, s21  }
0x59: {  	[spmem:s2] =	stream.indirect.scatter.add.f32 [tilespmem:s23], [sflag:$0x2], $0x40, s21, s16, $0xb8;
	[tilespmem:$0x1C000] =	vst v63  }
0x5a: {  	s21 =	smov.u32 s22  }
.LBB2_3:
0x5b: {  	_ =	swait.ge [sflag:s19], $0x2000  }
0x5c: {  	[sflag:s19] =	ssyncset.done $0x0  }
0x5d: {  	[sflag:s19] =	ssyncadd.s32 $0xFFFFE000  }
0x5e: {  	_ =	swait.ge [sflag:s19], $0x2000  }
0x5f: {  	p1 =	seq.s32 s21, $0x0;
	[sflag:s19] =	ssyncset.done $0x0  }
0x60: {  	s22 =	simm.s32 @!p1 $0x2;
	p2 =	seq.s32 @!p1 s21, $0x4D;
	[sflag:s19] =	ssyncadd.s32 $0xFFFFE000  }
0x61: {  	p2 =	por p1, !p2;
	_ =	swait.ge @!p1 [sflag:s22], $0x2000  }
.Ltmp9:
0x62: {  	[sflag:s22] =	ssyncset.done @!p1 $0x0;
	(pc) =	sbr.rel @!p2 .LBB2_5-.Ltmp9, $4  }
0x63: {  	[sflag:s22] =	ssyncadd.s32 @!p1 $0xFFFFE000  }
0x64: {  	_ =	swait.ge @!p1 [sflag:s22], $0x2000  }
0x65: {  	s23 =	sshll.u32 s21, $0x1;
	[sflag:s22] =	ssyncset.done @!p1 $0x0  }
0x66: {  	s23 =	sand.u32 $0x2, s23;
	[sflag:s22] =	ssyncadd.s32 @!p1 $0xFFFFE000;
	s22 =	simm.s32 @!p1 $0x4E  }
0x67: {  	s22 =	sadd.s32 @!p1 $0x1, s21  }
0x68: {  	s22 =	simm.s32 @p1 $0x1  }
.Ltmp10:
0x69: {  	s24 =	sshll.u32 s23, $0xD;
	s25 =	sshll.u32 s22, $0x8;
	(pc) =	sbr.rel .LBB2_5-.Ltmp10, $4  }
0x6a: {  	s26 =	sxor.u32 $0xE000, s24;
	s24 =	sxor.u32 $0x6000, s24;
	s25 =	sand.u32 $0x3FFFFF00, s25  }
0x6b: {  	[tilespmem:s26], [sflag:$0x1] =	stream.indirect.gather [hbm4b:s4+s16], $0x40, s25, s16, $0xb8;
	[tilespmem:$0x1C000] =	vst v63  }
0x6c: {  	s24 =	sadd.s32 $0xA000, s24;
	s25 =	sor.u32 $0x80, s25  }
0x6d: {  	[tilespmem:s24], [sflag:$0x1] =	stream.indirect.gather [hbm4b:s4+s16], $0x40, s25, s16, $0xb8;
	[tilespmem:$0x1C000] =	vst v63  }
.LBB2_11:
0x6e: {  	_ =	sfence.sel $0x180000  }
0x6f: {  	[bflag:$0x0] =	sbarrier.arrive $0xFFFF  }
0x70: {  	p0 =	sne.s32 s1, $0x0;
	_ =	strace $0x9000004A  }
0x71: {  	s0 =	sadd.s32 @!p0 $0x100000, s0;
	[bflag:$0x2] =	sbarrier.arrive $0xFFFF  }
0x72: {  	[sflag:s0] =	ssyncadd.tile.s32 @!p0 $0x1;
	_ =	shalt  }
.Lfunc_end2:
_tile_overlayer_lowered:
.L_overlay_start_2:
0x73: {  	(tag) =	ssettag $0x2  }
0x74: {  	s0 =	rddreg [dreg:$0x0];
	s2 =	stileid.u32  }
0x75: {  	s1 =	rddreg [dreg:$0x1];
	p0 =	sne.s32 s2, $0x0  }
0x76: {  	s3 =	rddreg [dreg:$0x2];
	[bflag:$0x3] =	sbarrier.arrive $0xFFFF;
	s2 =	simm.s32 @!p0 $0x1C03  }
0x77: {  	[timem:s3], [sflag:s2] =	dma.local @!p0 [hbm:s0], s1  }
0x78: {  	s0 =	simm.s32 @!p0 $0x3  }
0x79: {  	_ =	swait.ge @!p0 [sflag:s0], s1  }
0x7a: {  	s1 =	ssub.s32 @!p0 $0x0, s1;
	[sflag:s0] =	ssyncset.done @!p0 $0x0  }
0x7b: {  	[sflag:s0] =	ssyncadd.s32 @!p0 s1  }
0x7c: {  	[bflag:$0x3] =	sbarrier.arrive $0xFFFF  }
0x7d: {  	_ =	shalt  }

// kernel: kernel.14.cloned.1.call-start
scs
__scs_entry_jumppad:
0x0: {  	(pc) =	sbr.rel $0x88, $3  }
0x1: {  	(tag) =	ssettag $0x0;
	lr =	simm.s32 $0x1  }
0x2: {  	[smem:$0x3F9A] =	sst lr;
	_ =	strace $0xD0000000  }
0x3: {  	_ = 	snop  }
0x4: {  	_ = 	snop  }
0x5: {  	_ = 	snop  }
0x6: {  	_ = 	snop  }
0x7: {  	_ = 	snop  }
__scs_overlays_trampoline_lowered:
0x8: {  	[smem:$0x3FA9] =	sst s0  }
0x9: {  	[smem:$0x3FAA] =	sst s1  }
0xa: {  	[smem:$0x3FAB] =	sst s2  }
0xb: {  	[smem:$0x3FAC] =	sst s3  }
0xc: {  	[smem:$0x3FAD] =	sst s4  }
0xd: {  	[smem:$0x3FAE] =	sst s5  }
0xe: {  	[smem:$0x3FAF] =	sst s6  }
0xf: {  	[smem:$0x3FB0] =	sst s7  }
0x10: {  	[smem:$0x3FB1] =	sst s8  }
0x11: {  	[smem:$0x3FB2] =	sst s9;
	s0 =	simm.s32 @!p0 $0x0  }
0x12: {  	s1 =	sld [smem:$0x3F98];
	s0 =	simm.s32 @p0 $0x1  }
0x13: {  	[smem:$0x3FB3] =	sst s0;
	s0 =	simm.s32 @!p1 $0x0  }
0x14: {  	s2 =	sld [smem:$0x3F97];
	s0 =	simm.s32 @p1 $0x1  }
0x15: {  	[smem:$0x3FB4] =	sst s0;
	s0 =	simm.s32 @!p2 $0x0  }
0x16: {  	s3 =	sld [smem:$0x3FDB];
	s0 =	simm.s32 @p2 $0x1  }
0x17: {  	s4 =	simm.s32 $0x1BF5;
	[smem:$0x3FB6] =	sst s0  }
0x18: {  	s0 =	sld [smem:$0x3F99];
	_ =	swait.ge [sflag:s4], $0x0  }
0x19: {  	s7 =	sld [smem:$0x3F9A]  }
0x1a: {  	s8 =	sadd.s32 $0xFFFFE003, lr  }
0x1b: {  	s9 =	sadd.s32 $0xFFFFFEF7, lr;
	s5 =	simm.s32 $0xFFFFFFFF;
	p2 =	slt.u32 s8, $0xFFFFF086  }
0x1c: {  	p1 =	slt.u32 s9, $0xF7A;
	s5 =	simm.s32 @!p2 $0x0  }
0x1d: {  	s5 =	simm.s32 @p1 $0x1;
	p0 =	seq.s32 s7, s2  }
0x1e: {  	s7 =	smul.u32 @!p0 $0xF7A, s2;
	p2 =	seq.s32 @!p0 s5, $0x0  }
0x1f: {  	s9 =	smul.u32 $0xF7A, s1;
	s8 =	simm.s32 @!p0 $0x1BF5;
	p2 =	por !p2, p0  }
0x20: {  	[sflag:s8] =	ssyncset.s32 @!p0 $0xFFFFF086;
	s6 =	sadd.s32 @!p0 s3, s7;
	s7 =	simm.s32 @!p0 $0x108  }
0x21: {  	s3 =	sadd.s32 s3, s9;
	s6 =	sadd.s32 @!p0 $0x88, s6;
	s7 =	simm.s32 @p2 $0x1082  }
0x22: {  	[simem:s7], [sflag:s8] =	dma.local @!p0 [hbm:s6], $0xF7A  }
0x23: {  	s9 =	sor.u32 $0xD0000000, s2;
	s6 =	simm.s32 $0x108;
	_ =	swait.ge @!p0 [sflag:s8], $0x0  }
0x24: {  	s3 =	sadd.s32 $0x88, s3;
	s6 =	simm.s32 @!p1 $0x1082;
	[sflag:s4] =	ssyncset.s32 $0xFFFFF086  }
0x25: {  	[simem:s6], [sflag:s4] =	dma.local [hbm:s3], $0xF7A  }
0x26: {  	[smem:$0x3F9A] =	sst s1;
	(tag) =	ssettag s2;
	_ =	strace s9  }
0x27: {  	s1 =	sld [smem:$0x3FAA]  }
0x28: {  	s2 =	sld [smem:$0x3FAB]  }
0x29: {  	s4 =	sld [smem:$0x3FAD]  }
0x2a: {  	p0 =	seq.s32 s5, $0x0;
	s5 =	sld [smem:$0x3FAE]  }
0x2b: {  	s6 =	sld [smem:$0x3FAF]  }
0x2c: {  	s7 =	sld [smem:$0x3FB0]  }
0x2d: {  	s3 =	simm.s32 $0x108;
	s8 =	sld [smem:$0x3FB1]  }
0x2e: {  	s3 =	simm.s32 @!p0 $0x1082;
	s9 =	sld [smem:$0x3FB2]  }
0x2f: {  	lr =	sadd.s32 s0, s3;
	s0 =	sld [smem:$0x3FA9]  }
0x30: {  	s3 =	sld [smem:$0x3FAC]  }
0x31: {  	[smem:$0x3FB5] =	sst s10  }
0x32: {  	s10 =	sld [smem:$0x3FB3];
	_ =	sdelay $0x3  }
0x33: {  	p0 =	seq.s32 s10, $0x1;
	s10 =	sld [smem:$0x3FB5];
	_ =	sdelay $0x3  }
0x34: {  	[smem:$0x3FB5] =	sst s10  }
0x35: {  	s10 =	sld [smem:$0x3FB4];
	_ =	sdelay $0x3  }
0x36: {  	p1 =	seq.s32 s10, $0x1;
	s10 =	sld [smem:$0x3FB5];
	_ =	sdelay $0x3  }
0x37: {  	[smem:$0x3FB5] =	sst s10  }
0x38: {  	s10 =	sld [smem:$0x3FB6]  }
0x39: {  	_ = 	snop;
	(pc) =	sbr.ind lr, $3  }
0x3a: {  	_ = 	snop  }
0x3b: {  	_ = 	snop  }
0x3c: {  	p2 =	seq.s32 s10, $0x1;
	s10 =	sld [smem:$0x3FB5]  }
0x3d: {  	_ =	shalt  }
0x3e: {  	_ =	shalt  }
0x3f: {  	_ =	shalt  }
0x40: {  	_ =	shalt  }
0x41: {  	_ =	shalt  }
0x42: {  	_ =	shalt  }
0x43: {  	_ =	shalt  }
0x44: {  	_ =	shalt  }
0x45: {  	_ =	shalt  }
0x46: {  	_ =	shalt  }
0x47: {  	_ =	shalt  }
0x48: {  	_ =	shalt  }
0x49: {  	_ =	shalt  }
0x4a: {  	_ =	shalt  }
0x4b: {  	_ =	shalt  }
0x4c: {  	_ =	shalt  }
0x4d: {  	_ =	shalt  }
0x4e: {  	_ =	shalt  }
0x4f: {  	_ =	shalt  }
0x50: {  	_ =	shalt  }
0x51: {  	_ =	shalt  }
0x52: {  	_ =	shalt  }
0x53: {  	_ =	shalt  }
0x54: {  	_ =	shalt  }
0x55: {  	_ =	shalt  }
0x56: {  	_ =	shalt  }
0x57: {  	_ =	shalt  }
0x58: {  	_ =	shalt  }
0x59: {  	_ =	shalt  }
0x5a: {  	_ =	shalt  }
0x5b: {  	_ =	shalt  }
0x5c: {  	_ =	shalt  }
0x5d: {  	_ =	shalt  }
0x5e: {  	_ =	shalt  }
0x5f: {  	_ =	shalt  }
0x60: {  	_ =	shalt  }
0x61: {  	_ =	shalt  }
0x62: {  	_ =	shalt  }
0x63: {  	_ =	shalt  }
0x64: {  	_ =	shalt  }
0x65: {  	_ =	shalt  }
0x66: {  	_ =	shalt  }
0x67: {  	_ =	shalt  }
0x68: {  	_ =	shalt  }
0x69: {  	_ =	shalt  }
0x6a: {  	_ =	shalt  }
0x6b: {  	_ =	shalt  }
0x6c: {  	_ =	shalt  }
0x6d: {  	_ =	shalt  }
0x6e: {  	_ =	shalt  }
0x6f: {  	_ =	shalt  }
0x70: {  	_ =	shalt  }
0x71: {  	_ =	shalt  }
0x72: {  	_ =	shalt  }
0x73: {  	_ =	shalt  }
0x74: {  	_ =	shalt  }
0x75: {  	_ =	shalt  }
0x76: {  	_ =	shalt  }
0x77: {  	_ =	shalt  }
0x78: {  	_ =	shalt  }
0x79: {  	_ =	shalt  }
0x7a: {  	_ =	shalt  }
0x7b: {  	_ =	shalt  }
0x7c: {  	_ =	shalt  }
0x7d: {  	_ =	shalt  }
0x7e: {  	_ =	shalt  }
0x7f: {  	_ =	shalt  }
0x80: {  	_ =	shalt  }
0x81: {  	_ =	shalt  }
0x82: {  	_ =	shalt  }
0x83: {  	_ =	shalt  }
0x84: {  	_ =	shalt  }
0x85: {  	_ =	shalt  }
0x86: {  	_ =	shalt  }
0x87: {  	_ =	shalt  }
.Lfunc_end0:
.L_simem_size_0:
called_computation.2_lowered:
.L_overlay_start_0:
0x88: {  	s2 =	sld [smem:$0x3FD9]  }
0x89: {  	s3 =	sld [smem:$0x3FFE];
	_ =	sdelay $0x1  }
0x8a: {  	s1 =	srdreg.scid  }
0x8b: {  	s0 =	sand.u32 $0x1, s1  }
0x8c: {  	s16 =	sshll.u32 s0, $0xA;
	s2 =	sadd.s32 s3, s2  }
0x8d: {  	s2 =	sadd.s32 s2, s16  }
0x8e: {  	[smem:$0x3FC1] =	sst s2  }
0x8f: {  	_ = 	snop  }
0x90: {  	(tm) =	ssettm $0x1  }
0x91: {  	s17 =	sld [smem:$0x3FFB];
	_ =	sdelay $0x3  }
0x92: {  	_ =	strace s17  }
0x93: {  	s2 =	sld [smem:$0x3FFC];
	_ =	sdelay $0x3  }
0x94: {  	_ =	strace s2  }
0x95: {  	s2 =	sld [smem:$0x3FFD];
	_ =	sdelay $0x3  }
0x96: {  	_ =	strace s2  }
0x97: {  	_ =	strace $0x8FFFFFFF  }
0x98: {  	s18 =	sld [smem:$0x3FDB];
	_ =	sdelay $0x1  }
0x99: {  	s19 =	simm.s32 $_scs_section_size  }
0x9a: {  	s4 =	simm.s32 $_size__tile_overlayer_lowered;
	s5 =	simm.s32 $_tile_overlayer_lowered  }
0x9b: {  	s22 =	simm.s32 $0x1BFF;
	s21 =	sshll.u32 s5, $0x1;
	s2 =	sadd.s32 s19, s18  }
0x9c: {  	s6 =	simm.s32 $0x0;
	s20 =	sshll.u32 s4, $0x1;
	s4 =	sadd.s32 s21, s2  }
0x9d: {  	[timem:s6], [sflag:s22] =	dma.local [hbm:s4], s20  }
0x9e: {  	_ =	swait.ge [sflag:s22], s20  }
0x9f: {  	s3 =	ssub.s32 $0x0, s20;
	[sflag:s22] =	ssyncset.done $0x0  }
0xa0: {  	[sflag:s22] =	ssyncadd.s32 s3;
	_ =	sdelay $0x1  }
0xa1: {  	s23 =	simm.s32 $0x1B8B  }
0xa2: {  	_ =	swait.ge [sflag:s23], $0x1  }
0xa3: {  	[sflag:s23] =	ssyncset.done $0x0  }
0xa4: {  	s25 =	simm.s32 $0x1B8E;
	s24 =	sld [smem:$0x3FFE];
	[sflag:s23] =	ssyncadd.s32 $0xFFFFFFFF  }
0xa5: {  	s26 =	simm.s32 $execute0_lowered;
	[smem:$0x3FD2] =	sst s25  }
0xa6: {  	s4 =	sshll.u32 s26, $0x1;
	_ =	strace $0x8000004C;
	[dreg:$0x1] =	wrdreg $0xFFFFFFFF  }
0xa7: {  	s28 =	simm.s32 $_size_execute0_lowered;
	s2 =	sadd.s32 s2, s4;
	[dreg:$0x0] =	wrdreg $0x0  }
0xa8: {  	s4 =	sshll.u32 s28, $0x1;
	[dreg:$0x2] =	wrdreg s2  }
0xa9: {  	[dreg:$0x3] =	wrdreg s4  }
0xaa: {  	[dreg:$0x4] =	wrdreg $0xC0  }
0xab: {  	_ =	task [dreg:s6], $0x5FFFF  }
0xac: {  	[dreg:$0x1] =	wrdreg $0xFFFFFFFF  }
0xad: {  	[dreg:$0x0] =	wrdreg $0x60  }
0xae: {  	[dreg:$0x2] =	wrdreg s24  }
0xaf: {  	[dreg:$0x3] =	wrdreg $0x70000  }
0xb0: {  	[dreg:$0x4] =	wrdreg $0x9  }
0xb1: {  	_ =	task.clear_ibuf [dreg:s6], $0x5FFFF;
	_ =	strace $0x9000004C  }
0xb2: {  	s29 =	simm.s32 $0x9;
	_ =	strace $0x8000004E  }
0xb3: {  	_ =	swait.ge [sflag:s29], $0x1  }
0xb4: {  	[sflag:s29] =	ssyncadd.s32 $0xFFFFFFFF  }
0xb5: {  	_ =	strace $0x9000004E  }
0xb6: {  	_ =	sfence  }
0xb7: {  	s30 =	sld [smem:$0x0];
	_ =	sdelay $0x2  }
0xb8: {  	s31 =	sshll.u32 s1, $0xD;
	s1 =	sshrl.u32 s1, $0x2  }
0xb9: {  	s3 =	sand.u32 $0x4000, s31;
	s1 =	sadd.s32 s1, s30  }
0xba: {  	s0 =	sor.u32 s3, s0;
	s1 =	sshll.u32 s1, $0x11  }
0xbb: {  	s0 =	sor.u32 s1, s0  }
0xbc: {  	s0 =	sadd.s32 $0x8F2B, s0  }
0xbd: {  	[sflag:s0] =	ssyncadd.remote.s32 $0x1  }
0xbe: {  	_ =	sfence.sel $0xFFFF  }
0xbf: {  	[dreg:$0x0] =	wrdreg $0xFFFFFFFF;
	(pc) =	sbr.abs _section_cstart, $3  }
0xc0: {  	[dreg:$0x1] =	wrdreg $0xFFFFFFFF  }
0xc1: {  	_ =	task.clear_ibuf [dreg:s6], $0x2FFFF;
	_ =	strace $0x9FFFFFFF  }
0xc2: {  	(tm) =	ssettm $0x7FFFFFFF  }
0xc3: {  	_ =	shalt  }
tec
execute0_lowered:
.L_overlay_start_1:
0x0: {  	(tag) =	ssettag $0x1  }
0x1: {  	s8 =	rddreg [dreg:$0x0]  }
0x2: {  	s1 =	rddreg [dreg:$0x1];
	s2 =	srdreg.scid  }
0x3: {  	s0 =	rddreg [dreg:$0x2];
	s11 =	stileid.u32;
	s14 =	simm.s32 $0x5800  }
0x4: {  	s15 =	simm.s32 $0x6000;
	s16 =	simm.s32 $0x6800;
	s17 =	simm.s32 $0x1  }
0x5: {  	s18 =	simm.s32 $0x2;
	s4 =	sand.u32 $0x1, s2;
	s2 =	simm.s32 $0x0  }
0x6: {  	p0 =	sne.s32 s11, $0x0;
	s3 =	sshll.u32 s4, $0x4;
	[smem:$0x7FF] =	sst s2  }
0x7: {  	s6 =	smul.u32 $0x4E20, s4;
	s7 =	ssub.s32 $0x2, s4;
	s4 =	sadd.s32 $0x15600, s8  }
0x8: {  	s12 =	sor.u32 s11, s3;
	_ =	strace $0x8000004D;
	s3 =	sadd.s32 $0x1A600, s8  }
0x9: {  	s31 =	sshrl.u32 s7, $0x1;
	s11 =	sshrl.u32 @!p0 s1, $0x3;
	s5 =	smul.u32 $0x500, s12  }
0xa: {  	s10 =	sadd.s32 s6, s8;
	s13 =	ssub.s32 s7, s31;
	s7 =	sadd.s32 $0x15300, s8  }
0xb: {  	p1 =	seq.s32 s12, $0x1F;
	s12 =	simm.s32 $0x80;
	s9 =	sadd.s32 s5, s8  }
0xc: {  	s8 =	sadd.s32 $0xB500, s8;
	s5 =	sadd.s32 $0xB800, s9;
	s6 =	sadd.s32 $0x1A00, s9  }
0xd: {  	s9 =	sadd.s32 $0x1F600, s10;
	s10 =	smax.u32 s13, $0x1;
	s13 =	simm.s32 $0x5000  }
.LBB2_1:
0xe: {  	s20 =	simm.s32 @!p0 $0x1C03;
	s19 =	simm.s32 @!p0 $0x3  }
0xf: {  	[spmem:s11], [sflag:s20] =	dma.local @!p0 [hbm:s4], $0x4E20  }
0x10: {  	_ =	swait.ge @!p0 [sflag:s19], $0x4E20  }
0x11: {  	[sflag:s19] =	ssyncset.done @!p0 $0x0  }
0x12: {  	s21 =	simm.s32 @p1 $0x0;
	s22 =	simm.s32 @p1 $0x3;
	[sflag:s19] =	ssyncadd.s32 @!p0 $0xFFFFB1E0  }
0x13: {  	[tilespmem:s21], [sflag:$0x3] =	stream.linear.gather @p1 [hbm4b:s7+s21], $0xA00, $0x38;
	[tilespmem:$0x9710] =	vst v63  }
0x14: {  	_ =	swait.ge @p1 [sflag:s22], $0xA00  }
0x15: {  	[sflag:s22] =	ssyncset.done @p1 $0x0  }
0x16: {  	s23 =	simm.s32 @p1 $0x2800;
	[sflag:s22] =	ssyncadd.s32 @p1 $0xFFFFF600  }
0x17: {  	[tilespmem:s23], [sflag:$0x3] =	stream.linear.gather @p1 [hbm4b:s8+s21], $0xA00, $0x38;
	[tilespmem:$0x9710] =	vst v63  }
0x18: {  	_ =	swait.ge @p1 [sflag:s22], $0xA00  }
0x19: {  	[sflag:s22] =	ssyncset.done @p1 $0x0  }
0x1a: {  	s21 =	simm.s32 @!p1 $0x0;
	[sflag:s22] =	ssyncadd.s32 @p1 $0xFFFFF600;
	s22 =	simm.s32 @!p1 $0x3  }
0x1b: {  	[tilespmem:s21], [sflag:$0x3] =	stream.linear.gather @!p1 [hbm4b:s5+s21], $0x2800, $0x38;
	[tilespmem:$0x9710] =	vst v63  }
0x1c: {  	_ =	swait.ge @!p1 [sflag:s22], $0x2800  }
0x1d: {  	[sflag:s22] =	ssyncset.done @!p1 $0x0  }
0x1e: {  	s23 =	simm.s32 @!p1 $0x2800;
	[sflag:s22] =	ssyncadd.s32 @!p1 $0xFFFFD800  }
0x1f: {  	[tilespmem:s23], [sflag:$0x3] =	stream.linear.gather @!p1 [hbm4b:s6+s21], $0x2800, $0x38;
	[tilespmem:$0x9710] =	vst v63  }
0x20: {  	s21 =	simm.s32 @!p1 $0x14  }
0x21: {  	s21 =	simm.s32 @p1 $0x5  }
0x22: {  	s21 =	sshll.u32 s21, $0xB  }
0x23: {  	p3 =	sne.s32 s21, $0x800  }
.Ltmp0:
0x24: {  	_ =	swait.ge @!p1 [sflag:s22], $0x2800;
	(pc) =	sbr.rel @!p3 .LBB2_6-.Ltmp0, $4  }
0x25: {  	[sflag:s22] =	ssyncset.done @!p1 $0x0  }
0x26: {  	[sflag:s22] =	ssyncadd.s32 @!p1 $0xFFFFD800  }
0x27: {  	[bflag:$0x0] =	sbarrier.arrive $0xFFFF  }
0x28: {  	p2 =	por $0x0, $0x0;
	s23 =	simm.s32 $0x0;
	s22 =	simm.s32 $0x800  }
0x29: {  	s23 =	simm.s32 $0x0  }
0x2a: {  	[tilespmem:s13], [sflag:$0x1] =	stream.indirect.gather [hbm4b:s3+s12], $0x10, s23, s12, $0xb8;
	[tilespmem:$0x9710] =	vst v63  }
0x2b: {  	s24 =	simm.s32 $0x80  }
0x2c: {  	[tilespmem:s14], [sflag:$0x1] =	stream.indirect.gather [hbm4b:s3+s12], $0x10, s24, s12, $0xb8;
	[tilespmem:$0x9710] =	vst v63  }
0x2d: {  	s25 =	simm.s32 $0x100  }
0x2e: {  	[tilespmem:s15], [sflag:$0x1] =	stream.indirect.gather [hbm4b:s3+s12], $0x10, s25, s12, $0xb8;
	[tilespmem:$0x9710] =	vst v63  }
0x2f: {  	s26 =	simm.s32 $0x180  }
0x30: {  	[tilespmem:s16], [sflag:$0x1] =	stream.indirect.gather [hbm4b:s3+s12], $0x10, s26, s12, $0xb8;
	[tilespmem:$0x9710] =	vst v63  }
0x31: {  	_ =	swait.ge [sflag:s17], $0x800  }
0x32: {  	[sflag:s17] =	ssyncset.done $0x0  }
0x33: {  	[sflag:s17] =	ssyncadd.s32 $0xFFFFF800  }
0x34: {  	_ =	swait.ge [sflag:s17], $0x800  }
0x35: {  	[sflag:s17] =	ssyncset.done $0x0  }
0x36: {  	[sflag:s17] =	ssyncadd.s32 $0xFFFFF800  }
0x37: {  	_ =	swait.ge [sflag:s17], $0x800  }
0x38: {  	[sflag:s17] =	ssyncset.done $0x0  }
0x39: {  	[sflag:s17] =	ssyncadd.s32 $0xFFFFF800  }
0x3a: {  	_ =	swait.ge [sflag:s17], $0x800  }
0x3b: {  	[sflag:s17] =	ssyncset.done $0x0  }
0x3c: {  	s28 =	simm.s32 $0x2800;
	[sflag:s17] =	ssyncadd.s32 $0xFFFFF800  }
0x3d: {  	[spmem:s1] =	stream.indirect.scatter.add.f32 [tilespmem:s13], [sflag:$0x2], $0x10, s28, s12, $0xb8;
	[tilespmem:$0x9710] =	vst v63  }
0x3e: {  	s29 =	simm.s32 $0x2880  }
0x3f: {  	[spmem:s1] =	stream.indirect.scatter.add.f32 [tilespmem:s14], [sflag:$0x2], $0x10, s29, s12, $0xb8;
	[tilespmem:$0x9710] =	vst v63  }
0x40: {  	s30 =	simm.s32 $0x2900  }
0x41: {  	[spmem:s1] =	stream.indirect.scatter.add.f32 [tilespmem:s15], [sflag:$0x2], $0x10, s30, s12, $0xb8;
	[tilespmem:$0x9710] =	vst v63  }
0x42: {  	s31 =	simm.s32 $0x2980  }
0x43: {  	[spmem:s1] =	stream.indirect.scatter.add.f32 [tilespmem:s16], [sflag:$0x2], $0x10, s31, s12, $0xb8;
	[tilespmem:$0x9710] =	vst v63  }
0x44: {  	_ =	swait.ge [sflag:s18], $0x800  }
0x45: {  	[sflag:s18] =	ssyncset.done $0x0  }
0x46: {  	[sflag:s18] =	ssyncadd.s32 $0xFFFFF800  }
0x47: {  	_ =	swait.ge [sflag:s18], $0x800  }
0x48: {  	[sflag:s18] =	ssyncset.done $0x0  }
0x49: {  	p3 =	sne.s32 s21, $0x1000;
	[sflag:s18] =	ssyncadd.s32 $0xFFFFF800  }
.Ltmp1:
0x4a: {  	_ =	swait.ge [sflag:s18], $0x800;
	(pc) =	sbr.rel @!p3 .LBB2_3-.Ltmp1, $4  }
0x4b: {  	[sflag:s18] =	ssyncset.done $0x0  }
0x4c: {  	[sflag:s18] =	ssyncadd.s32 $0xFFFFF800  }
0x4d: {  	_ =	swait.ge [sflag:s18], $0x800  }
0x4e: {  	p2 =	por $0x1, $0x1;
	s23 =	simm.s32 $0x1000;
	[sflag:s18] =	ssyncset.done $0x0  }
.LBB2_4:
0x4f: {  	s24 =	sshra.s32 s22, $0x2  }
0x50: {  	[sflag:s18] =	ssyncadd.s32 $0xFFFFF800;
	s22 =	smov.u32 s23;
	s23 =	sadd.s32 $0x800, s23  }
0x51: {  	[tilespmem:s13], [sflag:$0x1] =	stream.indirect.gather [hbm4b:s3+s12], $0x10, s24, s12, $0xb8;
	[tilespmem:$0x9710] =	vst v63  }
0x52: {  	p3 =	sne.s32 s21, s23;
	s25 =	sadd.s32 $0x80, s24  }
0x53: {  	[tilespmem:s14], [sflag:$0x1] =	stream.indirect.gather [hbm4b:s3+s12], $0x10, s25, s12, $0xb8;
	[tilespmem:$0x9710] =	vst v63  }
0x54: {  	s25 =	sadd.s32 $0x100, s24  }
0x55: {  	[tilespmem:s15], [sflag:$0x1] =	stream.indirect.gather [hbm4b:s3+s12], $0x10, s25, s12, $0xb8;
	[tilespmem:$0x9710] =	vst v63  }
0x56: {  	s25 =	sadd.s32 $0x180, s24  }
0x57: {  	[tilespmem:s16], [sflag:$0x1] =	stream.indirect.gather [hbm4b:s3+s12], $0x10, s25, s12, $0xb8;
	[tilespmem:$0x9710] =	vst v63  }
0x58: {  	_ =	swait.ge [sflag:s17], $0x800  }
0x59: {  	[sflag:s17] =	ssyncset.done $0x0  }
0x5a: {  	[sflag:s17] =	ssyncadd.s32 $0xFFFFF800  }
0x5b: {  	_ =	swait.ge [sflag:s17], $0x800  }
0x5c: {  	[sflag:s17] =	ssyncset.done $0x0  }
0x5d: {  	[sflag:s17] =	ssyncadd.s32 $0xFFFFF800  }
0x5e: {  	_ =	swait.ge [sflag:s17], $0x800  }
0x5f: {  	[sflag:s17] =	ssyncset.done $0x0  }
0x60: {  	[sflag:s17] =	ssyncadd.s32 $0xFFFFF800  }
0x61: {  	_ =	swait.ge [sflag:s17], $0x800  }
0x62: {  	[sflag:s17] =	ssyncset.done $0x0  }
0x63: {  	s25 =	sadd.s32 $0x2800, s24;
	[sflag:s17] =	ssyncadd.s32 $0xFFFFF800  }
0x64: {  	[spmem:s1] =	stream.indirect.scatter.add.f32 [tilespmem:s13], [sflag:$0x2], $0x10, s25, s12, $0xb8;
	[tilespmem:$0x9710] =	vst v63  }
0x65: {  	s25 =	sadd.s32 $0x2880, s24  }
0x66: {  	[spmem:s1] =	stream.indirect.scatter.add.f32 [tilespmem:s14], [sflag:$0x2], $0x10, s25, s12, $0xb8;
	[tilespmem:$0x9710] =	vst v63  }
0x67: {  	s25 =	sadd.s32 $0x2900, s24  }
0x68: {  	[spmem:s1] =	stream.indirect.scatter.add.f32 [tilespmem:s15], [sflag:$0x2], $0x10, s25, s12, $0xb8;
	[tilespmem:$0x9710] =	vst v63  }
0x69: {  	s24 =	sadd.s32 $0x2980, s24  }
0x6a: {  	[spmem:s1] =	stream.indirect.scatter.add.f32 [tilespmem:s16], [sflag:$0x2], $0x10, s24, s12, $0xb8;
	[tilespmem:$0x9710] =	vst v63  }
0x6b: {  	_ =	swait.ge [sflag:s18], $0x800  }
0x6c: {  	[sflag:s18] =	ssyncset.done $0x0  }
0x6d: {  	[sflag:s18] =	ssyncadd.s32 $0xFFFFF800  }
0x6e: {  	_ =	swait.ge [sflag:s18], $0x800  }
0x6f: {  	[sflag:s18] =	ssyncset.done $0x0  }
0x70: {  	[sflag:s18] =	ssyncadd.s32 $0xFFFFF800  }
.Ltmp2:
0x71: {  	_ =	swait.ge [sflag:s18], $0x800;
	(pc) =	sbr.rel @p3 .LBB2_4-.Ltmp2, $4  }
0x72: {  	[sflag:s18] =	ssyncset.done $0x0  }
0x73: {  	[sflag:s18] =	ssyncadd.s32 $0xFFFFF800  }
0x74: {  	_ =	swait.ge [sflag:s18], $0x800  }
0x75: {  	[sflag:s18] =	ssyncset.done $0x0  }
0x76: {  	s23 =	smov.u32 s22  }
.LBB2_6:
0x77: {  	s21 =	sshra.s32 s23, $0x2;
	[sflag:s18] =	ssyncadd.s32 @p2 $0xFFFFF800  }
0x78: {  	[tilespmem:s13], [sflag:$0x1] =	stream.indirect.gather [hbm4b:s3+s12], $0x10, s21, s12, $0xb8;
	[tilespmem:$0x9710] =	vst v63  }
0x79: {  	s22 =	sadd.s32 $0x80, s21  }
0x7a: {  	[tilespmem:s14], [sflag:$0x1] =	stream.indirect.gather [hbm4b:s3+s12], $0x10, s22, s12, $0xb8;
	[tilespmem:$0x9710] =	vst v63  }
0x7b: {  	s26 =	sadd.s32 $0x100, s21  }
0x7c: {  	[tilespmem:s15], [sflag:$0x1] =	stream.indirect.gather [hbm4b:s3+s12], $0x10, s26, s12, $0xb8;
	[tilespmem:$0x9710] =	vst v63  }
0x7d: {  	s28 =	sadd.s32 $0x180, s21  }
0x7e: {  	[tilespmem:s16], [sflag:$0x1] =	stream.indirect.gather [hbm4b:s3+s12], $0x10, s28, s12, $0xb8;
	[tilespmem:$0x9710] =	vst v63  }
0x7f: {  	_ =	swait.ge [sflag:s17], $0x800  }
0x80: {  	[sflag:s17] =	ssyncset.done $0x0  }
0x81: {  	[sflag:s17] =	ssyncadd.s32 $0xFFFFF800  }
0x82: {  	_ =	swait.ge [sflag:s17], $0x800  }
0x83: {  	[sflag:s17] =	ssyncset.done $0x0  }
0x84: {  	[sflag:s17] =	ssyncadd.s32 $0xFFFFF800  }
0x85: {  	_ =	swait.ge [sflag:s17], $0x800  }
0x86: {  	[sflag:s17] =	ssyncset.done $0x0  }
0x87: {  	[sflag:s17] =	ssyncadd.s32 $0xFFFFF800  }
0x88: {  	_ =	swait.ge [sflag:s17], $0x800  }
0x89: {  	[sflag:s17] =	ssyncset.done $0x0  }
0x8a: {  	s29 =	sadd.s32 $0x2800, s21;
	[sflag:s17] =	ssyncadd.s32 $0xFFFFF800  }
0x8b: {  	[spmem:s1] =	stream.indirect.scatter.add.f32 [tilespmem:s13], [sflag:$0x2], $0x10, s29, s12, $0xb8;
	[tilespmem:$0x9710] =	vst v63  }
0x8c: {  	s30 =	sadd.s32 $0x2880, s21  }
0x8d: {  	[spmem:s1] =	stream.indirect.scatter.add.f32 [tilespmem:s14], [sflag:$0x2], $0x10, s30, s12, $0xb8;
	[tilespmem:$0x9710] =	vst v63  }
0x8e: {  	s31 =	sadd.s32 $0x2900, s21  }
0x8f: {  	[spmem:s1] =	stream.indirect.scatter.add.f32 [tilespmem:s15], [sflag:$0x2], $0x10, s31, s12, $0xb8;
	[tilespmem:$0x9710] =	vst v63  }
0x90: {  	s21 =	sadd.s32 $0x2980, s21  }
0x91: {  	[spmem:s1] =	stream.indirect.scatter.add.f32 [tilespmem:s16], [sflag:$0x2], $0x10, s21, s12, $0xb8;
	[tilespmem:$0x9710] =	vst v63  }
0x92: {  	_ =	swait.ge [sflag:s18], $0x800  }
0x93: {  	[sflag:s18] =	ssyncset.done $0x0  }
0x94: {  	[sflag:s18] =	ssyncadd.s32 $0xFFFFF800  }
0x95: {  	_ =	swait.ge [sflag:s18], $0x800  }
0x96: {  	[sflag:s18] =	ssyncset.done $0x0  }
0x97: {  	[sflag:s18] =	ssyncadd.s32 $0xFFFFF800  }
0x98: {  	_ =	swait.ge [sflag:s18], $0x800  }
0x99: {  	[sflag:s18] =	ssyncset.done $0x0  }
0x9a: {  	[sflag:s18] =	ssyncadd.s32 $0xFFFFF800  }
0x9b: {  	_ =	swait.ge [sflag:s18], $0x800  }
0x9c: {  	[sflag:s18] =	ssyncset.done $0x0  }
0x9d: {  	s2 =	sadd.s32 $0x1, s2;
	[sflag:s18] =	ssyncadd.s32 $0xFFFFF800  }
0x9e: {  	p2 =	sne.s32 s2, s10;
	[bflag:$0x0] =	sbarrier.arrive $0xFFFF  }
0x9f: {  	[hbm:s9], [sflag:s20] =	dma.local @!p0 [spmem:s11], $0x4E20  }
.Ltmp3:
0xa0: {  	_ = 	snop;
	(pc) =	sbr.rel @p2 .LBB2_1-.Ltmp3, $4  }
.Ltmp4:
0xa1: {  	_ = 	snop;
	(pc) =	sbr.rel @!p2 .LBB2_7-.Ltmp4, $4  }
0xa2: {  	_ =	swait.ge @!p0 [sflag:s19], $0x4E20  }
0xa3: {  	[sflag:s19] =	ssyncset.done @!p0 $0x0  }
0xa4: {  	[sflag:s19] =	ssyncadd.s32 @!p0 $0xFFFFB1E0  }
0xa5: {  	_ = 	snop  }
.LBB2_3:
.Ltmp5:
0xa6: {  	(pc) =	sbr.rel .LBB2_6-.Ltmp5, $2  }
0xa7: {  	_ =	sdelay $0x2  }
0xa8: {  	s23 =	simm.s32 $0x800  }
.LBB2_7:
0xa9: {  	_ =	sfence.sel $0x180000  }
0xaa: {  	[bflag:$0x0] =	sbarrier.arrive $0xFFFF  }
0xab: {  	_ =	strace $0x9000004D  }
0xac: {  	s0 =	sadd.s32 @!p0 $0x100000, s0;
	[bflag:$0x2] =	sbarrier.arrive $0xFFFF  }
0xad: {  	[sflag:s0] =	ssyncadd.tile.s32 @!p0 $0x1;
	_ =	shalt  }
.Lfunc_end2:
_tile_overlayer_lowered:
.L_overlay_start_2:
0xae: {  	(tag) =	ssettag $0x2  }
0xaf: {  	s0 =	rddreg [dreg:$0x0];
	s2 =	stileid.u32  }
0xb0: {  	s1 =	rddreg [dreg:$0x1];
	p0 =	sne.s32 s2, $0x0  }
0xb1: {  	s3 =	rddreg [dreg:$0x2];
	[bflag:$0x3] =	sbarrier.arrive $0xFFFF;
	s2 =	simm.s32 @!p0 $0x1C03  }
0xb2: {  	[timem:s3], [sflag:s2] =	dma.local @!p0 [hbm:s0], s1  }
0xb3: {  	s0 =	simm.s32 @!p0 $0x3  }
0xb4: {  	_ =	swait.ge @!p0 [sflag:s0], s1  }
0xb5: {  	s1 =	ssub.s32 @!p0 $0x0, s1;
	[sflag:s0] =	ssyncset.done @!p0 $0x0  }
0xb6: {  	[sflag:s0] =	ssyncadd.s32 @!p0 s1  }
0xb7: {  	[bflag:$0x3] =	sbarrier.arrive $0xFFFF  }
0xb8: {  	_ =	shalt  }

// kernel: kernel.8.cloned.1.call-start
scs
__scs_entry_jumppad:
0x0: {  	(pc) =	sbr.rel $0x88, $3  }
0x1: {  	(tag) =	ssettag $0x0;
	lr =	simm.s32 $0x1  }
0x2: {  	[smem:$0x3F9A] =	sst lr;
	_ =	strace $0xD0000000  }
0x3: {  	_ = 	snop  }
0x4: {  	_ = 	snop  }
0x5: {  	_ = 	snop  }
0x6: {  	_ = 	snop  }
0x7: {  	_ = 	snop  }
__scs_overlays_trampoline_lowered:
0x8: {  	[smem:$0x3FA9] =	sst s0  }
0x9: {  	[smem:$0x3FAA] =	sst s1  }
0xa: {  	[smem:$0x3FAB] =	sst s2  }
0xb: {  	[smem:$0x3FAC] =	sst s3  }
0xc: {  	[smem:$0x3FAD] =	sst s4  }
0xd: {  	[smem:$0x3FAE] =	sst s5  }
0xe: {  	[smem:$0x3FAF] =	sst s6  }
0xf: {  	[smem:$0x3FB0] =	sst s7  }
0x10: {  	[smem:$0x3FB1] =	sst s8  }
0x11: {  	[smem:$0x3FB2] =	sst s9;
	s0 =	simm.s32 @!p0 $0x0  }
0x12: {  	s1 =	sld [smem:$0x3F98];
	s0 =	simm.s32 @p0 $0x1  }
0x13: {  	[smem:$0x3FB3] =	sst s0;
	s0 =	simm.s32 @!p1 $0x0  }
0x14: {  	s2 =	sld [smem:$0x3F97];
	s0 =	simm.s32 @p1 $0x1  }
0x15: {  	[smem:$0x3FB4] =	sst s0;
	s0 =	simm.s32 @!p2 $0x0  }
0x16: {  	s3 =	sld [smem:$0x3FDB];
	s0 =	simm.s32 @p2 $0x1  }
0x17: {  	s4 =	simm.s32 $0x1BF5;
	[smem:$0x3FB6] =	sst s0  }
0x18: {  	s0 =	sld [smem:$0x3F99];
	_ =	swait.ge [sflag:s4], $0x0  }
0x19: {  	s7 =	sld [smem:$0x3F9A]  }
0x1a: {  	s8 =	sadd.s32 $0xFFFFE003, lr  }
0x1b: {  	s9 =	sadd.s32 $0xFFFFFEF7, lr;
	s5 =	simm.s32 $0xFFFFFFFF;
	p2 =	slt.u32 s8, $0xFFFFF086  }
0x1c: {  	p1 =	slt.u32 s9, $0xF7A;
	s5 =	simm.s32 @!p2 $0x0  }
0x1d: {  	s5 =	simm.s32 @p1 $0x1;
	p0 =	seq.s32 s7, s2  }
0x1e: {  	s7 =	smul.u32 @!p0 $0xF7A, s2;
	p2 =	seq.s32 @!p0 s5, $0x0  }
0x1f: {  	s9 =	smul.u32 $0xF7A, s1;
	s8 =	simm.s32 @!p0 $0x1BF5;
	p2 =	por !p2, p0  }
0x20: {  	[sflag:s8] =	ssyncset.s32 @!p0 $0xFFFFF086;
	s6 =	sadd.s32 @!p0 s3, s7;
	s7 =	simm.s32 @!p0 $0x108  }
0x21: {  	s3 =	sadd.s32 s3, s9;
	s6 =	sadd.s32 @!p0 $0x88, s6;
	s7 =	simm.s32 @p2 $0x1082  }
0x22: {  	[simem:s7], [sflag:s8] =	dma.local @!p0 [hbm:s6], $0xF7A  }
0x23: {  	s9 =	sor.u32 $0xD0000000, s2;
	s6 =	simm.s32 $0x108;
	_ =	swait.ge @!p0 [sflag:s8], $0x0  }
0x24: {  	s3 =	sadd.s32 $0x88, s3;
	s6 =	simm.s32 @!p1 $0x1082;
	[sflag:s4] =	ssyncset.s32 $0xFFFFF086  }
0x25: {  	[simem:s6], [sflag:s4] =	dma.local [hbm:s3], $0xF7A  }
0x26: {  	[smem:$0x3F9A] =	sst s1;
	(tag) =	ssettag s2;
	_ =	strace s9  }
0x27: {  	s1 =	sld [smem:$0x3FAA]  }
0x28: {  	s2 =	sld [smem:$0x3FAB]  }
0x29: {  	s4 =	sld [smem:$0x3FAD]  }
0x2a: {  	p0 =	seq.s32 s5, $0x0;
	s5 =	sld [smem:$0x3FAE]  }
0x2b: {  	s6 =	sld [smem:$0x3FAF]  }
0x2c: {  	s7 =	sld [smem:$0x3FB0]  }
0x2d: {  	s3 =	simm.s32 $0x108;
	s8 =	sld [smem:$0x3FB1]  }
0x2e: {  	s3 =	simm.s32 @!p0 $0x1082;
	s9 =	sld [smem:$0x3FB2]  }
0x2f: {  	lr =	sadd.s32 s0, s3;
	s0 =	sld [smem:$0x3FA9]  }
0x30: {  	s3 =	sld [smem:$0x3FAC]  }
0x31: {  	[smem:$0x3FB5] =	sst s10  }
0x32: {  	s10 =	sld [smem:$0x3FB3];
	_ =	sdelay $0x3  }
0x33: {  	p0 =	seq.s32 s10, $0x1;
	s10 =	sld [smem:$0x3FB5];
	_ =	sdelay $0x3  }
0x34: {  	[smem:$0x3FB5] =	sst s10  }
0x35: {  	s10 =	sld [smem:$0x3FB4];
	_ =	sdelay $0x3  }
0x36: {  	p1 =	seq.s32 s10, $0x1;
	s10 =	sld [smem:$0x3FB5];
	_ =	sdelay $0x3  }
0x37: {  	[smem:$0x3FB5] =	sst s10  }
0x38: {  	s10 =	sld [smem:$0x3FB6]  }
0x39: {  	_ = 	snop;
	(pc) =	sbr.ind lr, $3  }
0x3a: {  	_ = 	snop  }
0x3b: {  	_ = 	snop  }
0x3c: {  	p2 =	seq.s32 s10, $0x1;
	s10 =	sld [smem:$0x3FB5]  }
0x3d: {  	_ =	shalt  }
0x3e: {  	_ =	shalt  }
0x3f: {  	_ =	shalt  }
0x40: {  	_ =	shalt  }
0x41: {  	_ =	shalt  }
0x42: {  	_ =	shalt  }
0x43: {  	_ =	shalt  }
0x44: {  	_ =	shalt  }
0x45: {  	_ =	shalt  }
0x46: {  	_ =	shalt  }
0x47: {  	_ =	shalt  }
0x48: {  	_ =	shalt  }
0x49: {  	_ =	shalt  }
0x4a: {  	_ =	shalt  }
0x4b: {  	_ =	shalt  }
0x4c: {  	_ =	shalt  }
0x4d: {  	_ =	shalt  }
0x4e: {  	_ =	shalt  }
0x4f: {  	_ =	shalt  }
0x50: {  	_ =	shalt  }
0x51: {  	_ =	shalt  }
0x52: {  	_ =	shalt  }
0x53: {  	_ =	shalt  }
0x54: {  	_ =	shalt  }
0x55: {  	_ =	shalt  }
0x56: {  	_ =	shalt  }
0x57: {  	_ =	shalt  }
0x58: {  	_ =	shalt  }
0x59: {  	_ =	shalt  }
0x5a: {  	_ =	shalt  }
0x5b: {  	_ =	shalt  }
0x5c: {  	_ =	shalt  }
0x5d: {  	_ =	shalt  }
0x5e: {  	_ =	shalt  }
0x5f: {  	_ =	shalt  }
0x60: {  	_ =	shalt  }
0x61: {  	_ =	shalt  }
0x62: {  	_ =	shalt  }
0x63: {  	_ =	shalt  }
0x64: {  	_ =	shalt  }
0x65: {  	_ =	shalt  }
0x66: {  	_ =	shalt  }
0x67: {  	_ =	shalt  }
0x68: {  	_ =	shalt  }
0x69: {  	_ =	shalt  }
0x6a: {  	_ =	shalt  }
0x6b: {  	_ =	shalt  }
0x6c: {  	_ =	shalt  }
0x6d: {  	_ =	shalt  }
0x6e: {  	_ =	shalt  }
0x6f: {  	_ =	shalt  }
0x70: {  	_ =	shalt  }
0x71: {  	_ =	shalt  }
0x72: {  	_ =	shalt  }
0x73: {  	_ =	shalt  }
0x74: {  	_ =	shalt  }
0x75: {  	_ =	shalt  }
0x76: {  	_ =	shalt  }
0x77: {  	_ =	shalt  }
0x78: {  	_ =	shalt  }
0x79: {  	_ =	shalt  }
0x7a: {  	_ =	shalt  }
0x7b: {  	_ =	shalt  }
0x7c: {  	_ =	shalt  }
0x7d: {  	_ =	shalt  }
0x7e: {  	_ =	shalt  }
0x7f: {  	_ =	shalt  }
0x80: {  	_ =	shalt  }
0x81: {  	_ =	shalt  }
0x82: {  	_ =	shalt  }
0x83: {  	_ =	shalt  }
0x84: {  	_ =	shalt  }
0x85: {  	_ =	shalt  }
0x86: {  	_ =	shalt  }
0x87: {  	_ =	shalt  }
.Lfunc_end0:
.L_simem_size_0:
called_computation_lowered:
.L_overlay_start_0:
0x88: {  	s2 =	sld [smem:$0x3FD9]  }
0x89: {  	s3 =	sld [smem:$0x3FFE];
	_ =	sdelay $0x1  }
0x8a: {  	s1 =	srdreg.scid  }
0x8b: {  	s0 =	sand.u32 $0x1, s1  }
0x8c: {  	s16 =	sshll.u32 s0, $0xA;
	s2 =	sadd.s32 s3, s2  }
0x8d: {  	s2 =	sadd.s32 s2, s16  }
0x8e: {  	[smem:$0x3FC1] =	sst s2  }
0x8f: {  	_ = 	snop  }
0x90: {  	(tm) =	ssettm $0x1  }
0x91: {  	s17 =	sld [smem:$0x3FFB];
	_ =	sdelay $0x3  }
0x92: {  	_ =	strace s17  }
0x93: {  	s2 =	sld [smem:$0x3FFC];
	_ =	sdelay $0x3  }
0x94: {  	_ =	strace s2  }
0x95: {  	s2 =	sld [smem:$0x3FFD];
	_ =	sdelay $0x3  }
0x96: {  	_ =	strace s2  }
0x97: {  	_ =	strace $0x8FFFFFFF  }
0x98: {  	s18 =	sld [smem:$0x3FDB];
	_ =	sdelay $0x1  }
0x99: {  	s19 =	simm.s32 $_scs_section_size  }
0x9a: {  	s4 =	simm.s32 $_size__tile_overlayer_lowered;
	s5 =	simm.s32 $_tile_overlayer_lowered  }
0x9b: {  	s22 =	simm.s32 $0x1BFF;
	s21 =	sshll.u32 s5, $0x1;
	s2 =	sadd.s32 s19, s18  }
0x9c: {  	s6 =	simm.s32 $0x0;
	s20 =	sshll.u32 s4, $0x1;
	s4 =	sadd.s32 s21, s2  }
0x9d: {  	[timem:s6], [sflag:s22] =	dma.local [hbm:s4], s20  }
0x9e: {  	_ =	swait.ge [sflag:s22], s20  }
0x9f: {  	s3 =	ssub.s32 $0x0, s20;
	[sflag:s22] =	ssyncset.done $0x0  }
0xa0: {  	[sflag:s22] =	ssyncadd.s32 s3;
	_ =	sdelay $0x1  }
0xa1: {  	s23 =	simm.s32 $0x1B8B  }
0xa2: {  	_ =	swait.ge [sflag:s23], $0x1  }
0xa3: {  	[sflag:s23] =	ssyncset.done $0x0  }
0xa4: {  	s25 =	simm.s32 $0x1B8E;
	s24 =	sld [smem:$0x3FFE];
	[sflag:s23] =	ssyncadd.s32 $0xFFFFFFFF  }
0xa5: {  	s26 =	simm.s32 $execute0_lowered;
	[smem:$0x3FD2] =	sst s25  }
0xa6: {  	s4 =	sshll.u32 s26, $0x1;
	_ =	strace $0x80000046;
	[dreg:$0x1] =	wrdreg $0xFFFFFFFF  }
0xa7: {  	s28 =	simm.s32 $_size_execute0_lowered;
	s2 =	sadd.s32 s2, s4;
	[dreg:$0x0] =	wrdreg $0x0  }
0xa8: {  	s4 =	sshll.u32 s28, $0x1;
	[dreg:$0x2] =	wrdreg s2  }
0xa9: {  	[dreg:$0x3] =	wrdreg s4  }
0xaa: {  	[dreg:$0x4] =	wrdreg $0xC0  }
0xab: {  	_ =	task [dreg:s6], $0x5FFFF  }
0xac: {  	[dreg:$0x1] =	wrdreg $0xFFFFFFFF  }
0xad: {  	[dreg:$0x0] =	wrdreg $0x60  }
0xae: {  	[dreg:$0x2] =	wrdreg s24  }
0xaf: {  	[dreg:$0x3] =	wrdreg $0x30000  }
0xb0: {  	[dreg:$0x4] =	wrdreg $0x9  }
0xb1: {  	_ =	task.clear_ibuf [dreg:s6], $0x5FFFF;
	_ =	strace $0x90000046  }
0xb2: {  	s29 =	simm.s32 $0x9;
	_ =	strace $0x80000048  }
0xb3: {  	_ =	swait.ge [sflag:s29], $0x1  }
0xb4: {  	[sflag:s29] =	ssyncadd.s32 $0xFFFFFFFF  }
0xb5: {  	_ =	strace $0x90000048  }
0xb6: {  	_ =	sfence  }
0xb7: {  	s30 =	sld [smem:$0x0];
	_ =	sdelay $0x2  }
0xb8: {  	s31 =	sshll.u32 s1, $0xD;
	s1 =	sshrl.u32 s1, $0x2  }
0xb9: {  	s3 =	sand.u32 $0x4000, s31;
	s1 =	sadd.s32 s1, s30  }
0xba: {  	s0 =	sor.u32 s3, s0;
	s1 =	sshll.u32 s1, $0x11  }
0xbb: {  	s0 =	sor.u32 s1, s0  }
0xbc: {  	s0 =	sadd.s32 $0x8F2B, s0  }
0xbd: {  	[sflag:s0] =	ssyncadd.remote.s32 $0x1  }
0xbe: {  	_ =	sfence.sel $0xFFFF  }
0xbf: {  	[dreg:$0x0] =	wrdreg $0xFFFFFFFF;
	(pc) =	sbr.abs _section_cstart, $3  }
0xc0: {  	[dreg:$0x1] =	wrdreg $0xFFFFFFFF  }
0xc1: {  	_ =	task.clear_ibuf [dreg:s6], $0x2FFFF;
	_ =	strace $0x9FFFFFFF  }
0xc2: {  	(tm) =	ssettm $0x7FFFFFFF  }
0xc3: {  	_ =	shalt  }
tec
execute0_lowered:
.L_overlay_start_1:
0x0: {  	(tag) =	ssettag $0x1  }
0x1: {  	s0 =	srdreg.scid;
	s6 =	rddreg [dreg:$0x0]  }
0x2: {  	s1 =	rddreg [dreg:$0x1];
	s7 =	stileid.u32;
	s2 =	simm.s32 $0x0  }
0x3: {  	s13 =	simm.s32 $0x1;
	s3 =	sand.u32 $0x1, s0;
	s0 =	rddreg [dreg:$0x2]  }
0x4: {  	s14 =	simm.s32 $0x0;
	[smem:$0x7FF] =	sst s2;
	p0 =	sne.s32 s7, $0x0  }
0x5: {  	s4 =	sshll.u32 s3, $0x4;
	_ =	strace $0x80000047;
	s5 =	smul.u32 $0x4E20, s3  }
0x6: {  	s8 =	ssub.s32 $0x2, s3;
	s3 =	sadd.s32 $0x15600, s6;
	s10 =	sor.u32 s7, s4  }
0x7: {  	s11 =	sshrl.u32 s8, $0x1;
	s4 =	smul.u32 $0x500, s10;
	s12 =	sadd.s32 s5, s6  }
0x8: {  	s8 =	ssub.s32 s8, s11;
	p1 =	seq.s32 s10, $0x1F;
	s10 =	simm.s32 $0x2800  }
0x9: {  	s11 =	simm.s32 $0x2;
	s7 =	sadd.s32 $0x1A800, s12;
	s8 =	smax.u32 s8, $0x1  }
0xa: {  	s12 =	simm.s32 $0x80;
	s9 =	sadd.s32 s4, s6;
	s4 =	sadd.s32 $0x1A600, s6  }
0xb: {  	s6 =	sadd.s32 $0xB500, s6;
	s5 =	sadd.s32 $0x1A00, s9;
	s9 =	sshrl.u32 @!p0 s1, $0x3  }
.LBB2_1:
0xc: {  	s15 =	simm.s32 @!p0 $0x1C02  }
0xd: {  	[spmem:s9], [sflag:s15] =	dma.local @!p0 [hbm:s3], $0x4E20  }
0xe: {  	s15 =	simm.s32 @!p0 $0x2  }
0xf: {  	_ =	swait.ge @!p0 [sflag:s15], $0x4E20  }
0x10: {  	[sflag:s15] =	ssyncset.done @!p0 $0x0  }
0x11: {  	[sflag:s15] =	ssyncadd.s32 @!p0 $0xFFFFB1E0  }
0x12: {  	[tilespmem:s10], [sflag:$0x2] =	stream.linear.gather [hbm4b:s4+s2], $0x800, $0x38;
	[tilespmem:$0x5710] =	vst v63  }
0x13: {  	_ =	swait.ge [sflag:s11], $0x800  }
0x14: {  	[sflag:s11] =	ssyncset.done $0x0  }
0x15: {  	s15 =	simm.s32 @p1 $0x0;
	[sflag:s11] =	ssyncadd.s32 $0xFFFFF800  }
0x16: {  	[tilespmem:s15], [sflag:$0x2] =	stream.linear.gather @p1 [hbm4b:s6+s15], $0xA00, $0x38;
	[tilespmem:$0x5710] =	vst v63  }
0x17: {  	s15 =	simm.s32 @p1 $0x2  }
0x18: {  	_ =	swait.ge @p1 [sflag:s15], $0xA00  }
0x19: {  	[sflag:s15] =	ssyncset.done @p1 $0x0  }
0x1a: {  	[sflag:s15] =	ssyncadd.s32 @p1 $0xFFFFF600;
	s15 =	simm.s32 @!p1 $0x0  }
0x1b: {  	[tilespmem:s15], [sflag:$0x2] =	stream.linear.gather @!p1 [hbm4b:s5+s15], $0x2800, $0x38;
	[tilespmem:$0x5710] =	vst v63  }
0x1c: {  	s15 =	simm.s32 @!p1 $0x2  }
0x1d: {  	_ =	swait.ge @!p1 [sflag:s15], $0x2800  }
0x1e: {  	[sflag:s15] =	ssyncset.done @!p1 $0x0  }
0x1f: {  	[sflag:s15] =	ssyncadd.s32 @!p1 $0xFFFFD800;
	s15 =	simm.s32 @!p1 $0x50  }
0x20: {  	s15 =	simm.s32 @p1 $0x14  }
0x21: {  	p2 =	sne.s32 s15, $0x1  }
.Ltmp0:
0x22: {  	_ = 	snop;
	(pc) =	sbr.rel @!p2 .LBB2_3-.Ltmp0, $4  }
0x23: {  	_ = 	snop  }
0x24: {  	[bflag:$0x0] =	sbarrier.arrive $0xFFFF  }
0x25: {  	[spmem:s1] =	stream.indirect.scatter.add.f32 [tilespmem:s10], [sflag:$0x1], $0x10, s2, s12, $0xb8;
	[tilespmem:$0x5710] =	vst v63  }
0x26: {  	s17 =	simm.s32 $0x0;
	s16 =	sadd.s32 $0xFFFFFFFF, s15  }
.LBB2_2:
0x27: {  	p3 =	sne.s32 s16, $0x1  }
.Ltmp1:
0x28: {  	_ = 	snop;
	(pc) =	sbr.rel @p3 .LBB2_2-.Ltmp1, $3  }
0x29: {  	_ = 	snop  }
0x2a: {  	s16 =	sadd.s32 $0xFFFFFFFF, s16;
	s17 =	sadd.s32 $0x80, s17;
	_ =	sdelay $0x1  }
0x2b: {  	[spmem:s1] =	stream.indirect.scatter.add.f32 [tilespmem:s10], [sflag:$0x1], $0x10, s17, s12, $0xb8;
	[tilespmem:$0x5710] =	vst v63  }
.LBB2_3:
.Ltmp2:
0x2c: {  	(pc) =	sbr.rel @!p2 .LBB2_5-.Ltmp2, $3  }
0x2d: {  	_ =	sdelay $0x1  }
0x2e: {  	_ =	swait.ge [sflag:s13], $0x800  }
0x2f: {  	s15 =	sadd.s32 $0xFFFFFFFF, s15;
	[sflag:s13] =	ssyncset.done $0x0  }
.LBB2_4:
0x30: {  	p2 =	sne.s32 s15, $0x1;
	s15 =	sadd.s32 $0xFFFFFFFF, s15;
	[sflag:s13] =	ssyncadd.s32 $0xFFFFF800  }
.Ltmp3:
0x31: {  	(pc) =	sbr.rel @p2 .LBB2_4-.Ltmp3, $3  }
0x32: {  	_ =	sdelay $0x1  }
0x33: {  	_ =	swait.ge [sflag:s13], $0x800  }
0x34: {  	[sflag:s13] =	ssyncset.done $0x0  }
.LBB2_5:
0x35: {  	[sflag:s13] =	ssyncadd.s32 $0xFFFFF800;
	s14 =	sadd.s32 $0x1, s14  }
0x36: {  	s15 =	simm.s32 @!p0 $0x1C02;
	[bflag:$0x0] =	sbarrier.arrive $0xFFFF;
	p2 =	sne.s32 s14, s8  }
0x37: {  	[hbm:s7], [sflag:s15] =	dma.local @!p0 [spmem:s9], $0x4E20  }
.Ltmp4:
0x38: {  	_ = 	snop;
	(pc) =	sbr.rel @p2 .LBB2_1-.Ltmp4, $4  }
0x39: {  	s15 =	simm.s32 @!p0 $0x2  }
0x3a: {  	_ =	swait.ge @!p0 [sflag:s15], $0x4E20  }
0x3b: {  	[sflag:s15] =	ssyncset.done @!p0 $0x0  }
0x3c: {  	[sflag:s15] =	ssyncadd.s32 @!p0 $0xFFFFB1E0  }
0x3d: {  	_ =	sfence.sel $0x180000  }
0x3e: {  	[bflag:$0x0] =	sbarrier.arrive $0xFFFF  }
0x3f: {  	_ =	strace $0x90000047  }
0x40: {  	s0 =	sadd.s32 @!p0 $0x100000, s0;
	[bflag:$0x2] =	sbarrier.arrive $0xFFFF  }
0x41: {  	[sflag:s0] =	ssyncadd.tile.s32 @!p0 $0x1;
	_ =	shalt  }
.Lfunc_end2:
_tile_overlayer_lowered:
.L_overlay_start_2:
0x42: {  	(tag) =	ssettag $0x2  }
0x43: {  	s0 =	rddreg [dreg:$0x0];
	s2 =	stileid.u32  }
0x44: {  	s1 =	rddreg [dreg:$0x1];
	p0 =	sne.s32 s2, $0x0  }
0x45: {  	s3 =	rddreg [dreg:$0x2];
	[bflag:$0x3] =	sbarrier.arrive $0xFFFF;
	s2 =	simm.s32 @!p0 $0x1C02  }
0x46: {  	[timem:s3], [sflag:s2] =	dma.local @!p0 [hbm:s0], s1  }
0x47: {  	s0 =	simm.s32 @!p0 $0x2  }
0x48: {  	_ =	swait.ge @!p0 [sflag:s0], s1  }
0x49: {  	s1 =	ssub.s32 @!p0 $0x0, s1;
	[sflag:s0] =	ssyncset.done @!p0 $0x0  }
0x4a: {  	[sflag:s0] =	ssyncadd.s32 @!p0 s1  }
0x4b: {  	[bflag:$0x3] =	sbarrier.arrive $0xFFFF  }
0x4c: {  	_ =	shalt  }

</sc_bundles>
